<compile_context>
chip_gen: v7x
topology: tpu7x:2x2x1
jax: 0.10.2.dev20260603
libtpu: 0.0.44.dev20260713+nightly
codegen_flags: <defaults>
</compile_context>

<pallas_src>
import jax
import jax.numpy as jnp
from jax import lax
from jax.experimental import pallas as pl
from jax.experimental.pallas import tpu as pltpu
from jax.experimental.pallas import tpu_sc as plsc

BATCH = 4
SEQ = 2048
D = 768
LANES = 16
NUM_WORKERS = 32
P = SEQ // NUM_WORKERS
CP = 8
NCHUNK = P // CP
NB = 4
LOOKAHEAD = 3
ROWS = BATCH * CP
VREGS_PER_ROW = D // LANES


def _body(ids_hbm, wte_hbm, wpe_hbm, out_hbm,
          idx_v, gbufs, wbufs, gsem, wsem, ssem, isem):
    wid = lax.axis_index("s") * 2 + lax.axis_index("c")
    pos0 = wid * P

    def wdesc(k, st):
        return pltpu.make_async_copy(
            wpe_hbm.at[pl.ds(pos0 + k * CP, CP)], wbufs.at[st], wsem.at[st])

    def gdesc(k, st, b):
        return pltpu.make_async_copy(
            wte_hbm.at[idx_v.at[b, pl.ds(k * CP, CP)]],
            gbufs.at[st, pl.ds(b * CP, CP)], gsem.at[st])

    def sdesc(k, st, b):
        return pltpu.make_async_copy(
            gbufs.at[st, pl.ds(b * CP, CP)],
            out_hbm.at[b, pl.ds(pos0 + k * CP, CP)], ssem.at[st])

    for k in range(min(LOOKAHEAD, NCHUNK)):
        wdesc(k, k % NB).start()
    idx_copies = [
        pltpu.make_async_copy(
            ids_hbm.at[b, pl.ds(pos0, P)], idx_v.at[b], isem)
        for b in range(BATCH)
    ]
    for h in idx_copies:
        h.start()
    for h in idx_copies:
        h.wait()
    for k in range(min(LOOKAHEAD, NCHUNK)):
        for b in range(BATCH):
            gdesc(k, k % NB, b).start()

    def chunk(k, carry):
        st = jnp.bitwise_and(k, NB - 1)
        wdesc(k, st).wait()
        for b in range(BATCH):
            gdesc(k, st, b).wait()

        def add_row(r, c):
            def add_group(jg, c2):
                for u in range(8):
                    sl = pl.ds((jg * 8 + u) * LANES, LANES)
                    v = wbufs[st, r, sl]
                    for b in range(BATCH):
                        plsc.addupdate(gbufs.at[st, b * CP + r, sl], v)
                return c2

            return lax.fori_loop(0, VREGS_PER_ROW // 8, add_group, c)

        lax.fori_loop(0, CP, add_row, 0)

        for b in range(BATCH):
            sdesc(k, st, b).start()

        nk = k + LOOKAHEAD

        @pl.when(nk < NCHUNK)
        def _():
            pk = k - 1

            @pl.when(pk >= 0)
            def _():
                pst = jnp.bitwise_and(pk, NB - 1)
                for b in range(BATCH):
                    sdesc(pk, pst, b).wait()

            nst = jnp.bitwise_and(nk, NB - 1)
            wdesc(nk, nst).start()
            for b in range(BATCH):
                gdesc(nk, nst, b).start()

        return carry

    lax.fori_loop(0, NCHUNK, chunk, 0)

    for k in range(max(0, NCHUNK - NB), NCHUNK):
        for b in range(BATCH):
            sdesc(k, k % NB, b).wait()


@jax.jit
def _embed(input_ids, wte, wpe):
    mesh = plsc.VectorSubcoreMesh(core_axis_name="c", subcore_axis_name="s")
    return pl.kernel(
        _body,
        out_type=jax.ShapeDtypeStruct((BATCH, SEQ, D), jnp.float32),
        mesh=mesh,
        scratch_types=[
            pltpu.VMEM((BATCH, P), jnp.int32),
            pltpu.VMEM((NB, ROWS, D), jnp.float32),
            pltpu.VMEM((NB, CP, D), jnp.float32),
            pltpu.SemaphoreType.DMA((NB,)),
            pltpu.SemaphoreType.DMA((NB,)),
            pltpu.SemaphoreType.DMA((NB,)),
            pltpu.SemaphoreType.DMA,
        ],
    )(input_ids, wte, wpe)


def kernel(input_ids, wte, wpe):
    return _embed(input_ids, wte, wpe)

# --- scband reference (transcript-rebuilt; emitter-appended) ---
"""Pipeline reference for scband-embeddings-16904991277536 (READ-ONLY COPY).

The authoritative reference and input builder live on the scoring server;
editing this copy changes nothing except your own understanding.
"""

import jax, jax.numpy as jnp
import numpy as np

VOCAB = 50257
N_EMBD = 768
BATCH = 4
SEQ = 2048


def setup_inputs(seed: int = 0) -> dict:
    key = jax.random.key(seed)
    k1, k2, k3 = jax.random.split(key, 3)
    input_ids = jax.random.randint(k1, (BATCH, SEQ), 0, VOCAB, dtype=jnp.int32)
    # NOTE: the original module (faithfully) builds wpe with num_embeddings=vocab_size,
    # so the position table also has VOCAB rows.
    wte = jax.random.normal(k2, (VOCAB, N_EMBD), dtype=jnp.float32) * 0.02
    wpe = jax.random.normal(k3, (VOCAB, N_EMBD), dtype=jnp.float32) * 0.02
    return {"input_ids": input_ids, "wte": wte, "wpe": wpe}


def reference(input_ids, wte, wpe):
    batch_size, seq_len = input_ids.shape
    position_ids = jnp.arange(0, seq_len, dtype=jnp.int32)
    position_ids = jnp.broadcast_to(position_ids[None, :], (batch_size, seq_len))
    token_embeddings = jnp.take(wte, input_ids, axis=0)
    position_embeddings = jnp.take(wpe, position_ids, axis=0)
    embeddings = token_embeddings + position_embeddings
    # Dropout in eval/inference mode is identity.
    return embeddings

if __name__ == "__main__":
    import jax
    _d = setup_inputs()
    print(jax.jit(kernel)(*tuple(_d.values())))

</pallas_src>

<mosaic_0001>
#map = affine_map<(d0, d1) -> (0, 0)>
#map1 = affine_map<(d0, d1) -> (0, 0, 0)>
module attributes {stable_mosaic.version = 14 : i64} {
  func.func @_body(%arg0: i32, %arg1: i32, %arg2: memref<4x2048xi32, #tpu.memory_space<hbm>>, %arg3: memref<50257x768xf32, #tpu.memory_space<hbm>>, %arg4: memref<50257x768xf32, #tpu.memory_space<hbm>>, %arg5: memref<4x2048x768xf32, #tpu.memory_space<hbm>>, %arg6: memref<4x64xi32, #tpu.memory_space<vmem>>, %arg7: memref<4x32x768xf32, #tpu.memory_space<vmem>>, %arg8: memref<4x8x768xf32, #tpu.memory_space<vmem>>, %arg9: memref<4x!tpu.dma_semaphore, #tpu.memory_space<semaphore_mem>>, %arg10: memref<4x!tpu.dma_semaphore, #tpu.memory_space<semaphore_mem>>, %arg11: memref<4x!tpu.dma_semaphore, #tpu.memory_space<semaphore_mem>>, %arg12: memref<!tpu.dma_semaphore, #tpu.memory_space<semaphore_mem>>) attributes {dimension_semantics = [#tpu.dimension_semantics<core_parallel>, #tpu.dimension_semantics<subcore_parallel>], iteration_bounds = array<i64: 2, 16>, scalar_prefetch = 0 : i64, scratch_operands = 7 : i64, tpu.core_type = #tpu.core_type<sc_vector_subcore>, window_params = [{transform_indices = #map}, {transform_indices = #map}, {transform_indices = #map}, {transform_indices = #map1}]} {
    %mul3A = arith.constant 2 : i32
    %mul3A_0 = arith.muli %arg1, %mul3A : i32
    %add3A = arith.addi %mul3A_0, %arg0 : i32
    %mul3A_1 = arith.constant 64 : i32
    %mul3A_2 = arith.muli %add3A, %mul3A_1 : i32
    %add3A_3 = arith.constant 0 : i32
    %add3A_4 = arith.addi %mul3A_2, %add3A_3 : i32
    %dma_start3A = arith.constant 0 : i32
    %dma_start3A_5 = arith.constant 0 : i32
    %dma_start3A_6 = arith.constant 0 : i32
    %dma_start3A_7 = arith.constant 0 : i32
    %dma_start3A_8 = tpu.memref_slice %arg8[%dma_start3A, %dma_start3A_6, %dma_start3A_7] : memref<4x8x768xf32, #tpu.memory_space<vmem>> -> memref<1x8x768xf32, #tpu.memory_space<vmem>>
    %dma_start3A_9 = tpu.memref_squeeze %dma_start3A_8 : memref<1x8x768xf32, #tpu.memory_space<vmem>> -> memref<8x768xf32, #tpu.memory_space<vmem>>
    %dma_start3A_10 = arith.constant 0 : i32
    %dma_start3A_11 = tpu.memref_slice %arg4[%add3A_4, %dma_start3A_10] : memref<50257x768xf32, #tpu.memory_space<hbm>> -> memref<8x768xf32, #tpu.memory_space<hbm>>
    %dma_start3A_12 = tpu.memref_slice %arg10[%dma_start3A_5] : memref<4x!tpu.dma_semaphore, #tpu.memory_space<semaphore_mem>> -> memref<1x!tpu.dma_semaphore, #tpu.memory_space<semaphore_mem>>
    %dma_start3A_13 = tpu.memref_squeeze %dma_start3A_12 : memref<1x!tpu.dma_semaphore, #tpu.memory_space<semaphore_mem>> -> memref<!tpu.dma_semaphore, #tpu.memory_space<semaphore_mem>>
    %dma_start3A_14 = arith.constant 0 : i32
    %dma_start3A_15 = arith.constant 0 : i32
    %dma_start3A_16 = tpu.memref_slice %arg8[%dma_start3A, %dma_start3A_14, %dma_start3A_15] : memref<4x8x768xf32, #tpu.memory_space<vmem>> -> memref<1x8x768xf32, #tpu.memory_space<vmem>>
    %dma_start3A_17 = tpu.memref_squeeze %dma_start3A_16 : memref<1x8x768xf32, #tpu.memory_space<vmem>> -> memref<8x768xf32, #tpu.memory_space<vmem>>
    %dma_start3A_18 = arith.constant 0 : i32
    %dma_start3A_19 = tpu.memref_slice %arg4[%add3A_4, %dma_start3A_18] : memref<50257x768xf32, #tpu.memory_space<hbm>> -> memref<8x768xf32, #tpu.memory_space<hbm>>
    tpu.enqueue_dma source(%dma_start3A_19 : memref<8x768xf32, #tpu.memory_space<hbm>>) target(%dma_start3A_17 : memref<8x768xf32, #tpu.memory_space<vmem>>) target_semaphore(%dma_start3A_13 : memref<!tpu.dma_semaphore, #tpu.memory_space<semaphore_mem>>)
    %add3A_20 = arith.constant 8 : i32
    %add3A_21 = arith.addi %mul3A_2, %add3A_20 : i32
    %dma_start3A_22 = arith.constant 1 : i32
    %dma_start3A_23 = arith.constant 1 : i32
    %dma_start3A_24 = arith.constant 0 : i32
    %dma_start3A_25 = arith.constant 0 : i32
    %dma_start3A_26 = tpu.memref_slice %arg8[%dma_start3A_22, %dma_start3A_24, %dma_start3A_25] : memref<4x8x768xf32, #tpu.memory_space<vmem>> -> memref<1x8x768xf32, #tpu.memory_space<vmem>>
    %dma_start3A_27 = tpu.memref_squeeze %dma_start3A_26 : memref<1x8x768xf32, #tpu.memory_space<vmem>> -> memref<8x768xf32, #tpu.memory_space<vmem>>
    %dma_start3A_28 = arith.constant 0 : i32
    %dma_start3A_29 = tpu.memref_slice %arg4[%add3A_21, %dma_start3A_28] : memref<50257x768xf32, #tpu.memory_space<hbm>> -> memref<8x768xf32, #tpu.memory_space<hbm>>
    %dma_start3A_30 = tpu.memref_slice %arg10[%dma_start3A_23] : memref<4x!tpu.dma_semaphore, #tpu.memory_space<semaphore_mem>> -> memref<1x!tpu.dma_semaphore, #tpu.memory_space<semaphore_mem>>
    %dma_start3A_31 = tpu.memref_squeeze %dma_start3A_30 : memref<1x!tpu.dma_semaphore, #tpu.memory_space<semaphore_mem>> -> memref<!tpu.dma_semaphore, #tpu.memory_space<semaphore_mem>>
    %dma_start3A_32 = arith.constant 0 : i32
    %dma_start3A_33 = arith.constant 0 : i32
    %dma_start3A_34 = tpu.memref_slice %arg8[%dma_start3A_22, %dma_start3A_32, %dma_start3A_33] : memref<4x8x768xf32, #tpu.memory_space<vmem>> -> memref<1x8x768xf32, #tpu.memory_space<vmem>>
    %dma_start3A_35 = tpu.memref_squeeze %dma_start3A_34 : memref<1x8x768xf32, #tpu.memory_space<vmem>> -> memref<8x768xf32, #tpu.memory_space<vmem>>
    %dma_start3A_36 = arith.constant 0 : i32
    %dma_start3A_37 = tpu.memref_slice %arg4[%add3A_21, %dma_start3A_36] : memref<50257x768xf32, #tpu.memory_space<hbm>> -> memref<8x768xf32, #tpu.memory_space<hbm>>
    tpu.enqueue_dma source(%dma_start3A_37 : memref<8x768xf32, #tpu.memory_space<hbm>>) target(%dma_start3A_35 : memref<8x768xf32, #tpu.memory_space<vmem>>) target_semaphore(%dma_start3A_31 : memref<!tpu.dma_semaphore, #tpu.memory_space<semaphore_mem>>)
    %add3A_38 = arith.constant 16 : i32
    %add3A_39 = arith.addi %mul3A_2, %add3A_38 : i32
    %dma_start3A_40 = arith.constant 2 : i32
    %dma_start3A_41 = arith.constant 2 : i32
    %dma_start3A_42 = arith.constant 0 : i32
    %dma_start3A_43 = arith.constant 0 : i32
    %dma_start3A_44 = tpu.memref_slice %arg8[%dma_start3A_40, %dma_start3A_42, %dma_start3A_43] : memref<4x8x768xf32, #tpu.memory_space<vmem>> -> memref<1x8x768xf32, #tpu.memory_space<vmem>>
    %dma_start3A_45 = tpu.memref_squeeze %dma_start3A_44 : memref<1x8x768xf32, #tpu.memory_space<vmem>> -> memref<8x768xf32, #tpu.memory_space<vmem>>
    %dma_start3A_46 = arith.constant 0 : i32
    %dma_start3A_47 = tpu.memref_slice %arg4[%add3A_39, %dma_start3A_46] : memref<50257x768xf32, #tpu.memory_space<hbm>> -> memref<8x768xf32, #tpu.memory_space<hbm>>
    %dma_start3A_48 = tpu.memref_slice %arg10[%dma_start3A_41] : memref<4x!tpu.dma_semaphore, #tpu.memory_space<semaphore_mem>> -> memref<1x!tpu.dma_semaphore, #tpu.memory_space<semaphore_mem>>
    %dma_start3A_49 = tpu.memref_squeeze %dma_start3A_48 : memref<1x!tpu.dma_semaphore, #tpu.memory_space<semaphore_mem>> -> memref<!tpu.dma_semaphore, #tpu.memory_space<semaphore_mem>>
    %dma_start3A_50 = arith.constant 0 : i32
    %dma_start3A_51 = arith.constant 0 : i32
    %dma_start3A_52 = tpu.memref_slice %arg8[%dma_start3A_40, %dma_start3A_50, %dma_start3A_51] : memref<4x8x768xf32, #tpu.memory_space<vmem>> -> memref<1x8x768xf32, #tpu.memory_space<vmem>>
    %dma_start3A_53 = tpu.memref_squeeze %dma_start3A_52 : memref<1x8x768xf32, #tpu.memory_space<vmem>> -> memref<8x768xf32, #tpu.memory_space<vmem>>
    %dma_start3A_54 = arith.constant 0 : i32
    %dma_start3A_55 = tpu.memref_slice %arg4[%add3A_39, %dma_start3A_54] : memref<50257x768xf32, #tpu.memory_space<hbm>> -> memref<8x768xf32, #tpu.memory_space<hbm>>
    tpu.enqueue_dma source(%dma_start3A_55 : memref<8x768xf32, #tpu.memory_space<hbm>>) target(%dma_start3A_53 : memref<8x768xf32, #tpu.memory_space<vmem>>) target_semaphore(%dma_start3A_49 : memref<!tpu.dma_semaphore, #tpu.memory_space<semaphore_mem>>)
    %dma_start3A_56 = arith.constant 0 : i32
    %dma_start3A_57 = arith.constant 0 : i32
    %dma_start3A_58 = arith.constant 0 : i32
    %dma_start3A_59 = tpu.memref_slice %arg6[%dma_start3A_57, %dma_start3A_58] : memref<4x64xi32, #tpu.memory_space<vmem>> -> memref<1x64xi32, #tpu.memory_space<vmem>>
    %dma_start3A_60 = tpu.memref_squeeze %dma_start3A_59 : memref<1x64xi32, #tpu.memory_space<vmem>> -> memref<64xi32, #tpu.memory_space<vmem>>
    %dma_start3A_61 = tpu.memref_slice %arg2[%dma_start3A_56, %mul3A_2] : memref<4x2048xi32, #tpu.memory_space<hbm>> -> memref<1x64xi32, #tpu.memory_space<hbm>>
    %dma_start3A_62 = tpu.memref_squeeze %dma_start3A_61 : memref<1x64xi32, #tpu.memory_space<hbm>> -> memref<64xi32, #tpu.memory_space<hbm>>
    %dma_start3A_63 = arith.constant 0 : i32
    %dma_start3A_64 = tpu.memref_slice %arg6[%dma_start3A_57, %dma_start3A_63] : memref<4x64xi32, #tpu.memory_space<vmem>> -> memref<1x64xi32, #tpu.memory_space<vmem>>
    %dma_start3A_65 = tpu.memref_squeeze %dma_start3A_64 : memref<1x64xi32, #tpu.memory_space<vmem>> -> memref<64xi32, #tpu.memory_space<vmem>>
    %dma_start3A_66 = tpu.memref_slice %arg2[%dma_start3A_56, %mul3A_2] : memref<4x2048xi32, #tpu.memory_space<hbm>> -> memref<1x64xi32, #tpu.memory_space<hbm>>
    %dma_start3A_67 = tpu.memref_squeeze %dma_start3A_66 : memref<1x64xi32, #tpu.memory_space<hbm>> -> memref<64xi32, #tpu.memory_space<hbm>>
    tpu.enqueue_dma source(%dma_start3A_67 : memref<64xi32, #tpu.memory_space<hbm>>) target(%dma_start3A_65 : memref<64xi32, #tpu.memory_space<vmem>>) target_semaphore(%arg12 : memref<!tpu.dma_semaphore, #tpu.memory_space<semaphore_mem>>)
    %dma_start3A_68 = arith.constant 1 : i32
    %dma_start3A_69 = arith.constant 1 : i32
    %dma_start3A_70 = arith.constant 0 : i32
    %dma_start3A_71 = tpu.memref_slice %arg6[%dma_start3A_69, %dma_start3A_70] : memref<4x64xi32, #tpu.memory_space<vmem>> -> memref<1x64xi32, #tpu.memory_space<vmem>>
    %dma_start3A_72 = tpu.memref_squeeze %dma_start3A_71 : memref<1x64xi32, #tpu.memory_space<vmem>> -> memref<64xi32, #tpu.memory_space<vmem>>
    %dma_start3A_73 = tpu.memref_slice %arg2[%dma_start3A_68, %mul3A_2] : memref<4x2048xi32, #tpu.memory_space<hbm>> -> memref<1x64xi32, #tpu.memory_space<hbm>>
    %dma_start3A_74 = tpu.memref_squeeze %dma_start3A_73 : memref<1x64xi32, #tpu.memory_space<hbm>> -> memref<64xi32, #tpu.memory_space<hbm>>
    %dma_start3A_75 = arith.constant 0 : i32
    %dma_start3A_76 = tpu.memref_slice %arg6[%dma_start3A_69, %dma_start3A_75] : memref<4x64xi32, #tpu.memory_space<vmem>> -> memref<1x64xi32, #tpu.memory_space<vmem>>
    %dma_start3A_77 = tpu.memref_squeeze %dma_start3A_76 : memref<1x64xi32, #tpu.memory_space<vmem>> -> memref<64xi32, #tpu.memory_space<vmem>>
    %dma_start3A_78 = tpu.memref_slice %arg2[%dma_start3A_68, %mul3A_2] : memref<4x2048xi32, #tpu.memory_space<hbm>> -> memref<1x64xi32, #tpu.memory_space<hbm>>
    %dma_start3A_79 = tpu.memref_squeeze %dma_start3A_78 : memref<1x64xi32, #tpu.memory_space<hbm>> -> memref<64xi32, #tpu.memory_space<hbm>>
    tpu.enqueue_dma source(%dma_start3A_79 : memref<64xi32, #tpu.memory_space<hbm>>) target(%dma_start3A_77 : memref<64xi32, #tpu.memory_space<vmem>>) target_semaphore(%arg12 : memref<!tpu.dma_semaphore, #tpu.memory_space<semaphore_mem>>)
    %dma_start3A_80 = arith.constant 2 : i32
    %dma_start3A_81 = arith.constant 2 : i32
    %dma_start3A_82 = arith.constant 0 : i32
    %dma_start3A_83 = tpu.memref_slice %arg6[%dma_start3A_81, %dma_start3A_82] : memref<4x64xi32, #tpu.memory_space<vmem>> -> memref<1x64xi32, #tpu.memory_space<vmem>>
    %dma_start3A_84 = tpu.memref_squeeze %dma_start3A_83 : memref<1x64xi32, #tpu.memory_space<vmem>> -> memref<64xi32, #tpu.memory_space<vmem>>
    %dma_start3A_85 = tpu.memref_slice %arg2[%dma_start3A_80, %mul3A_2] : memref<4x2048xi32, #tpu.memory_space<hbm>> -> memref<1x64xi32, #tpu.memory_space<hbm>>
    %dma_start3A_86 = tpu.memref_squeeze %dma_start3A_85 : memref<1x64xi32, #tpu.memory_space<hbm>> -> memref<64xi32, #tpu.memory_space<hbm>>
    %dma_start3A_87 = arith.constant 0 : i32
    %dma_start3A_88 = tpu.memref_slice %arg6[%dma_start3A_81, %dma_start3A_87] : memref<4x64xi32, #tpu.memory_space<vmem>> -> memref<1x64xi32, #tpu.memory_space<vmem>>
    %dma_start3A_89 = tpu.memref_squeeze %dma_start3A_88 : memref<1x64xi32, #tpu.memory_space<vmem>> -> memref<64xi32, #tpu.memory_space<vmem>>
    %dma_start3A_90 = tpu.memref_slice %arg2[%dma_start3A_80, %mul3A_2] : memref<4x2048xi32, #tpu.memory_space<hbm>> -> memref<1x64xi32, #tpu.memory_space<hbm>>
    %dma_start3A_91 = tpu.memref_squeeze %dma_start3A_90 : memref<1x64xi32, #tpu.memory_space<hbm>> -> memref<64xi32, #tpu.memory_space<hbm>>
    tpu.enqueue_dma source(%dma_start3A_91 : memref<64xi32, #tpu.memory_space<hbm>>) target(%dma_start3A_89 : memref<64xi32, #tpu.memory_space<vmem>>) target_semaphore(%arg12 : memref<!tpu.dma_semaphore, #tpu.memory_space<semaphore_mem>>)
    %dma_start3A_92 = arith.constant 3 : i32
    %dma_start3A_93 = arith.constant 3 : i32
    %dma_start3A_94 = arith.constant 0 : i32
    %dma_start3A_95 = tpu.memref_slice %arg6[%dma_start3A_93, %dma_start3A_94] : memref<4x64xi32, #tpu.memory_space<vmem>> -> memref<1x64xi32, #tpu.memory_space<vmem>>
    %dma_start3A_96 = tpu.memref_squeeze %dma_start3A_95 : memref<1x64xi32, #tpu.memory_space<vmem>> -> memref<64xi32, #tpu.memory_space<vmem>>
    %dma_start3A_97 = tpu.memref_slice %arg2[%dma_start3A_92, %mul3A_2] : memref<4x2048xi32, #tpu.memory_space<hbm>> -> memref<1x64xi32, #tpu.memory_space<hbm>>
    %dma_start3A_98 = tpu.memref_squeeze %dma_start3A_97 : memref<1x64xi32, #tpu.memory_space<hbm>> -> memref<64xi32, #tpu.memory_space<hbm>>
    %dma_start3A_99 = arith.constant 0 : i32
    %dma_start3A_100 = tpu.memref_slice %arg6[%dma_start3A_93, %dma_start3A_99] : memref<4x64xi32, #tpu.memory_space<vmem>> -> memref<1x64xi32, #tpu.memory_space<vmem>>
    %dma_start3A_101 = tpu.memref_squeeze %dma_start3A_100 : memref<1x64xi32, #tpu.memory_space<vmem>> -> memref<64xi32, #tpu.memory_space<vmem>>
    %dma_start3A_102 = tpu.memref_slice %arg2[%dma_start3A_92, %mul3A_2] : memref<4x2048xi32, #tpu.memory_space<hbm>> -> memref<1x64xi32, #tpu.memory_space<hbm>>
    %dma_start3A_103 = tpu.memref_squeeze %dma_start3A_102 : memref<1x64xi32, #tpu.memory_space<hbm>> -> memref<64xi32, #tpu.memory_space<hbm>>
    tpu.enqueue_dma source(%dma_start3A_103 : memref<64xi32, #tpu.memory_space<hbm>>) target(%dma_start3A_101 : memref<64xi32, #tpu.memory_space<vmem>>) target_semaphore(%arg12 : memref<!tpu.dma_semaphore, #tpu.memory_space<semaphore_mem>>)
    %dma_wait3A = arith.constant 0 : i32
    %dma_wait3A_104 = arith.constant 0 : i32
    %dma_wait3A_105 = arith.constant 0 : i32
    %dma_wait3A_106 = tpu.memref_slice %arg6[%dma_wait3A_104, %dma_wait3A_105] : memref<4x64xi32, #tpu.memory_space<vmem>> -> memref<1x64xi32, #tpu.memory_space<vmem>>
    %dma_wait3A_107 = tpu.memref_squeeze %dma_wait3A_106 : memref<1x64xi32, #tpu.memory_space<vmem>> -> memref<64xi32, #tpu.memory_space<vmem>>
    %dma_wait3A_108 = tpu.memref_slice %arg2[%dma_wait3A, %mul3A_2] : memref<4x2048xi32, #tpu.memory_space<hbm>> -> memref<1x64xi32, #tpu.memory_space<hbm>>
    %dma_wait3A_109 = tpu.memref_squeeze %dma_wait3A_108 : memref<1x64xi32, #tpu.memory_space<hbm>> -> memref<64xi32, #tpu.memory_space<hbm>>
    %dma_wait3A_110 = arith.constant 0 : i32
    %dma_wait3A_111 = tpu.memref_slice %arg6[%dma_wait3A_104, %dma_wait3A_110] : memref<4x64xi32, #tpu.memory_space<vmem>> -> memref<1x64xi32, #tpu.memory_space<vmem>>
    %dma_wait3A_112 = tpu.memref_squeeze %dma_wait3A_111 : memref<1x64xi32, #tpu.memory_space<vmem>> -> memref<64xi32, #tpu.memory_space<vmem>>
    %dma_wait3A_113 = tpu.memref_slice %arg2[%dma_wait3A, %mul3A_2] : memref<4x2048xi32, #tpu.memory_space<hbm>> -> memref<1x64xi32, #tpu.memory_space<hbm>>
    %dma_wait3A_114 = tpu.memref_squeeze %dma_wait3A_113 : memref<1x64xi32, #tpu.memory_space<hbm>> -> memref<64xi32, #tpu.memory_space<hbm>>
    tpu.wait_dma2 semaphore(%arg12 : memref<!tpu.dma_semaphore, #tpu.memory_space<semaphore_mem>>) src(%dma_wait3A_114 : memref<64xi32, #tpu.memory_space<hbm>>) dst(%dma_wait3A_112 : memref<64xi32, #tpu.memory_space<vmem>>)
    %dma_wait3A_115 = arith.constant 1 : i32
    %dma_wait3A_116 = arith.constant 1 : i32
    %dma_wait3A_117 = arith.constant 0 : i32
    %dma_wait3A_118 = tpu.memref_slice %arg6[%dma_wait3A_116, %dma_wait3A_117] : memref<4x64xi32, #tpu.memory_space<vmem>> -> memref<1x64xi32, #tpu.memory_space<vmem>>
    %dma_wait3A_119 = tpu.memref_squeeze %dma_wait3A_118 : memref<1x64xi32, #tpu.memory_space<vmem>> -> memref<64xi32, #tpu.memory_space<vmem>>
    %dma_wait3A_120 = tpu.memref_slice %arg2[%dma_wait3A_115, %mul3A_2] : memref<4x2048xi32, #tpu.memory_space<hbm>> -> memref<1x64xi32, #tpu.memory_space<hbm>>
    %dma_wait3A_121 = tpu.memref_squeeze %dma_wait3A_120 : memref<1x64xi32, #tpu.memory_space<hbm>> -> memref<64xi32, #tpu.memory_space<hbm>>
    %dma_wait3A_122 = arith.constant 0 : i32
    %dma_wait3A_123 = tpu.memref_slice %arg6[%dma_wait3A_116, %dma_wait3A_122] : memref<4x64xi32, #tpu.memory_space<vmem>> -> memref<1x64xi32, #tpu.memory_space<vmem>>
    %dma_wait3A_124 = tpu.memref_squeeze %dma_wait3A_123 : memref<1x64xi32, #tpu.memory_space<vmem>> -> memref<64xi32, #tpu.memory_space<vmem>>
    %dma_wait3A_125 = tpu.memref_slice %arg2[%dma_wait3A_115, %mul3A_2] : memref<4x2048xi32, #tpu.memory_space<hbm>> -> memref<1x64xi32, #tpu.memory_space<hbm>>
    %dma_wait3A_126 = tpu.memref_squeeze %dma_wait3A_125 : memref<1x64xi32, #tpu.memory_space<hbm>> -> memref<64xi32, #tpu.memory_space<hbm>>
    tpu.wait_dma2 semaphore(%arg12 : memref<!tpu.dma_semaphore, #tpu.memory_space<semaphore_mem>>) src(%dma_wait3A_126 : memref<64xi32, #tpu.memory_space<hbm>>) dst(%dma_wait3A_124 : memref<64xi32, #tpu.memory_space<vmem>>)
    %dma_wait3A_127 = arith.constant 2 : i32
    %dma_wait3A_128 = arith.constant 2 : i32
    %dma_wait3A_129 = arith.constant 0 : i32
    %dma_wait3A_130 = tpu.memref_slice %arg6[%dma_wait3A_128, %dma_wait3A_129] : memref<4x64xi32, #tpu.memory_space<vmem>> -> memref<1x64xi32, #tpu.memory_space<vmem>>
    %dma_wait3A_131 = tpu.memref_squeeze %dma_wait3A_130 : memref<1x64xi32, #tpu.memory_space<vmem>> -> memref<64xi32, #tpu.memory_space<vmem>>
    %dma_wait3A_132 = tpu.memref_slice %arg2[%dma_wait3A_127, %mul3A_2] : memref<4x2048xi32, #tpu.memory_space<hbm>> -> memref<1x64xi32, #tpu.memory_space<hbm>>
    %dma_wait3A_133 = tpu.memref_squeeze %dma_wait3A_132 : memref<1x64xi32, #tpu.memory_space<hbm>> -> memref<64xi32, #tpu.memory_space<hbm>>
    %dma_wait3A_134 = arith.constant 0 : i32
    %dma_wait3A_135 = tpu.memref_slice %arg6[%dma_wait3A_128, %dma_wait3A_134] : memref<4x64xi32, #tpu.memory_space<vmem>> -> memref<1x64xi32, #tpu.memory_space<vmem>>
    %dma_wait3A_136 = tpu.memref_squeeze %dma_wait3A_135 : memref<1x64xi32, #tpu.memory_space<vmem>> -> memref<64xi32, #tpu.memory_space<vmem>>
    %dma_wait3A_137 = tpu.memref_slice %arg2[%dma_wait3A_127, %mul3A_2] : memref<4x2048xi32, #tpu.memory_space<hbm>> -> memref<1x64xi32, #tpu.memory_space<hbm>>
    %dma_wait3A_138 = tpu.memref_squeeze %dma_wait3A_137 : memref<1x64xi32, #tpu.memory_space<hbm>> -> memref<64xi32, #tpu.memory_space<hbm>>
    tpu.wait_dma2 semaphore(%arg12 : memref<!tpu.dma_semaphore, #tpu.memory_space<semaphore_mem>>) src(%dma_wait3A_138 : memref<64xi32, #tpu.memory_space<hbm>>) dst(%dma_wait3A_136 : memref<64xi32, #tpu.memory_space<vmem>>)
    %dma_wait3A_139 = arith.constant 3 : i32
    %dma_wait3A_140 = arith.constant 3 : i32
    %dma_wait3A_141 = arith.constant 0 : i32
    %dma_wait3A_142 = tpu.memref_slice %arg6[%dma_wait3A_140, %dma_wait3A_141] : memref<4x64xi32, #tpu.memory_space<vmem>> -> memref<1x64xi32, #tpu.memory_space<vmem>>
    %dma_wait3A_143 = tpu.memref_squeeze %dma_wait3A_142 : memref<1x64xi32, #tpu.memory_space<vmem>> -> memref<64xi32, #tpu.memory_space<vmem>>
    %dma_wait3A_144 = tpu.memref_slice %arg2[%dma_wait3A_139, %mul3A_2] : memref<4x2048xi32, #tpu.memory_space<hbm>> -> memref<1x64xi32, #tpu.memory_space<hbm>>
    %dma_wait3A_145 = tpu.memref_squeeze %dma_wait3A_144 : memref<1x64xi32, #tpu.memory_space<hbm>> -> memref<64xi32, #tpu.memory_space<hbm>>
    %dma_wait3A_146 = arith.constant 0 : i32
    %dma_wait3A_147 = tpu.memref_slice %arg6[%dma_wait3A_140, %dma_wait3A_146] : memref<4x64xi32, #tpu.memory_space<vmem>> -> memref<1x64xi32, #tpu.memory_space<vmem>>
    %dma_wait3A_148 = tpu.memref_squeeze %dma_wait3A_147 : memref<1x64xi32, #tpu.memory_space<vmem>> -> memref<64xi32, #tpu.memory_space<vmem>>
    %dma_wait3A_149 = tpu.memref_slice %arg2[%dma_wait3A_139, %mul3A_2] : memref<4x2048xi32, #tpu.memory_space<hbm>> -> memref<1x64xi32, #tpu.memory_space<hbm>>
    %dma_wait3A_150 = tpu.memref_squeeze %dma_wait3A_149 : memref<1x64xi32, #tpu.memory_space<hbm>> -> memref<64xi32, #tpu.memory_space<hbm>>
    tpu.wait_dma2 semaphore(%arg12 : memref<!tpu.dma_semaphore, #tpu.memory_space<semaphore_mem>>) src(%dma_wait3A_150 : memref<64xi32, #tpu.memory_space<hbm>>) dst(%dma_wait3A_148 : memref<64xi32, #tpu.memory_space<vmem>>)
    %dma_start3A_151 = arith.constant 0 : i32
    %dma_start3A_152 = arith.constant 0 : i32
    %dma_start3A_153 = arith.constant 0 : i32
    %dma_start3A_154 = arith.constant 0 : i32
    %dma_start3A_155 = arith.constant 0 : i32
    %dma_start3A_156 = tpu.memref_slice %arg7[%dma_start3A_152, %dma_start3A_154, %dma_start3A_155] : memref<4x32x768xf32, #tpu.memory_space<vmem>> -> memref<1x8x768xf32, #tpu.memory_space<vmem>>
    %dma_start3A_157 = tpu.memref_squeeze %dma_start3A_156 : memref<1x8x768xf32, #tpu.memory_space<vmem>> -> memref<8x768xf32, #tpu.memory_space<vmem>>
    %dma_start3A_158 = arith.constant 0 : i32
    %dma_start3A_159 = tpu.memref_slice %arg6[%dma_start3A_151, %dma_start3A_158] : memref<4x64xi32, #tpu.memory_space<vmem>> -> memref<1x8xi32, #tpu.memory_space<vmem>>
    %dma_start3A_160 = tpu.memref_squeeze %dma_start3A_159 : memref<1x8xi32, #tpu.memory_space<vmem>> -> memref<8xi32, #tpu.memory_space<vmem>>
    %dma_start3A_161 = arith.constant 0 : i32
    %dma_start3A_162 = arith.constant 0 : i32
    %dma_start3A_163 = tpu.memref_slice %arg3[%dma_start3A_161, %dma_start3A_162] : memref<50257x768xf32, #tpu.memory_space<hbm>> -> memref<50257x768xf32, #tpu.memory_space<hbm>>
    %dma_start3A_164 = tpu.memref_slice %arg9[%dma_start3A_153] : memref<4x!tpu.dma_semaphore, #tpu.memory_space<semaphore_mem>> -> memref<1x!tpu.dma_semaphore, #tpu.memory_space<semaphore_mem>>
    %dma_start3A_165 = tpu.memref_squeeze %dma_start3A_164 : memref<1x!tpu.dma_semaphore, #tpu.memory_space<semaphore_mem>> -> memref<!tpu.dma_semaphore, #tpu.memory_space<semaphore_mem>>
    tpu.enqueue_indirect_dma source(%dma_start3A_163 : memref<50257x768xf32, #tpu.memory_space<hbm>>) target(%dma_start3A_157 : memref<8x768xf32, #tpu.memory_space<vmem>>) offsets(%dma_start3A_160 : memref<8xi32, #tpu.memory_space<vmem>>) semaphore(%dma_start3A_165 : memref<!tpu.dma_semaphore, #tpu.memory_space<semaphore_mem>>)
    %dma_start3A_166 = arith.constant 1 : i32
    %dma_start3A_167 = arith.constant 0 : i32
    %dma_start3A_168 = arith.constant 0 : i32
    %dma_start3A_169 = arith.constant 8 : i32
    %dma_start3A_170 = arith.constant 0 : i32
    %dma_start3A_171 = tpu.memref_slice %arg7[%dma_start3A_167, %dma_start3A_169, %dma_start3A_170] : memref<4x32x768xf32, #tpu.memory_space<vmem>> -> memref<1x8x768xf32, #tpu.memory_space<vmem>>
    %dma_start3A_172 = tpu.memref_squeeze %dma_start3A_171 : memref<1x8x768xf32, #tpu.memory_space<vmem>> -> memref<8x768xf32, #tpu.memory_space<vmem>>
    %dma_start3A_173 = arith.constant 0 : i32
    %dma_start3A_174 = tpu.memref_slice %arg6[%dma_start3A_166, %dma_start3A_173] : memref<4x64xi32, #tpu.memory_space<vmem>> -> memref<1x8xi32, #tpu.memory_space<vmem>>
    %dma_start3A_175 = tpu.memref_squeeze %dma_start3A_174 : memref<1x8xi32, #tpu.memory_space<vmem>> -> memref<8xi32, #tpu.memory_space<vmem>>
    %dma_start3A_176 = arith.constant 0 : i32
    %dma_start3A_177 = arith.constant 0 : i32
    %dma_start3A_178 = tpu.memref_slice %arg3[%dma_start3A_176, %dma_start3A_177] : memref<50257x768xf32, #tpu.memory_space<hbm>> -> memref<50257x768xf32, #tpu.memory_space<hbm>>
    %dma_start3A_179 = tpu.memref_slice %arg9[%dma_start3A_168] : memref<4x!tpu.dma_semaphore, #tpu.memory_space<semaphore_mem>> -> memref<1x!tpu.dma_semaphore, #tpu.memory_space<semaphore_mem>>
    %dma_start3A_180 = tpu.memref_squeeze %dma_start3A_179 : memref<1x!tpu.dma_semaphore, #tpu.memory_space<semaphore_mem>> -> memref<!tpu.dma_semaphore, #tpu.memory_space<semaphore_mem>>
    tpu.enqueue_indirect_dma source(%dma_start3A_178 : memref<50257x768xf32, #tpu.memory_space<hbm>>) target(%dma_start3A_172 : memref<8x768xf32, #tpu.memory_space<vmem>>) offsets(%dma_start3A_175 : memref<8xi32, #tpu.memory_space<vmem>>) semaphore(%dma_start3A_180 : memref<!tpu.dma_semaphore, #tpu.memory_space<semaphore_mem>>)
    %dma_start3A_181 = arith.constant 2 : i32
    %dma_start3A_182 = arith.constant 0 : i32
    %dma_start3A_183 = arith.constant 0 : i32
    %dma_start3A_184 = arith.constant 16 : i32
    %dma_start3A_185 = arith.constant 0 : i32
    %dma_start3A_186 = tpu.memref_slice %arg7[%dma_start3A_182, %dma_start3A_184, %dma_start3A_185] : memref<4x32x768xf32, #tpu.memory_space<vmem>> -> memref<1x8x768xf32, #tpu.memory_space<vmem>>
    %dma_start3A_187 = tpu.memref_squeeze %dma_start3A_186 : memref<1x8x768xf32, #tpu.memory_space<vmem>> -> memref<8x768xf32, #tpu.memory_space<vmem>>
    %dma_start3A_188 = arith.constant 0 : i32
    %dma_start3A_189 = tpu.memref_slice %arg6[%dma_start3A_181, %dma_start3A_188] : memref<4x64xi32, #tpu.memory_space<vmem>> -> memref<1x8xi32, #tpu.memory_space<vmem>>
    %dma_start3A_190 = tpu.memref_squeeze %dma_start3A_189 : memref<1x8xi32, #tpu.memory_space<vmem>> -> memref<8xi32, #tpu.memory_space<vmem>>
    %dma_start3A_191 = arith.constant 0 : i32
    %dma_start3A_192 = arith.constant 0 : i32
    %dma_start3A_193 = tpu.memref_slice %arg3[%dma_start3A_191, %dma_start3A_192] : memref<50257x768xf32, #tpu.memory_space<hbm>> -> memref<50257x768xf32, #tpu.memory_space<hbm>>
    %dma_start3A_194 = tpu.memref_slice %arg9[%dma_start3A_183] : memref<4x!tpu.dma_semaphore, #tpu.memory_space<semaphore_mem>> -> memref<1x!tpu.dma_semaphore, #tpu.memory_space<semaphore_mem>>
    %dma_start3A_195 = tpu.memref_squeeze %dma_start3A_194 : memref<1x!tpu.dma_semaphore, #tpu.memory_space<semaphore_mem>> -> memref<!tpu.dma_semaphore, #tpu.memory_space<semaphore_mem>>
    tpu.enqueue_indirect_dma source(%dma_start3A_193 : memref<50257x768xf32, #tpu.memory_space<hbm>>) target(%dma_start3A_187 : memref<8x768xf32, #tpu.memory_space<vmem>>) offsets(%dma_start3A_190 : memref<8xi32, #tpu.memory_space<vmem>>) semaphore(%dma_start3A_195 : memref<!tpu.dma_semaphore, #tpu.memory_space<semaphore_mem>>)
    %dma_start3A_196 = arith.constant 3 : i32
    %dma_start3A_197 = arith.constant 0 : i32
    %dma_start3A_198 = arith.constant 0 : i32
    %dma_start3A_199 = arith.constant 24 : i32
    %dma_start3A_200 = arith.constant 0 : i32
    %dma_start3A_201 = tpu.memref_slice %arg7[%dma_start3A_197, %dma_start3A_199, %dma_start3A_200] : memref<4x32x768xf32, #tpu.memory_space<vmem>> -> memref<1x8x768xf32, #tpu.memory_space<vmem>>
    %dma_start3A_202 = tpu.memref_squeeze %dma_start3A_201 : memref<1x8x768xf32, #tpu.memory_space<vmem>> -> memref<8x768xf32, #tpu.memory_space<vmem>>
    %dma_start3A_203 = arith.constant 0 : i32
    %dma_start3A_204 = tpu.memref_slice %arg6[%dma_start3A_196, %dma_start3A_203] : memref<4x64xi32, #tpu.memory_space<vmem>> -> memref<1x8xi32, #tpu.memory_space<vmem>>
    %dma_start3A_205 = tpu.memref_squeeze %dma_start3A_204 : memref<1x8xi32, #tpu.memory_space<vmem>> -> memref<8xi32, #tpu.memory_space<vmem>>
    %dma_start3A_206 = arith.constant 0 : i32
    %dma_start3A_207 = arith.constant 0 : i32
    %dma_start3A_208 = tpu.memref_slice %arg3[%dma_start3A_206, %dma_start3A_207] : memref<50257x768xf32, #tpu.memory_space<hbm>> -> memref<50257x768xf32, #tpu.memory_space<hbm>>
    %dma_start3A_209 = tpu.memref_slice %arg9[%dma_start3A_198] : memref<4x!tpu.dma_semaphore, #tpu.memory_space<semaphore_mem>> -> memref<1x!tpu.dma_semaphore, #tpu.memory_space<semaphore_mem>>
    %dma_start3A_210 = tpu.memref_squeeze %dma_start3A_209 : memref<1x!tpu.dma_semaphore, #tpu.memory_space<semaphore_mem>> -> memref<!tpu.dma_semaphore, #tpu.memory_space<semaphore_mem>>
    tpu.enqueue_indirect_dma source(%dma_start3A_208 : memref<50257x768xf32, #tpu.memory_space<hbm>>) target(%dma_start3A_202 : memref<8x768xf32, #tpu.memory_space<vmem>>) offsets(%dma_start3A_205 : memref<8xi32, #tpu.memory_space<vmem>>) semaphore(%dma_start3A_210 : memref<!tpu.dma_semaphore, #tpu.memory_space<semaphore_mem>>)
    %dma_start3A_211 = arith.constant 0 : i32
    %dma_start3A_212 = arith.constant 1 : i32
    %dma_start3A_213 = arith.constant 1 : i32
    %dma_start3A_214 = arith.constant 0 : i32
    %dma_start3A_215 = arith.constant 0 : i32
    %dma_start3A_216 = tpu.memref_slice %arg7[%dma_start3A_212, %dma_start3A_214, %dma_start3A_215] : memref<4x32x768xf32, #tpu.memory_space<vmem>> -> memref<1x8x768xf32, #tpu.memory_space<vmem>>
    %dma_start3A_217 = tpu.memref_squeeze %dma_start3A_216 : memref<1x8x768xf32, #tpu.memory_space<vmem>> -> memref<8x768xf32, #tpu.memory_space<vmem>>
    %dma_start3A_218 = arith.constant 8 : i32
    %dma_start3A_219 = tpu.memref_slice %arg6[%dma_start3A_211, %dma_start3A_218] : memref<4x64xi32, #tpu.memory_space<vmem>> -> memref<1x8xi32, #tpu.memory_space<vmem>>
    %dma_start3A_220 = tpu.memref_squeeze %dma_start3A_219 : memref<1x8xi32, #tpu.memory_space<vmem>> -> memref<8xi32, #tpu.memory_space<vmem>>
    %dma_start3A_221 = arith.constant 0 : i32
    %dma_start3A_222 = arith.constant 0 : i32
    %dma_start3A_223 = tpu.memref_slice %arg3[%dma_start3A_221, %dma_start3A_222] : memref<50257x768xf32, #tpu.memory_space<hbm>> -> memref<50257x768xf32, #tpu.memory_space<hbm>>
    %dma_start3A_224 = tpu.memref_slice %arg9[%dma_start3A_213] : memref<4x!tpu.dma_semaphore, #tpu.memory_space<semaphore_mem>> -> memref<1x!tpu.dma_semaphore, #tpu.memory_space<semaphore_mem>>
    %dma_start3A_225 = tpu.memref_squeeze %dma_start3A_224 : memref<1x!tpu.dma_semaphore, #tpu.memory_space<semaphore_mem>> -> memref<!tpu.dma_semaphore, #tpu.memory_space<semaphore_mem>>
    tpu.enqueue_indirect_dma source(%dma_start3A_223 : memref<50257x768xf32, #tpu.memory_space<hbm>>) target(%dma_start3A_217 : memref<8x768xf32, #tpu.memory_space<vmem>>) offsets(%dma_start3A_220 : memref<8xi32, #tpu.memory_space<vmem>>) semaphore(%dma_start3A_225 : memref<!tpu.dma_semaphore, #tpu.memory_space<semaphore_mem>>)
    %dma_start3A_226 = arith.constant 1 : i32
    %dma_start3A_227 = arith.constant 1 : i32
    %dma_start3A_228 = arith.constant 1 : i32
    %dma_start3A_229 = arith.constant 8 : i32
    %dma_start3A_230 = arith.constant 0 : i32
    %dma_start3A_231 = tpu.memref_slice %arg7[%dma_start3A_227, %dma_start3A_229, %dma_start3A_230] : memref<4x32x768xf32, #tpu.memory_space<vmem>> -> memref<1x8x768xf32, #tpu.memory_space<vmem>>
    %dma_start3A_232 = tpu.memref_squeeze %dma_start3A_231 : memref<1x8x768xf32, #tpu.memory_space<vmem>> -> memref<8x768xf32, #tpu.memory_space<vmem>>
    %dma_start3A_233 = arith.constant 8 : i32
    %dma_start3A_234 = tpu.memref_slice %arg6[%dma_start3A_226, %dma_start3A_233] : memref<4x64xi32, #tpu.memory_space<vmem>> -> memref<1x8xi32, #tpu.memory_space<vmem>>
    %dma_start3A_235 = tpu.memref_squeeze %dma_start3A_234 : memref<1x8xi32, #tpu.memory_space<vmem>> -> memref<8xi32, #tpu.memory_space<vmem>>
    %dma_start3A_236 = arith.constant 0 : i32
    %dma_start3A_237 = arith.constant 0 : i32
    %dma_start3A_238 = tpu.memref_slice %arg3[%dma_start3A_236, %dma_start3A_237] : memref<50257x768xf32, #tpu.memory_space<hbm>> -> memref<50257x768xf32, #tpu.memory_space<hbm>>
    %dma_start3A_239 = tpu.memref_slice %arg9[%dma_start3A_228] : memref<4x!tpu.dma_semaphore, #tpu.memory_space<semaphore_mem>> -> memref<1x!tpu.dma_semaphore, #tpu.memory_space<semaphore_mem>>
    %dma_start3A_240 = tpu.memref_squeeze %dma_start3A_239 : memref<1x!tpu.dma_semaphore, #tpu.memory_space<semaphore_mem>> -> memref<!tpu.dma_semaphore, #tpu.memory_space<semaphore_mem>>
    tpu.enqueue_indirect_dma source(%dma_start3A_238 : memref<50257x768xf32, #tpu.memory_space<hbm>>) target(%dma_start3A_232 : memref<8x768xf32, #tpu.memory_space<vmem>>) offsets(%dma_start3A_235 : memref<8xi32, #tpu.memory_space<vmem>>) semaphore(%dma_start3A_240 : memref<!tpu.dma_semaphore, #tpu.memory_space<semaphore_mem>>)
    %dma_start3A_241 = arith.constant 2 : i32
    %dma_start3A_242 = arith.constant 1 : i32
    %dma_start3A_243 = arith.constant 1 : i32
    %dma_start3A_244 = arith.constant 16 : i32
    %dma_start3A_245 = arith.constant 0 : i32
    %dma_start3A_246 = tpu.memref_slice %arg7[%dma_start3A_242, %dma_start3A_244, %dma_start3A_245] : memref<4x32x768xf32, #tpu.memory_space<vmem>> -> memref<1x8x768xf32, #tpu.memory_space<vmem>>
    %dma_start3A_247 = tpu.memref_squeeze %dma_start3A_246 : memref<1x8x768xf32, #tpu.memory_space<vmem>> -> memref<8x768xf32, #tpu.memory_space<vmem>>
    %dma_start3A_248 = arith.constant 8 : i32
    %dma_start3A_249 = tpu.memref_slice %arg6[%dma_start3A_241, %dma_start3A_248] : memref<4x64xi32, #tpu.memory_space<vmem>> -> memref<1x8xi32, #tpu.memory_space<vmem>>
    %dma_start3A_250 = tpu.memref_squeeze %dma_start3A_249 : memref<1x8xi32, #tpu.memory_space<vmem>> -> memref<8xi32, #tpu.memory_space<vmem>>
    %dma_start3A_251 = arith.constant 0 : i32
    %dma_start3A_252 = arith.constant 0 : i32
    %dma_start3A_253 = tpu.memref_slice %arg3[%dma_start3A_251, %dma_start3A_252] : memref<50257x768xf32, #tpu.memory_space<hbm>> -> memref<50257x768xf32, #tpu.memory_space<hbm>>
    %dma_start3A_254 = tpu.memref_slice %arg9[%dma_start3A_243] : memref<4x!tpu.dma_semaphore, #tpu.memory_space<semaphore_mem>> -> memref<1x!tpu.dma_semaphore, #tpu.memory_space<semaphore_mem>>
    %dma_start3A_255 = tpu.memref_squeeze %dma_start3A_254 : memref<1x!tpu.dma_semaphore, #tpu.memory_space<semaphore_mem>> -> memref<!tpu.dma_semaphore, #tpu.memory_space<semaphore_mem>>
    tpu.enqueue_indirect_dma source(%dma_start3A_253 : memref<50257x768xf32, #tpu.memory_space<hbm>>) target(%dma_start3A_247 : memref<8x768xf32, #tpu.memory_space<vmem>>) offsets(%dma_start3A_250 : memref<8xi32, #tpu.memory_space<vmem>>) semaphore(%dma_start3A_255 : memref<!tpu.dma_semaphore, #tpu.memory_space<semaphore_mem>>)
    %dma_start3A_256 = arith.constant 3 : i32
    %dma_start3A_257 = arith.constant 1 : i32
    %dma_start3A_258 = arith.constant 1 : i32
    %dma_start3A_259 = arith.constant 24 : i32
    %dma_start3A_260 = arith.constant 0 : i32
    %dma_start3A_261 = tpu.memref_slice %arg7[%dma_start3A_257, %dma_start3A_259, %dma_start3A_260] : memref<4x32x768xf32, #tpu.memory_space<vmem>> -> memref<1x8x768xf32, #tpu.memory_space<vmem>>
    %dma_start3A_262 = tpu.memref_squeeze %dma_start3A_261 : memref<1x8x768xf32, #tpu.memory_space<vmem>> -> memref<8x768xf32, #tpu.memory_space<vmem>>
    %dma_start3A_263 = arith.constant 8 : i32
    %dma_start3A_264 = tpu.memref_slice %arg6[%dma_start3A_256, %dma_start3A_263] : memref<4x64xi32, #tpu.memory_space<vmem>> -> memref<1x8xi32, #tpu.memory_space<vmem>>
    %dma_start3A_265 = tpu.memref_squeeze %dma_start3A_264 : memref<1x8xi32, #tpu.memory_space<vmem>> -> memref<8xi32, #tpu.memory_space<vmem>>
    %dma_start3A_266 = arith.constant 0 : i32
    %dma_start3A_267 = arith.constant 0 : i32
    %dma_start3A_268 = tpu.memref_slice %arg3[%dma_start3A_266, %dma_start3A_267] : memref<50257x768xf32, #tpu.memory_space<hbm>> -> memref<50257x768xf32, #tpu.memory_space<hbm>>
    %dma_start3A_269 = tpu.memref_slice %arg9[%dma_start3A_258] : memref<4x!tpu.dma_semaphore, #tpu.memory_space<semaphore_mem>> -> memref<1x!tpu.dma_semaphore, #tpu.memory_space<semaphore_mem>>
    %dma_start3A_270 = tpu.memref_squeeze %dma_start3A_269 : memref<1x!tpu.dma_semaphore, #tpu.memory_space<semaphore_mem>> -> memref<!tpu.dma_semaphore, #tpu.memory_space<semaphore_mem>>
    tpu.enqueue_indirect_dma source(%dma_start3A_268 : memref<50257x768xf32, #tpu.memory_space<hbm>>) target(%dma_start3A_262 : memref<8x768xf32, #tpu.memory_space<vmem>>) offsets(%dma_start3A_265 : memref<8xi32, #tpu.memory_space<vmem>>) semaphore(%dma_start3A_270 : memref<!tpu.dma_semaphore, #tpu.memory_space<semaphore_mem>>)
    %dma_start3A_271 = arith.constant 0 : i32
    %dma_start3A_272 = arith.constant 2 : i32
    %dma_start3A_273 = arith.constant 2 : i32
    %dma_start3A_274 = arith.constant 0 : i32
    %dma_start3A_275 = arith.constant 0 : i32
    %dma_start3A_276 = tpu.memref_slice %arg7[%dma_start3A_272, %dma_start3A_274, %dma_start3A_275] : memref<4x32x768xf32, #tpu.memory_space<vmem>> -> memref<1x8x768xf32, #tpu.memory_space<vmem>>
    %dma_start3A_277 = tpu.memref_squeeze %dma_start3A_276 : memref<1x8x768xf32, #tpu.memory_space<vmem>> -> memref<8x768xf32, #tpu.memory_space<vmem>>
    %dma_start3A_278 = arith.constant 16 : i32
    %dma_start3A_279 = tpu.memref_slice %arg6[%dma_start3A_271, %dma_start3A_278] : memref<4x64xi32, #tpu.memory_space<vmem>> -> memref<1x8xi32, #tpu.memory_space<vmem>>
    %dma_start3A_280 = tpu.memref_squeeze %dma_start3A_279 : memref<1x8xi32, #tpu.memory_space<vmem>> -> memref<8xi32, #tpu.memory_space<vmem>>
    %dma_start3A_281 = arith.constant 0 : i32
    %dma_start3A_282 = arith.constant 0 : i32
    %dma_start3A_283 = tpu.memref_slice %arg3[%dma_start3A_281, %dma_start3A_282] : memref<50257x768xf32, #tpu.memory_space<hbm>> -> memref<50257x768xf32, #tpu.memory_space<hbm>>
    %dma_start3A_284 = tpu.memref_slice %arg9[%dma_start3A_273] : memref<4x!tpu.dma_semaphore, #tpu.memory_space<semaphore_mem>> -> memref<1x!tpu.dma_semaphore, #tpu.memory_space<semaphore_mem>>
    %dma_start3A_285 = tpu.memref_squeeze %dma_start3A_284 : memref<1x!tpu.dma_semaphore, #tpu.memory_space<semaphore_mem>> -> memref<!tpu.dma_semaphore, #tpu.memory_space<semaphore_mem>>
    tpu.enqueue_indirect_dma source(%dma_start3A_283 : memref<50257x768xf32, #tpu.memory_space<hbm>>) target(%dma_start3A_277 : memref<8x768xf32, #tpu.memory_space<vmem>>) offsets(%dma_start3A_280 : memref<8xi32, #tpu.memory_space<vmem>>) semaphore(%dma_start3A_285 : memref<!tpu.dma_semaphore, #tpu.memory_space<semaphore_mem>>)
    %dma_start3A_286 = arith.constant 1 : i32
    %dma_start3A_287 = arith.constant 2 : i32
    %dma_start3A_288 = arith.constant 2 : i32
    %dma_start3A_289 = arith.constant 8 : i32
    %dma_start3A_290 = arith.constant 0 : i32
    %dma_start3A_291 = tpu.memref_slice %arg7[%dma_start3A_287, %dma_start3A_289, %dma_start3A_290] : memref<4x32x768xf32, #tpu.memory_space<vmem>> -> memref<1x8x768xf32, #tpu.memory_space<vmem>>
    %dma_start3A_292 = tpu.memref_squeeze %dma_start3A_291 : memref<1x8x768xf32, #tpu.memory_space<vmem>> -> memref<8x768xf32, #tpu.memory_space<vmem>>
    %dma_start3A_293 = arith.constant 16 : i32
    %dma_start3A_294 = tpu.memref_slice %arg6[%dma_start3A_286, %dma_start3A_293] : memref<4x64xi32, #tpu.memory_space<vmem>> -> memref<1x8xi32, #tpu.memory_space<vmem>>
    %dma_start3A_295 = tpu.memref_squeeze %dma_start3A_294 : memref<1x8xi32, #tpu.memory_space<vmem>> -> memref<8xi32, #tpu.memory_space<vmem>>
    %dma_start3A_296 = arith.constant 0 : i32
    %dma_start3A_297 = arith.constant 0 : i32
    %dma_start3A_298 = tpu.memref_slice %arg3[%dma_start3A_296, %dma_start3A_297] : memref<50257x768xf32, #tpu.memory_space<hbm>> -> memref<50257x768xf32, #tpu.memory_space<hbm>>
    %dma_start3A_299 = tpu.memref_slice %arg9[%dma_start3A_288] : memref<4x!tpu.dma_semaphore, #tpu.memory_space<semaphore_mem>> -> memref<1x!tpu.dma_semaphore, #tpu.memory_space<semaphore_mem>>
    %dma_start3A_300 = tpu.memref_squeeze %dma_start3A_299 : memref<1x!tpu.dma_semaphore, #tpu.memory_space<semaphore_mem>> -> memref<!tpu.dma_semaphore, #tpu.memory_space<semaphore_mem>>
    tpu.enqueue_indirect_dma source(%dma_start3A_298 : memref<50257x768xf32, #tpu.memory_space<hbm>>) target(%dma_start3A_292 : memref<8x768xf32, #tpu.memory_space<vmem>>) offsets(%dma_start3A_295 : memref<8xi32, #tpu.memory_space<vmem>>) semaphore(%dma_start3A_300 : memref<!tpu.dma_semaphore, #tpu.memory_space<semaphore_mem>>)
    %dma_start3A_301 = arith.constant 2 : i32
    %dma_start3A_302 = arith.constant 2 : i32
    %dma_start3A_303 = arith.constant 2 : i32
    %dma_start3A_304 = arith.constant 16 : i32
    %dma_start3A_305 = arith.constant 0 : i32
    %dma_start3A_306 = tpu.memref_slice %arg7[%dma_start3A_302, %dma_start3A_304, %dma_start3A_305] : memref<4x32x768xf32, #tpu.memory_space<vmem>> -> memref<1x8x768xf32, #tpu.memory_space<vmem>>
    %dma_start3A_307 = tpu.memref_squeeze %dma_start3A_306 : memref<1x8x768xf32, #tpu.memory_space<vmem>> -> memref<8x768xf32, #tpu.memory_space<vmem>>
    %dma_start3A_308 = arith.constant 16 : i32
    %dma_start3A_309 = tpu.memref_slice %arg6[%dma_start3A_301, %dma_start3A_308] : memref<4x64xi32, #tpu.memory_space<vmem>> -> memref<1x8xi32, #tpu.memory_space<vmem>>
    %dma_start3A_310 = tpu.memref_squeeze %dma_start3A_309 : memref<1x8xi32, #tpu.memory_space<vmem>> -> memref<8xi32, #tpu.memory_space<vmem>>
    %dma_start3A_311 = arith.constant 0 : i32
    %dma_start3A_312 = arith.constant 0 : i32
    %dma_start3A_313 = tpu.memref_slice %arg3[%dma_start3A_311, %dma_start3A_312] : memref<50257x768xf32, #tpu.memory_space<hbm>> -> memref<50257x768xf32, #tpu.memory_space<hbm>>
    %dma_start3A_314 = tpu.memref_slice %arg9[%dma_start3A_303] : memref<4x!tpu.dma_semaphore, #tpu.memory_space<semaphore_mem>> -> memref<1x!tpu.dma_semaphore, #tpu.memory_space<semaphore_mem>>
    %dma_start3A_315 = tpu.memref_squeeze %dma_start3A_314 : memref<1x!tpu.dma_semaphore, #tpu.memory_space<semaphore_mem>> -> memref<!tpu.dma_semaphore, #tpu.memory_space<semaphore_mem>>
    tpu.enqueue_indirect_dma source(%dma_start3A_313 : memref<50257x768xf32, #tpu.memory_space<hbm>>) target(%dma_start3A_307 : memref<8x768xf32, #tpu.memory_space<vmem>>) offsets(%dma_start3A_310 : memref<8xi32, #tpu.memory_space<vmem>>) semaphore(%dma_start3A_315 : memref<!tpu.dma_semaphore, #tpu.memory_space<semaphore_mem>>)
    %dma_start3A_316 = arith.constant 3 : i32
    %dma_start3A_317 = arith.constant 2 : i32
    %dma_start3A_318 = arith.constant 2 : i32
    %dma_start3A_319 = arith.constant 24 : i32
    %dma_start3A_320 = arith.constant 0 : i32
    %dma_start3A_321 = tpu.memref_slice %arg7[%dma_start3A_317, %dma_start3A_319, %dma_start3A_320] : memref<4x32x768xf32, #tpu.memory_space<vmem>> -> memref<1x8x768xf32, #tpu.memory_space<vmem>>
    %dma_start3A_322 = tpu.memref_squeeze %dma_start3A_321 : memref<1x8x768xf32, #tpu.memory_space<vmem>> -> memref<8x768xf32, #tpu.memory_space<vmem>>
    %dma_start3A_323 = arith.constant 16 : i32
    %dma_start3A_324 = tpu.memref_slice %arg6[%dma_start3A_316, %dma_start3A_323] : memref<4x64xi32, #tpu.memory_space<vmem>> -> memref<1x8xi32, #tpu.memory_space<vmem>>
    %dma_start3A_325 = tpu.memref_squeeze %dma_start3A_324 : memref<1x8xi32, #tpu.memory_space<vmem>> -> memref<8xi32, #tpu.memory_space<vmem>>
    %dma_start3A_326 = arith.constant 0 : i32
    %dma_start3A_327 = arith.constant 0 : i32
    %dma_start3A_328 = tpu.memref_slice %arg3[%dma_start3A_326, %dma_start3A_327] : memref<50257x768xf32, #tpu.memory_space<hbm>> -> memref<50257x768xf32, #tpu.memory_space<hbm>>
    %dma_start3A_329 = tpu.memref_slice %arg9[%dma_start3A_318] : memref<4x!tpu.dma_semaphore, #tpu.memory_space<semaphore_mem>> -> memref<1x!tpu.dma_semaphore, #tpu.memory_space<semaphore_mem>>
    %dma_start3A_330 = tpu.memref_squeeze %dma_start3A_329 : memref<1x!tpu.dma_semaphore, #tpu.memory_space<semaphore_mem>> -> memref<!tpu.dma_semaphore, #tpu.memory_space<semaphore_mem>>
    tpu.enqueue_indirect_dma source(%dma_start3A_328 : memref<50257x768xf32, #tpu.memory_space<hbm>>) target(%dma_start3A_322 : memref<8x768xf32, #tpu.memory_space<vmem>>) offsets(%dma_start3A_325 : memref<8xi32, #tpu.memory_space<vmem>>) semaphore(%dma_start3A_330 : memref<!tpu.dma_semaphore, #tpu.memory_space<semaphore_mem>>)
    %scan3A = arith.constant 0 : i32
    %scan3A_331 = arith.constant 0 : i32
    %scan3A_332 = arith.constant 8 : i32
    %scan3A_333 = arith.addi %scan3A_331, %scan3A_332 : i32
    %scan3A_334 = arith.constant 1 : i32
    scf.for %scan3A_672 = %scan3A_331 to %scan3A_333 step %scan3A_334  : i32 {
      %and3A = arith.constant 3 : i32
      %and3A_673 = arith.andi %scan3A_672, %and3A : i32
      %mul3A_674 = arith.constant 8 : i32
      %mul3A_675 = arith.muli %scan3A_672, %mul3A_674 : i32
      %add3A_676 = arith.addi %mul3A_2, %mul3A_675 : i32
      %dma_wait3A_677 = arith.constant 0 : i32
      %dma_wait3A_678 = arith.constant 0 : i32
      %dma_wait3A_679 = tpu.memref_slice %arg8[%and3A_673, %dma_wait3A_677, %dma_wait3A_678] : memref<4x8x768xf32, #tpu.memory_space<vmem>> -> memref<1x8x768xf32, #tpu.memory_space<vmem>>
      %dma_wait3A_680 = tpu.memref_squeeze %dma_wait3A_679 : memref<1x8x768xf32, #tpu.memory_space<vmem>> -> memref<8x768xf32, #tpu.memory_space<vmem>>
      %dma_wait3A_681 = arith.constant 0 : i32
      %dma_wait3A_682 = tpu.memref_slice %arg4[%add3A_676, %dma_wait3A_681] : memref<50257x768xf32, #tpu.memory_space<hbm>> -> memref<8x768xf32, #tpu.memory_space<hbm>>
      %dma_wait3A_683 = tpu.memref_slice %arg10[%and3A_673] : memref<4x!tpu.dma_semaphore, #tpu.memory_space<semaphore_mem>> -> memref<1x!tpu.dma_semaphore, #tpu.memory_space<semaphore_mem>>
      %dma_wait3A_684 = tpu.memref_squeeze %dma_wait3A_683 : memref<1x!tpu.dma_semaphore, #tpu.memory_space<semaphore_mem>> -> memref<!tpu.dma_semaphore, #tpu.memory_space<semaphore_mem>>
      %dma_wait3A_685 = arith.constant 0 : i32
      %dma_wait3A_686 = arith.constant 0 : i32
      %dma_wait3A_687 = tpu.memref_slice %arg8[%and3A_673, %dma_wait3A_685, %dma_wait3A_686] : memref<4x8x768xf32, #tpu.memory_space<vmem>> -> memref<1x8x768xf32, #tpu.memory_space<vmem>>
      %dma_wait3A_688 = tpu.memref_squeeze %dma_wait3A_687 : memref<1x8x768xf32, #tpu.memory_space<vmem>> -> memref<8x768xf32, #tpu.memory_space<vmem>>
      %dma_wait3A_689 = arith.constant 0 : i32
      %dma_wait3A_690 = tpu.memref_slice %arg4[%add3A_676, %dma_wait3A_689] : memref<50257x768xf32, #tpu.memory_space<hbm>> -> memref<8x768xf32, #tpu.memory_space<hbm>>
      tpu.wait_dma2 semaphore(%dma_wait3A_684 : memref<!tpu.dma_semaphore, #tpu.memory_space<semaphore_mem>>) src(%dma_wait3A_690 : memref<8x768xf32, #tpu.memory_space<hbm>>) dst(%dma_wait3A_688 : memref<8x768xf32, #tpu.memory_space<vmem>>)
      %mul3A_691 = arith.constant 8 : i32
      %mul3A_692 = arith.muli %scan3A_672, %mul3A_691 : i32
      %dma_wait3A_693 = arith.constant 0 : i32
      %dma_wait3A_694 = arith.constant 0 : i32
      %dma_wait3A_695 = arith.constant 0 : i32
      %dma_wait3A_696 = tpu.memref_slice %arg7[%and3A_673, %dma_wait3A_694, %dma_wait3A_695] : memref<4x32x768xf32, #tpu.memory_space<vmem>> -> memref<1x8x768xf32, #tpu.memory_space<vmem>>
      %dma_wait3A_697 = tpu.memref_squeeze %dma_wait3A_696 : memref<1x8x768xf32, #tpu.memory_space<vmem>> -> memref<8x768xf32, #tpu.memory_space<vmem>>
      %dma_wait3A_698 = tpu.memref_slice %arg6[%dma_wait3A_693, %mul3A_692] : memref<4x64xi32, #tpu.memory_space<vmem>> -> memref<1x8xi32, #tpu.memory_space<vmem>>
      %dma_wait3A_699 = tpu.memref_squeeze %dma_wait3A_698 : memref<1x8xi32, #tpu.memory_space<vmem>> -> memref<8xi32, #tpu.memory_space<vmem>>
      %dma_wait3A_700 = arith.constant 0 : i32
      %dma_wait3A_701 = arith.constant 0 : i32
      %dma_wait3A_702 = tpu.memref_slice %arg3[%dma_wait3A_700, %dma_wait3A_701] : memref<50257x768xf32, #tpu.memory_space<hbm>> -> memref<50257x768xf32, #tpu.memory_space<hbm>>
      %dma_wait3A_703 = tpu.memref_slice %arg9[%and3A_673] : memref<4x!tpu.dma_semaphore, #tpu.memory_space<semaphore_mem>> -> memref<1x!tpu.dma_semaphore, #tpu.memory_space<semaphore_mem>>
      %dma_wait3A_704 = tpu.memref_squeeze %dma_wait3A_703 : memref<1x!tpu.dma_semaphore, #tpu.memory_space<semaphore_mem>> -> memref<!tpu.dma_semaphore, #tpu.memory_space<semaphore_mem>>
      tpu.wait_indirect_dma semaphore(%dma_wait3A_704 : memref<!tpu.dma_semaphore, #tpu.memory_space<semaphore_mem>>) src(%dma_wait3A_702 : memref<50257x768xf32, #tpu.memory_space<hbm>>) dst(%dma_wait3A_697 : memref<8x768xf32, #tpu.memory_space<vmem>>)
      %mul3A_705 = arith.constant 8 : i32
      %mul3A_706 = arith.muli %scan3A_672, %mul3A_705 : i32
      %dma_wait3A_707 = arith.constant 1 : i32
      %dma_wait3A_708 = arith.constant 8 : i32
      %dma_wait3A_709 = arith.constant 0 : i32
      %dma_wait3A_710 = tpu.memref_slice %arg7[%and3A_673, %dma_wait3A_708, %dma_wait3A_709] : memref<4x32x768xf32, #tpu.memory_space<vmem>> -> memref<1x8x768xf32, #tpu.memory_space<vmem>>
      %dma_wait3A_711 = tpu.memref_squeeze %dma_wait3A_710 : memref<1x8x768xf32, #tpu.memory_space<vmem>> -> memref<8x768xf32, #tpu.memory_space<vmem>>
      %dma_wait3A_712 = tpu.memref_slice %arg6[%dma_wait3A_707, %mul3A_706] : memref<4x64xi32, #tpu.memory_space<vmem>> -> memref<1x8xi32, #tpu.memory_space<vmem>>
      %dma_wait3A_713 = tpu.memref_squeeze %dma_wait3A_712 : memref<1x8xi32, #tpu.memory_space<vmem>> -> memref<8xi32, #tpu.memory_space<vmem>>
      %dma_wait3A_714 = arith.constant 0 : i32
      %dma_wait3A_715 = arith.constant 0 : i32
      %dma_wait3A_716 = tpu.memref_slice %arg3[%dma_wait3A_714, %dma_wait3A_715] : memref<50257x768xf32, #tpu.memory_space<hbm>> -> memref<50257x768xf32, #tpu.memory_space<hbm>>
      %dma_wait3A_717 = tpu.memref_slice %arg9[%and3A_673] : memref<4x!tpu.dma_semaphore, #tpu.memory_space<semaphore_mem>> -> memref<1x!tpu.dma_semaphore, #tpu.memory_space<semaphore_mem>>
      %dma_wait3A_718 = tpu.memref_squeeze %dma_wait3A_717 : memref<1x!tpu.dma_semaphore, #tpu.memory_space<semaphore_mem>> -> memref<!tpu.dma_semaphore, #tpu.memory_space<semaphore_mem>>
      tpu.wait_indirect_dma semaphore(%dma_wait3A_718 : memref<!tpu.dma_semaphore, #tpu.memory_space<semaphore_mem>>) src(%dma_wait3A_716 : memref<50257x768xf32, #tpu.memory_space<hbm>>) dst(%dma_wait3A_711 : memref<8x768xf32, #tpu.memory_space<vmem>>)
      %mul3A_719 = arith.constant 8 : i32
      %mul3A_720 = arith.muli %scan3A_672, %mul3A_719 : i32
      %dma_wait3A_721 = arith.constant 2 : i32
      %dma_wait3A_722 = arith.constant 16 : i32
      %dma_wait3A_723 = arith.constant 0 : i32
      %dma_wait3A_724 = tpu.memref_slice %arg7[%and3A_673, %dma_wait3A_722, %dma_wait3A_723] : memref<4x32x768xf32, #tpu.memory_space<vmem>> -> memref<1x8x768xf32, #tpu.memory_space<vmem>>
      %dma_wait3A_725 = tpu.memref_squeeze %dma_wait3A_724 : memref<1x8x768xf32, #tpu.memory_space<vmem>> -> memref<8x768xf32, #tpu.memory_space<vmem>>
      %dma_wait3A_726 = tpu.memref_slice %arg6[%dma_wait3A_721, %mul3A_720] : memref<4x64xi32, #tpu.memory_space<vmem>> -> memref<1x8xi32, #tpu.memory_space<vmem>>
      %dma_wait3A_727 = tpu.memref_squeeze %dma_wait3A_726 : memref<1x8xi32, #tpu.memory_space<vmem>> -> memref<8xi32, #tpu.memory_space<vmem>>
      %dma_wait3A_728 = arith.constant 0 : i32
      %dma_wait3A_729 = arith.constant 0 : i32
      %dma_wait3A_730 = tpu.memref_slice %arg3[%dma_wait3A_728, %dma_wait3A_729] : memref<50257x768xf32, #tpu.memory_space<hbm>> -> memref<50257x768xf32, #tpu.memory_space<hbm>>
      %dma_wait3A_731 = tpu.memref_slice %arg9[%and3A_673] : memref<4x!tpu.dma_semaphore, #tpu.memory_space<semaphore_mem>> -> memref<1x!tpu.dma_semaphore, #tpu.memory_space<semaphore_mem>>
      %dma_wait3A_732 = tpu.memref_squeeze %dma_wait3A_731 : memref<1x!tpu.dma_semaphore, #tpu.memory_space<semaphore_mem>> -> memref<!tpu.dma_semaphore, #tpu.memory_space<semaphore_mem>>
      tpu.wait_indirect_dma semaphore(%dma_wait3A_732 : memref<!tpu.dma_semaphore, #tpu.memory_space<semaphore_mem>>) src(%dma_wait3A_730 : memref<50257x768xf32, #tpu.memory_space<hbm>>) dst(%dma_wait3A_725 : memref<8x768xf32, #tpu.memory_space<vmem>>)
      %mul3A_733 = arith.constant 8 : i32
      %mul3A_734 = arith.muli %scan3A_672, %mul3A_733 : i32
      %dma_wait3A_735 = arith.constant 3 : i32
      %dma_wait3A_736 = arith.constant 24 : i32
      %dma_wait3A_737 = arith.constant 0 : i32
      %dma_wait3A_738 = tpu.memref_slice %arg7[%and3A_673, %dma_wait3A_736, %dma_wait3A_737] : memref<4x32x768xf32, #tpu.memory_space<vmem>> -> memref<1x8x768xf32, #tpu.memory_space<vmem>>
      %dma_wait3A_739 = tpu.memref_squeeze %dma_wait3A_738 : memref<1x8x768xf32, #tpu.memory_space<vmem>> -> memref<8x768xf32, #tpu.memory_space<vmem>>
      %dma_wait3A_740 = tpu.memref_slice %arg6[%dma_wait3A_735, %mul3A_734] : memref<4x64xi32, #tpu.memory_space<vmem>> -> memref<1x8xi32, #tpu.memory_space<vmem>>
      %dma_wait3A_741 = tpu.memref_squeeze %dma_wait3A_740 : memref<1x8xi32, #tpu.memory_space<vmem>> -> memref<8xi32, #tpu.memory_space<vmem>>
      %dma_wait3A_742 = arith.constant 0 : i32
      %dma_wait3A_743 = arith.constant 0 : i32
      %dma_wait3A_744 = tpu.memref_slice %arg3[%dma_wait3A_742, %dma_wait3A_743] : memref<50257x768xf32, #tpu.memory_space<hbm>> -> memref<50257x768xf32, #tpu.memory_space<hbm>>
      %dma_wait3A_745 = tpu.memref_slice %arg9[%and3A_673] : memref<4x!tpu.dma_semaphore, #tpu.memory_space<semaphore_mem>> -> memref<1x!tpu.dma_semaphore, #tpu.memory_space<semaphore_mem>>
      %dma_wait3A_746 = tpu.memref_squeeze %dma_wait3A_745 : memref<1x!tpu.dma_semaphore, #tpu.memory_space<semaphore_mem>> -> memref<!tpu.dma_semaphore, #tpu.memory_space<semaphore_mem>>
      tpu.wait_indirect_dma semaphore(%dma_wait3A_746 : memref<!tpu.dma_semaphore, #tpu.memory_space<semaphore_mem>>) src(%dma_wait3A_744 : memref<50257x768xf32, #tpu.memory_space<hbm>>) dst(%dma_wait3A_739 : memref<8x768xf32, #tpu.memory_space<vmem>>)
      %scan3A_747 = arith.constant 0 : i32
      %scan3A_748 = arith.constant 0 : i32
      %scan3A_749 = arith.constant 8 : i32
      %scan3A_750 = arith.addi %scan3A_748, %scan3A_749 : i32
      %scan3A_751 = arith.constant 1 : i32
      scf.for %scan3A_837 = %scan3A_748 to %scan3A_750 step %scan3A_751  : i32 {
        %scan3A_838 = arith.constant 0 : i32
        %scan3A_839 = arith.constant 6 : i32
        %scan3A_840 = arith.addi %scan3A_838, %scan3A_839 : i32
        %scan3A_841 = arith.constant 1 : i32
        scf.for %scan3A_843 = %scan3A_838 to %scan3A_840 step %scan3A_841  : i32 {
          %mul3A_844 = arith.constant 8 : i32
          %mul3A_845 = arith.muli %scan3A_843, %mul3A_844 : i32
          %add3A_846 = arith.constant 0 : i32
          %add3A_847 = arith.addi %mul3A_845, %add3A_846 : i32
          %mul3A_848 = arith.constant 16 : i32
          %mul3A_849 = arith.muli %add3A_847, %mul3A_848 : i32
          %get3A = arith.index_cast %and3A_673 : i32 to index
          %get3A_850 = arith.index_cast %scan3A_837 : i32 to index
          %get3A_851 = arith.index_cast %mul3A_849 : i32 to index
          %get3A_852 = tpu.vector_load %arg8[%get3A, %get3A_850, %get3A_851] {strides = array<i32>} : memref<4x8x768xf32, #tpu.memory_space<vmem>>, vector<1x1x16xf32>,
          %get3A_853 = vector.shape_cast %get3A_852 : vector<1x1x16xf32> to vector<16xf32>
          %add3A_854 = arith.constant 0 : i32
          %add3A_855 = arith.addi %add3A_854, %scan3A_837 : i32
          %swap3A = arith.index_cast %and3A_673 : i32 to index
          %swap3A_856 = arith.index_cast %add3A_855 : i32 to index
          %swap3A_857 = arith.index_cast %mul3A_849 : i32 to index
          %swap3A_858 = tpu.vector_load %arg7[%swap3A, %swap3A_856, %swap3A_857] {strides = array<i32>} : memref<4x32x768xf32, #tpu.memory_space<vmem>>, vector<1x1x16xf32>,
          %swap3A_859 = vector.shape_cast %swap3A_858 : vector<1x1x16xf32> to vector<16xf32>
          %swap3A_860 = vector.shape_cast %get3A_853 : vector<16xf32> to vector<1x1x16xf32>
          tpu.vector_store %arg7[%swap3A, %swap3A_856, %swap3A_857], %swap3A_860 {add = true, strides = array<i32>} : memref<4x32x768xf32, #tpu.memory_space<vmem>>, vector<1x1x16xf32>,
          %add3A_861 = arith.constant 8 : i32
          %add3A_862 = arith.addi %add3A_861, %scan3A_837 : i32
          %swap3A_863 = arith.index_cast %and3A_673 : i32 to index
          %swap3A_864 = arith.index_cast %add3A_862 : i32 to index
          %swap3A_865 = arith.index_cast %mul3A_849 : i32 to index
          %swap3A_866 = tpu.vector_load %arg7[%swap3A_863, %swap3A_864, %swap3A_865] {strides = array<i32>} : memref<4x32x768xf32, #tpu.memory_space<vmem>>, vector<1x1x16xf32>,
          %swap3A_867 = vector.shape_cast %swap3A_866 : vector<1x1x16xf32> to vector<16xf32>
          %swap3A_868 = vector.shape_cast %get3A_853 : vector<16xf32> to vector<1x1x16xf32>
          tpu.vector_store %arg7[%swap3A_863, %swap3A_864, %swap3A_865], %swap3A_868 {add = true, strides = array<i32>} : memref<4x32x768xf32, #tpu.memory_space<vmem>>, vector<1x1x16xf32>,
          %add3A_869 = arith.constant 16 : i32
          %add3A_870 = arith.addi %add3A_869, %scan3A_837 : i32
          %swap3A_871 = arith.index_cast %and3A_673 : i32 to index
          %swap3A_872 = arith.index_cast %add3A_870 : i32 to index
          %swap3A_873 = arith.index_cast %mul3A_849 : i32 to index
          %swap3A_874 = tpu.vector_load %arg7[%swap3A_871, %swap3A_872, %swap3A_873] {strides = array<i32>} : memref<4x32x768xf32, #tpu.memory_space<vmem>>, vector<1x1x16xf32>,
          %swap3A_875 = vector.shape_cast %swap3A_874 : vector<1x1x16xf32> to vector<16xf32>
          %swap3A_876 = vector.shape_cast %get3A_853 : vector<16xf32> to vector<1x1x16xf32>
          tpu.vector_store %arg7[%swap3A_871, %swap3A_872, %swap3A_873], %swap3A_876 {add = true, strides = array<i32>} : memref<4x32x768xf32, #tpu.memory_space<vmem>>, vector<1x1x16xf32>,
          %add3A_877 = arith.constant 24 : i32
          %add3A_878 = arith.addi %add3A_877, %scan3A_837 : i32
          %swap3A_879 = arith.index_cast %and3A_673 : i32 to index
          %swap3A_880 = arith.index_cast %add3A_878 : i32 to index
          %swap3A_881 = arith.index_cast %mul3A_849 : i32 to index
          %swap3A_882 = tpu.vector_load %arg7[%swap3A_879, %swap3A_880, %swap3A_881] {strides = array<i32>} : memref<4x32x768xf32, #tpu.memory_space<vmem>>, vector<1x1x16xf32>,
          %swap3A_883 = vector.shape_cast %swap3A_882 : vector<1x1x16xf32> to vector<16xf32>
          %swap3A_884 = vector.shape_cast %get3A_853 : vector<16xf32> to vector<1x1x16xf32>
          tpu.vector_store %arg7[%swap3A_879, %swap3A_880, %swap3A_881], %swap3A_884 {add = true, strides = array<i32>} : memref<4x32x768xf32, #tpu.memory_space<vmem>>, vector<1x1x16xf32>,
          %mul3A_885 = arith.constant 8 : i32
          %mul3A_886 = arith.muli %scan3A_843, %mul3A_885 : i32
          %add3A_887 = arith.constant 1 : i32
          %add3A_888 = arith.addi %mul3A_886, %add3A_887 : i32
          %mul3A_889 = arith.constant 16 : i32
          %mul3A_890 = arith.muli %add3A_888, %mul3A_889 : i32
          %get3A_891 = arith.index_cast %and3A_673 : i32 to index
          %get3A_892 = arith.index_cast %scan3A_837 : i32 to index
          %get3A_893 = arith.index_cast %mul3A_890 : i32 to index
          %get3A_894 = tpu.vector_load %arg8[%get3A_891, %get3A_892, %get3A_893] {strides = array<i32>} : memref<4x8x768xf32, #tpu.memory_space<vmem>>, vector<1x1x16xf32>,
          %get3A_895 = vector.shape_cast %get3A_894 : vector<1x1x16xf32> to vector<16xf32>
          %add3A_896 = arith.constant 0 : i32
          %add3A_897 = arith.addi %add3A_896, %scan3A_837 : i32
          %swap3A_898 = arith.index_cast %and3A_673 : i32 to index
          %swap3A_899 = arith.index_cast %add3A_897 : i32 to index
          %swap3A_900 = arith.index_cast %mul3A_890 : i32 to index
          %swap3A_901 = tpu.vector_load %arg7[%swap3A_898, %swap3A_899, %swap3A_900] {strides = array<i32>} : memref<4x32x768xf32, #tpu.memory_space<vmem>>, vector<1x1x16xf32>,
          %swap3A_902 = vector.shape_cast %swap3A_901 : vector<1x1x16xf32> to vector<16xf32>
          %swap3A_903 = vector.shape_cast %get3A_895 : vector<16xf32> to vector<1x1x16xf32>
          tpu.vector_store %arg7[%swap3A_898, %swap3A_899, %swap3A_900], %swap3A_903 {add = true, strides = array<i32>} : memref<4x32x768xf32, #tpu.memory_space<vmem>>, vector<1x1x16xf32>,
          %add3A_904 = arith.constant 8 : i32
          %add3A_905 = arith.addi %add3A_904, %scan3A_837 : i32
          %swap3A_906 = arith.index_cast %and3A_673 : i32 to index
          %swap3A_907 = arith.index_cast %add3A_905 : i32 to index
          %swap3A_908 = arith.index_cast %mul3A_890 : i32 to index
          %swap3A_909 = tpu.vector_load %arg7[%swap3A_906, %swap3A_907, %swap3A_908] {strides = array<i32>} : memref<4x32x768xf32, #tpu.memory_space<vmem>>, vector<1x1x16xf32>,
          %swap3A_910 = vector.shape_cast %swap3A_909 : vector<1x1x16xf32> to vector<16xf32>
          %swap3A_911 = vector.shape_cast %get3A_895 : vector<16xf32> to vector<1x1x16xf32>
          tpu.vector_store %arg7[%swap3A_906, %swap3A_907, %swap3A_908], %swap3A_911 {add = true, strides = array<i32>} : memref<4x32x768xf32, #tpu.memory_space<vmem>>, vector<1x1x16xf32>,
          %add3A_912 = arith.constant 16 : i32
          %add3A_913 = arith.addi %add3A_912, %scan3A_837 : i32
          %swap3A_914 = arith.index_cast %and3A_673 : i32 to index
          %swap3A_915 = arith.index_cast %add3A_913 : i32 to index
          %swap3A_916 = arith.index_cast %mul3A_890 : i32 to index
          %swap3A_917 = tpu.vector_load %arg7[%swap3A_914, %swap3A_915, %swap3A_916] {strides = array<i32>} : memref<4x32x768xf32, #tpu.memory_space<vmem>>, vector<1x1x16xf32>,
          %swap3A_918 = vector.shape_cast %swap3A_917 : vector<1x1x16xf32> to vector<16xf32>
          %swap3A_919 = vector.shape_cast %get3A_895 : vector<16xf32> to vector<1x1x16xf32>
          tpu.vector_store %arg7[%swap3A_914, %swap3A_915, %swap3A_916], %swap3A_919 {add = true, strides = array<i32>} : memref<4x32x768xf32, #tpu.memory_space<vmem>>, vector<1x1x16xf32>,
          %add3A_920 = arith.constant 24 : i32
          %add3A_921 = arith.addi %add3A_920, %scan3A_837 : i32
          %swap3A_922 = arith.index_cast %and3A_673 : i32 to index
          %swap3A_923 = arith.index_cast %add3A_921 : i32 to index
          %swap3A_924 = arith.index_cast %mul3A_890 : i32 to index
          %swap3A_925 = tpu.vector_load %arg7[%swap3A_922, %swap3A_923, %swap3A_924] {strides = array<i32>} : memref<4x32x768xf32, #tpu.memory_space<vmem>>, vector<1x1x16xf32>,
          %swap3A_926 = vector.shape_cast %swap3A_925 : vector<1x1x16xf32> to vector<16xf32>
          %swap3A_927 = vector.shape_cast %get3A_895 : vector<16xf32> to vector<1x1x16xf32>
          tpu.vector_store %arg7[%swap3A_922, %swap3A_923, %swap3A_924], %swap3A_927 {add = true, strides = array<i32>} : memref<4x32x768xf32, #tpu.memory_space<vmem>>, vector<1x1x16xf32>,
          %mul3A_928 = arith.constant 8 : i32
          %mul3A_929 = arith.muli %scan3A_843, %mul3A_928 : i32
          %add3A_930 = arith.constant 2 : i32
          %add3A_931 = arith.addi %mul3A_929, %add3A_930 : i32
          %mul3A_932 = arith.constant 16 : i32
          %mul3A_933 = arith.muli %add3A_931, %mul3A_932 : i32
          %get3A_934 = arith.index_cast %and3A_673 : i32 to index
          %get3A_935 = arith.index_cast %scan3A_837 : i32 to index
          %get3A_936 = arith.index_cast %mul3A_933 : i32 to index
          %get3A_937 = tpu.vector_load %arg8[%get3A_934, %get3A_935, %get3A_936] {strides = array<i32>} : memref<4x8x768xf32, #tpu.memory_space<vmem>>, vector<1x1x16xf32>,
          %get3A_938 = vector.shape_cast %get3A_937 : vector<1x1x16xf32> to vector<16xf32>
          %add3A_939 = arith.constant 0 : i32
          %add3A_940 = arith.addi %add3A_939, %scan3A_837 : i32
          %swap3A_941 = arith.index_cast %and3A_673 : i32 to index
          %swap3A_942 = arith.index_cast %add3A_940 : i32 to index
          %swap3A_943 = arith.index_cast %mul3A_933 : i32 to index
          %swap3A_944 = tpu.vector_load %arg7[%swap3A_941, %swap3A_942, %swap3A_943] {strides = array<i32>} : memref<4x32x768xf32, #tpu.memory_space<vmem>>, vector<1x1x16xf32>,
          %swap3A_945 = vector.shape_cast %swap3A_944 : vector<1x1x16xf32> to vector<16xf32>
          %swap3A_946 = vector.shape_cast %get3A_938 : vector<16xf32> to vector<1x1x16xf32>
          tpu.vector_store %arg7[%swap3A_941, %swap3A_942, %swap3A_943], %swap3A_946 {add = true, strides = array<i32>} : memref<4x32x768xf32, #tpu.memory_space<vmem>>, vector<1x1x16xf32>,
          %add3A_947 = arith.constant 8 : i32
          %add3A_948 = arith.addi %add3A_947, %scan3A_837 : i32
          %swap3A_949 = arith.index_cast %and3A_673 : i32 to index
          %swap3A_950 = arith.index_cast %add3A_948 : i32 to index
          %swap3A_951 = arith.index_cast %mul3A_933 : i32 to index
          %swap3A_952 = tpu.vector_load %arg7[%swap3A_949, %swap3A_950, %swap3A_951] {strides = array<i32>} : memref<4x32x768xf32, #tpu.memory_space<vmem>>, vector<1x1x16xf32>,
          %swap3A_953 = vector.shape_cast %swap3A_952 : vector<1x1x16xf32> to vector<16xf32>
          %swap3A_954 = vector.shape_cast %get3A_938 : vector<16xf32> to vector<1x1x16xf32>
          tpu.vector_store %arg7[%swap3A_949, %swap3A_950, %swap3A_951], %swap3A_954 {add = true, strides = array<i32>} : memref<4x32x768xf32, #tpu.memory_space<vmem>>, vector<1x1x16xf32>,
          %add3A_955 = arith.constant 16 : i32
          %add3A_956 = arith.addi %add3A_955, %scan3A_837 : i32
          %swap3A_957 = arith.index_cast %and3A_673 : i32 to index
          %swap3A_958 = arith.index_cast %add3A_956 : i32 to index
          %swap3A_959 = arith.index_cast %mul3A_933 : i32 to index
          %swap3A_960 = tpu.vector_load %arg7[%swap3A_957, %swap3A_958, %swap3A_959] {strides = array<i32>} : memref<4x32x768xf32, #tpu.memory_space<vmem>>, vector<1x1x16xf32>,
          %swap3A_961 = vector.shape_cast %swap3A_960 : vector<1x1x16xf32> to vector<16xf32>
          %swap3A_962 = vector.shape_cast %get3A_938 : vector<16xf32> to vector<1x1x16xf32>
          tpu.vector_store %arg7[%swap3A_957, %swap3A_958, %swap3A_959], %swap3A_962 {add = true, strides = array<i32>} : memref<4x32x768xf32, #tpu.memory_space<vmem>>, vector<1x1x16xf32>,
          %add3A_963 = arith.constant 24 : i32
          %add3A_964 = arith.addi %add3A_963, %scan3A_837 : i32
          %swap3A_965 = arith.index_cast %and3A_673 : i32 to index
          %swap3A_966 = arith.index_cast %add3A_964 : i32 to index
          %swap3A_967 = arith.index_cast %mul3A_933 : i32 to index
          %swap3A_968 = tpu.vector_load %arg7[%swap3A_965, %swap3A_966, %swap3A_967] {strides = array<i32>} : memref<4x32x768xf32, #tpu.memory_space<vmem>>, vector<1x1x16xf32>,
          %swap3A_969 = vector.shape_cast %swap3A_968 : vector<1x1x16xf32> to vector<16xf32>
          %swap3A_970 = vector.shape_cast %get3A_938 : vector<16xf32> to vector<1x1x16xf32>
          tpu.vector_store %arg7[%swap3A_965, %swap3A_966, %swap3A_967], %swap3A_970 {add = true, strides = array<i32>} : memref<4x32x768xf32, #tpu.memory_space<vmem>>, vector<1x1x16xf32>,
          %mul3A_971 = arith.constant 8 : i32
          %mul3A_972 = arith.muli %scan3A_843, %mul3A_971 : i32
          %add3A_973 = arith.constant 3 : i32
          %add3A_974 = arith.addi %mul3A_972, %add3A_973 : i32
          %mul3A_975 = arith.constant 16 : i32
          %mul3A_976 = arith.muli %add3A_974, %mul3A_975 : i32
          %get3A_977 = arith.index_cast %and3A_673 : i32 to index
          %get3A_978 = arith.index_cast %scan3A_837 : i32 to index
          %get3A_979 = arith.index_cast %mul3A_976 : i32 to index
          %get3A_980 = tpu.vector_load %arg8[%get3A_977, %get3A_978, %get3A_979] {strides = array<i32>} : memref<4x8x768xf32, #tpu.memory_space<vmem>>, vector<1x1x16xf32>,
          %get3A_981 = vector.shape_cast %get3A_980 : vector<1x1x16xf32> to vector<16xf32>
          %add3A_982 = arith.constant 0 : i32
          %add3A_983 = arith.addi %add3A_982, %scan3A_837 : i32
          %swap3A_984 = arith.index_cast %and3A_673 : i32 to index
          %swap3A_985 = arith.index_cast %add3A_983 : i32 to index
          %swap3A_986 = arith.index_cast %mul3A_976 : i32 to index
          %swap3A_987 = tpu.vector_load %arg7[%swap3A_984, %swap3A_985, %swap3A_986] {strides = array<i32>} : memref<4x32x768xf32, #tpu.memory_space<vmem>>, vector<1x1x16xf32>,
          %swap3A_988 = vector.shape_cast %swap3A_987 : vector<1x1x16xf32> to vector<16xf32>
          %swap3A_989 = vector.shape_cast %get3A_981 : vector<16xf32> to vector<1x1x16xf32>
          tpu.vector_store %arg7[%swap3A_984, %swap3A_985, %swap3A_986], %swap3A_989 {add = true, strides = array<i32>} : memref<4x32x768xf32, #tpu.memory_space<vmem>>, vector<1x1x16xf32>,
          %add3A_990 = arith.constant 8 : i32
          %add3A_991 = arith.addi %add3A_990, %scan3A_837 : i32
          %swap3A_992 = arith.index_cast %and3A_673 : i32 to index
          %swap3A_993 = arith.index_cast %add3A_991 : i32 to index
          %swap3A_994 = arith.index_cast %mul3A_976 : i32 to index
          %swap3A_995 = tpu.vector_load %arg7[%swap3A_992, %swap3A_993, %swap3A_994] {strides = array<i32>} : memref<4x32x768xf32, #tpu.memory_space<vmem>>, vector<1x1x16xf32>,
          %swap3A_996 = vector.shape_cast %swap3A_995 : vector<1x1x16xf32> to vector<16xf32>
          %swap3A_997 = vector.shape_cast %get3A_981 : vector<16xf32> to vector<1x1x16xf32>
          tpu.vector_store %arg7[%swap3A_992, %swap3A_993, %swap3A_994], %swap3A_997 {add = true, strides = array<i32>} : memref<4x32x768xf32, #tpu.memory_space<vmem>>, vector<1x1x16xf32>,
          %add3A_998 = arith.constant 16 : i32
          %add3A_999 = arith.addi %add3A_998, %scan3A_837 : i32
          %swap3A_1000 = arith.index_cast %and3A_673 : i32 to index
          %swap3A_1001 = arith.index_cast %add3A_999 : i32 to index
          %swap3A_1002 = arith.index_cast %mul3A_976 : i32 to index
          %swap3A_1003 = tpu.vector_load %arg7[%swap3A_1000, %swap3A_1001, %swap3A_1002] {strides = array<i32>} : memref<4x32x768xf32, #tpu.memory_space<vmem>>, vector<1x1x16xf32>,
          %swap3A_1004 = vector.shape_cast %swap3A_1003 : vector<1x1x16xf32> to vector<16xf32>
          %swap3A_1005 = vector.shape_cast %get3A_981 : vector<16xf32> to vector<1x1x16xf32>
          tpu.vector_store %arg7[%swap3A_1000, %swap3A_1001, %swap3A_1002], %swap3A_1005 {add = true, strides = array<i32>} : memref<4x32x768xf32, #tpu.memory_space<vmem>>, vector<1x1x16xf32>,
          %add3A_1006 = arith.constant 24 : i32
          %add3A_1007 = arith.addi %add3A_1006, %scan3A_837 : i32
          %swap3A_1008 = arith.index_cast %and3A_673 : i32 to index
          %swap3A_1009 = arith.index_cast %add3A_1007 : i32 to index
          %swap3A_1010 = arith.index_cast %mul3A_976 : i32 to index
          %swap3A_1011 = tpu.vector_load %arg7[%swap3A_1008, %swap3A_1009, %swap3A_1010] {strides = array<i32>} : memref<4x32x768xf32, #tpu.memory_space<vmem>>, vector<1x1x16xf32>,
          %swap3A_1012 = vector.shape_cast %swap3A_1011 : vector<1x1x16xf32> to vector<16xf32>
          %swap3A_1013 = vector.shape_cast %get3A_981 : vector<16xf32> to vector<1x1x16xf32>
          tpu.vector_store %arg7[%swap3A_1008, %swap3A_1009, %swap3A_1010], %swap3A_1013 {add = true, strides = array<i32>} : memref<4x32x768xf32, #tpu.memory_space<vmem>>, vector<1x1x16xf32>,
          %mul3A_1014 = arith.constant 8 : i32
          %mul3A_1015 = arith.muli %scan3A_843, %mul3A_1014 : i32
          %add3A_1016 = arith.constant 4 : i32
          %add3A_1017 = arith.addi %mul3A_1015, %add3A_1016 : i32
          %mul3A_1018 = arith.constant 16 : i32
          %mul3A_1019 = arith.muli %add3A_1017, %mul3A_1018 : i32
          %get3A_1020 = arith.index_cast %and3A_673 : i32 to index
          %get3A_1021 = arith.index_cast %scan3A_837 : i32 to index
          %get3A_1022 = arith.index_cast %mul3A_1019 : i32 to index
          %get3A_1023 = tpu.vector_load %arg8[%get3A_1020, %get3A_1021, %get3A_1022] {strides = array<i32>} : memref<4x8x768xf32, #tpu.memory_space<vmem>>, vector<1x1x16xf32>,
          %get3A_1024 = vector.shape_cast %get3A_1023 : vector<1x1x16xf32> to vector<16xf32>
          %add3A_1025 = arith.constant 0 : i32
          %add3A_1026 = arith.addi %add3A_1025, %scan3A_837 : i32
          %swap3A_1027 = arith.index_cast %and3A_673 : i32 to index
          %swap3A_1028 = arith.index_cast %add3A_1026 : i32 to index
          %swap3A_1029 = arith.index_cast %mul3A_1019 : i32 to index
          %swap3A_1030 = tpu.vector_load %arg7[%swap3A_1027, %swap3A_1028, %swap3A_1029] {strides = array<i32>} : memref<4x32x768xf32, #tpu.memory_space<vmem>>, vector<1x1x16xf32>,
          %swap3A_1031 = vector.shape_cast %swap3A_1030 : vector<1x1x16xf32> to vector<16xf32>
          %swap3A_1032 = vector.shape_cast %get3A_1024 : vector<16xf32> to vector<1x1x16xf32>
          tpu.vector_store %arg7[%swap3A_1027, %swap3A_1028, %swap3A_1029], %swap3A_1032 {add = true, strides = array<i32>} : memref<4x32x768xf32, #tpu.memory_space<vmem>>, vector<1x1x16xf32>,
          %add3A_1033 = arith.constant 8 : i32
          %add3A_1034 = arith.addi %add3A_1033, %scan3A_837 : i32
          %swap3A_1035 = arith.index_cast %and3A_673 : i32 to index
          %swap3A_1036 = arith.index_cast %add3A_1034 : i32 to index
          %swap3A_1037 = arith.index_cast %mul3A_1019 : i32 to index
          %swap3A_1038 = tpu.vector_load %arg7[%swap3A_1035, %swap3A_1036, %swap3A_1037] {strides = array<i32>} : memref<4x32x768xf32, #tpu.memory_space<vmem>>, vector<1x1x16xf32>,
          %swap3A_1039 = vector.shape_cast %swap3A_1038 : vector<1x1x16xf32> to vector<16xf32>
          %swap3A_1040 = vector.shape_cast %get3A_1024 : vector<16xf32> to vector<1x1x16xf32>
          tpu.vector_store %arg7[%swap3A_1035, %swap3A_1036, %swap3A_1037], %swap3A_1040 {add = true, strides = array<i32>} : memref<4x32x768xf32, #tpu.memory_space<vmem>>, vector<1x1x16xf32>,
          %add3A_1041 = arith.constant 16 : i32
          %add3A_1042 = arith.addi %add3A_1041, %scan3A_837 : i32
          %swap3A_1043 = arith.index_cast %and3A_673 : i32 to index
          %swap3A_1044 = arith.index_cast %add3A_1042 : i32 to index
          %swap3A_1045 = arith.index_cast %mul3A_1019 : i32 to index
          %swap3A_1046 = tpu.vector_load %arg7[%swap3A_1043, %swap3A_1044, %swap3A_1045] {strides = array<i32>} : memref<4x32x768xf32, #tpu.memory_space<vmem>>, vector<1x1x16xf32>,
          %swap3A_1047 = vector.shape_cast %swap3A_1046 : vector<1x1x16xf32> to vector<16xf32>
          %swap3A_1048 = vector.shape_cast %get3A_1024 : vector<16xf32> to vector<1x1x16xf32>
          tpu.vector_store %arg7[%swap3A_1043, %swap3A_1044, %swap3A_1045], %swap3A_1048 {add = true, strides = array<i32>} : memref<4x32x768xf32, #tpu.memory_space<vmem>>, vector<1x1x16xf32>,
          %add3A_1049 = arith.constant 24 : i32
          %add3A_1050 = arith.addi %add3A_1049, %scan3A_837 : i32
          %swap3A_1051 = arith.index_cast %and3A_673 : i32 to index
          %swap3A_1052 = arith.index_cast %add3A_1050 : i32 to index
          %swap3A_1053 = arith.index_cast %mul3A_1019 : i32 to index
          %swap3A_1054 = tpu.vector_load %arg7[%swap3A_1051, %swap3A_1052, %swap3A_1053] {strides = array<i32>} : memref<4x32x768xf32, #tpu.memory_space<vmem>>, vector<1x1x16xf32>,
          %swap3A_1055 = vector.shape_cast %swap3A_1054 : vector<1x1x16xf32> to vector<16xf32>
          %swap3A_1056 = vector.shape_cast %get3A_1024 : vector<16xf32> to vector<1x1x16xf32>
          tpu.vector_store %arg7[%swap3A_1051, %swap3A_1052, %swap3A_1053], %swap3A_1056 {add = true, strides = array<i32>} : memref<4x32x768xf32, #tpu.memory_space<vmem>>, vector<1x1x16xf32>,
          %mul3A_1057 = arith.constant 8 : i32
          %mul3A_1058 = arith.muli %scan3A_843, %mul3A_1057 : i32
          %add3A_1059 = arith.constant 5 : i32
          %add3A_1060 = arith.addi %mul3A_1058, %add3A_1059 : i32
          %mul3A_1061 = arith.constant 16 : i32
          %mul3A_1062 = arith.muli %add3A_1060, %mul3A_1061 : i32
          %get3A_1063 = arith.index_cast %and3A_673 : i32 to index
          %get3A_1064 = arith.index_cast %scan3A_837 : i32 to index
          %get3A_1065 = arith.index_cast %mul3A_1062 : i32 to index
          %get3A_1066 = tpu.vector_load %arg8[%get3A_1063, %get3A_1064, %get3A_1065] {strides = array<i32>} : memref<4x8x768xf32, #tpu.memory_space<vmem>>, vector<1x1x16xf32>,
          %get3A_1067 = vector.shape_cast %get3A_1066 : vector<1x1x16xf32> to vector<16xf32>
          %add3A_1068 = arith.constant 0 : i32
          %add3A_1069 = arith.addi %add3A_1068, %scan3A_837 : i32
          %swap3A_1070 = arith.index_cast %and3A_673 : i32 to index
          %swap3A_1071 = arith.index_cast %add3A_1069 : i32 to index
          %swap3A_1072 = arith.index_cast %mul3A_1062 : i32 to index
          %swap3A_1073 = tpu.vector_load %arg7[%swap3A_1070, %swap3A_1071, %swap3A_1072] {strides = array<i32>} : memref<4x32x768xf32, #tpu.memory_space<vmem>>, vector<1x1x16xf32>,
          %swap3A_1074 = vector.shape_cast %swap3A_1073 : vector<1x1x16xf32> to vector<16xf32>
          %swap3A_1075 = vector.shape_cast %get3A_1067 : vector<16xf32> to vector<1x1x16xf32>
          tpu.vector_store %arg7[%swap3A_1070, %swap3A_1071, %swap3A_1072], %swap3A_1075 {add = true, strides = array<i32>} : memref<4x32x768xf32, #tpu.memory_space<vmem>>, vector<1x1x16xf32>,
          %add3A_1076 = arith.constant 8 : i32
          %add3A_1077 = arith.addi %add3A_1076, %scan3A_837 : i32
          %swap3A_1078 = arith.index_cast %and3A_673 : i32 to index
          %swap3A_1079 = arith.index_cast %add3A_1077 : i32 to index
          %swap3A_1080 = arith.index_cast %mul3A_1062 : i32 to index
          %swap3A_1081 = tpu.vector_load %arg7[%swap3A_1078, %swap3A_1079, %swap3A_1080] {strides = array<i32>} : memref<4x32x768xf32, #tpu.memory_space<vmem>>, vector<1x1x16xf32>,
          %swap3A_1082 = vector.shape_cast %swap3A_1081 : vector<1x1x16xf32> to vector<16xf32>
          %swap3A_1083 = vector.shape_cast %get3A_1067 : vector<16xf32> to vector<1x1x16xf32>
          tpu.vector_store %arg7[%swap3A_1078, %swap3A_1079, %swap3A_1080], %swap3A_1083 {add = true, strides = array<i32>} : memref<4x32x768xf32, #tpu.memory_space<vmem>>, vector<1x1x16xf32>,
          %add3A_1084 = arith.constant 16 : i32
          %add3A_1085 = arith.addi %add3A_1084, %scan3A_837 : i32
          %swap3A_1086 = arith.index_cast %and3A_673 : i32 to index
          %swap3A_1087 = arith.index_cast %add3A_1085 : i32 to index
          %swap3A_1088 = arith.index_cast %mul3A_1062 : i32 to index
          %swap3A_1089 = tpu.vector_load %arg7[%swap3A_1086, %swap3A_1087, %swap3A_1088] {strides = array<i32>} : memref<4x32x768xf32, #tpu.memory_space<vmem>>, vector<1x1x16xf32>,
          %swap3A_1090 = vector.shape_cast %swap3A_1089 : vector<1x1x16xf32> to vector<16xf32>
          %swap3A_1091 = vector.shape_cast %get3A_1067 : vector<16xf32> to vector<1x1x16xf32>
          tpu.vector_store %arg7[%swap3A_1086, %swap3A_1087, %swap3A_1088], %swap3A_1091 {add = true, strides = array<i32>} : memref<4x32x768xf32, #tpu.memory_space<vmem>>, vector<1x1x16xf32>,
          %add3A_1092 = arith.constant 24 : i32
          %add3A_1093 = arith.addi %add3A_1092, %scan3A_837 : i32
          %swap3A_1094 = arith.index_cast %and3A_673 : i32 to index
          %swap3A_1095 = arith.index_cast %add3A_1093 : i32 to index
          %swap3A_1096 = arith.index_cast %mul3A_1062 : i32 to index
          %swap3A_1097 = tpu.vector_load %arg7[%swap3A_1094, %swap3A_1095, %swap3A_1096] {strides = array<i32>} : memref<4x32x768xf32, #tpu.memory_space<vmem>>, vector<1x1x16xf32>,
          %swap3A_1098 = vector.shape_cast %swap3A_1097 : vector<1x1x16xf32> to vector<16xf32>
          %swap3A_1099 = vector.shape_cast %get3A_1067 : vector<16xf32> to vector<1x1x16xf32>
          tpu.vector_store %arg7[%swap3A_1094, %swap3A_1095, %swap3A_1096], %swap3A_1099 {add = true, strides = array<i32>} : memref<4x32x768xf32, #tpu.memory_space<vmem>>, vector<1x1x16xf32>,
          %mul3A_1100 = arith.constant 8 : i32
          %mul3A_1101 = arith.muli %scan3A_843, %mul3A_1100 : i32
          %add3A_1102 = arith.constant 6 : i32
          %add3A_1103 = arith.addi %mul3A_1101, %add3A_1102 : i32
          %mul3A_1104 = arith.constant 16 : i32
          %mul3A_1105 = arith.muli %add3A_1103, %mul3A_1104 : i32
          %get3A_1106 = arith.index_cast %and3A_673 : i32 to index
          %get3A_1107 = arith.index_cast %scan3A_837 : i32 to index
          %get3A_1108 = arith.index_cast %mul3A_1105 : i32 to index
          %get3A_1109 = tpu.vector_load %arg8[%get3A_1106, %get3A_1107, %get3A_1108] {strides = array<i32>} : memref<4x8x768xf32, #tpu.memory_space<vmem>>, vector<1x1x16xf32>,
          %get3A_1110 = vector.shape_cast %get3A_1109 : vector<1x1x16xf32> to vector<16xf32>
          %add3A_1111 = arith.constant 0 : i32
          %add3A_1112 = arith.addi %add3A_1111, %scan3A_837 : i32
          %swap3A_1113 = arith.index_cast %and3A_673 : i32 to index
          %swap3A_1114 = arith.index_cast %add3A_1112 : i32 to index
          %swap3A_1115 = arith.index_cast %mul3A_1105 : i32 to index
          %swap3A_1116 = tpu.vector_load %arg7[%swap3A_1113, %swap3A_1114, %swap3A_1115] {strides = array<i32>} : memref<4x32x768xf32, #tpu.memory_space<vmem>>, vector<1x1x16xf32>,
          %swap3A_1117 = vector.shape_cast %swap3A_1116 : vector<1x1x16xf32> to vector<16xf32>
          %swap3A_1118 = vector.shape_cast %get3A_1110 : vector<16xf32> to vector<1x1x16xf32>
          tpu.vector_store %arg7[%swap3A_1113, %swap3A_1114, %swap3A_1115], %swap3A_1118 {add = true, strides = array<i32>} : memref<4x32x768xf32, #tpu.memory_space<vmem>>, vector<1x1x16xf32>,
          %add3A_1119 = arith.constant 8 : i32
          %add3A_1120 = arith.addi %add3A_1119, %scan3A_837 : i32
          %swap3A_1121 = arith.index_cast %and3A_673 : i32 to index
          %swap3A_1122 = arith.index_cast %add3A_1120 : i32 to index
          %swap3A_1123 = arith.index_cast %mul3A_1105 : i32 to index
          %swap3A_1124 = tpu.vector_load %arg7[%swap3A_1121, %swap3A_1122, %swap3A_1123] {strides = array<i32>} : memref<4x32x768xf32, #tpu.memory_space<vmem>>, vector<1x1x16xf32>,
          %swap3A_1125 = vector.shape_cast %swap3A_1124 : vector<1x1x16xf32> to vector<16xf32>
          %swap3A_1126 = vector.shape_cast %get3A_1110 : vector<16xf32> to vector<1x1x16xf32>
          tpu.vector_store %arg7[%swap3A_1121, %swap3A_1122, %swap3A_1123], %swap3A_1126 {add = true, strides = array<i32>} : memref<4x32x768xf32, #tpu.memory_space<vmem>>, vector<1x1x16xf32>,
          %add3A_1127 = arith.constant 16 : i32
          %add3A_1128 = arith.addi %add3A_1127, %scan3A_837 : i32
          %swap3A_1129 = arith.index_cast %and3A_673 : i32 to index
          %swap3A_1130 = arith.index_cast %add3A_1128 : i32 to index
          %swap3A_1131 = arith.index_cast %mul3A_1105 : i32 to index
          %swap3A_1132 = tpu.vector_load %arg7[%swap3A_1129, %swap3A_1130, %swap3A_1131] {strides = array<i32>} : memref<4x32x768xf32, #tpu.memory_space<vmem>>, vector<1x1x16xf32>,
          %swap3A_1133 = vector.shape_cast %swap3A_1132 : vector<1x1x16xf32> to vector<16xf32>
          %swap3A_1134 = vector.shape_cast %get3A_1110 : vector<16xf32> to vector<1x1x16xf32>
          tpu.vector_store %arg7[%swap3A_1129, %swap3A_1130, %swap3A_1131], %swap3A_1134 {add = true, strides = array<i32>} : memref<4x32x768xf32, #tpu.memory_space<vmem>>, vector<1x1x16xf32>,
          %add3A_1135 = arith.constant 24 : i32
          %add3A_1136 = arith.addi %add3A_1135, %scan3A_837 : i32
          %swap3A_1137 = arith.index_cast %and3A_673 : i32 to index
          %swap3A_1138 = arith.index_cast %add3A_1136 : i32 to index
          %swap3A_1139 = arith.index_cast %mul3A_1105 : i32 to index
          %swap3A_1140 = tpu.vector_load %arg7[%swap3A_1137, %swap3A_1138, %swap3A_1139] {strides = array<i32>} : memref<4x32x768xf32, #tpu.memory_space<vmem>>, vector<1x1x16xf32>,
          %swap3A_1141 = vector.shape_cast %swap3A_1140 : vector<1x1x16xf32> to vector<16xf32>
          %swap3A_1142 = vector.shape_cast %get3A_1110 : vector<16xf32> to vector<1x1x16xf32>
          tpu.vector_store %arg7[%swap3A_1137, %swap3A_1138, %swap3A_1139], %swap3A_1142 {add = true, strides = array<i32>} : memref<4x32x768xf32, #tpu.memory_space<vmem>>, vector<1x1x16xf32>,
          %mul3A_1143 = arith.constant 8 : i32
          %mul3A_1144 = arith.muli %scan3A_843, %mul3A_1143 : i32
          %add3A_1145 = arith.constant 7 : i32
          %add3A_1146 = arith.addi %mul3A_1144, %add3A_1145 : i32
          %mul3A_1147 = arith.constant 16 : i32
          %mul3A_1148 = arith.muli %add3A_1146, %mul3A_1147 : i32
          %get3A_1149 = arith.index_cast %and3A_673 : i32 to index
          %get3A_1150 = arith.index_cast %scan3A_837 : i32 to index
          %get3A_1151 = arith.index_cast %mul3A_1148 : i32 to index
          %get3A_1152 = tpu.vector_load %arg8[%get3A_1149, %get3A_1150, %get3A_1151] {strides = array<i32>} : memref<4x8x768xf32, #tpu.memory_space<vmem>>, vector<1x1x16xf32>,
          %get3A_1153 = vector.shape_cast %get3A_1152 : vector<1x1x16xf32> to vector<16xf32>
          %add3A_1154 = arith.constant 0 : i32
          %add3A_1155 = arith.addi %add3A_1154, %scan3A_837 : i32
          %swap3A_1156 = arith.index_cast %and3A_673 : i32 to index
          %swap3A_1157 = arith.index_cast %add3A_1155 : i32 to index
          %swap3A_1158 = arith.index_cast %mul3A_1148 : i32 to index
          %swap3A_1159 = tpu.vector_load %arg7[%swap3A_1156, %swap3A_1157, %swap3A_1158] {strides = array<i32>} : memref<4x32x768xf32, #tpu.memory_space<vmem>>, vector<1x1x16xf32>,
          %swap3A_1160 = vector.shape_cast %swap3A_1159 : vector<1x1x16xf32> to vector<16xf32>
          %swap3A_1161 = vector.shape_cast %get3A_1153 : vector<16xf32> to vector<1x1x16xf32>
          tpu.vector_store %arg7[%swap3A_1156, %swap3A_1157, %swap3A_1158], %swap3A_1161 {add = true, strides = array<i32>} : memref<4x32x768xf32, #tpu.memory_space<vmem>>, vector<1x1x16xf32>,
          %add3A_1162 = arith.constant 8 : i32
          %add3A_1163 = arith.addi %add3A_1162, %scan3A_837 : i32
          %swap3A_1164 = arith.index_cast %and3A_673 : i32 to index
          %swap3A_1165 = arith.index_cast %add3A_1163 : i32 to index
          %swap3A_1166 = arith.index_cast %mul3A_1148 : i32 to index
          %swap3A_1167 = tpu.vector_load %arg7[%swap3A_1164, %swap3A_1165, %swap3A_1166] {strides = array<i32>} : memref<4x32x768xf32, #tpu.memory_space<vmem>>, vector<1x1x16xf32>,
          %swap3A_1168 = vector.shape_cast %swap3A_1167 : vector<1x1x16xf32> to vector<16xf32>
          %swap3A_1169 = vector.shape_cast %get3A_1153 : vector<16xf32> to vector<1x1x16xf32>
          tpu.vector_store %arg7[%swap3A_1164, %swap3A_1165, %swap3A_1166], %swap3A_1169 {add = true, strides = array<i32>} : memref<4x32x768xf32, #tpu.memory_space<vmem>>, vector<1x1x16xf32>,
          %add3A_1170 = arith.constant 16 : i32
          %add3A_1171 = arith.addi %add3A_1170, %scan3A_837 : i32
          %swap3A_1172 = arith.index_cast %and3A_673 : i32 to index
          %swap3A_1173 = arith.index_cast %add3A_1171 : i32 to index
          %swap3A_1174 = arith.index_cast %mul3A_1148 : i32 to index
          %swap3A_1175 = tpu.vector_load %arg7[%swap3A_1172, %swap3A_1173, %swap3A_1174] {strides = array<i32>} : memref<4x32x768xf32, #tpu.memory_space<vmem>>, vector<1x1x16xf32>,
          %swap3A_1176 = vector.shape_cast %swap3A_1175 : vector<1x1x16xf32> to vector<16xf32>
          %swap3A_1177 = vector.shape_cast %get3A_1153 : vector<16xf32> to vector<1x1x16xf32>
          tpu.vector_store %arg7[%swap3A_1172, %swap3A_1173, %swap3A_1174], %swap3A_1177 {add = true, strides = array<i32>} : memref<4x32x768xf32, #tpu.memory_space<vmem>>, vector<1x1x16xf32>,
          %add3A_1178 = arith.constant 24 : i32
          %add3A_1179 = arith.addi %add3A_1178, %scan3A_837 : i32
          %swap3A_1180 = arith.index_cast %and3A_673 : i32 to index
          %swap3A_1181 = arith.index_cast %add3A_1179 : i32 to index
          %swap3A_1182 = arith.index_cast %mul3A_1148 : i32 to index
          %swap3A_1183 = tpu.vector_load %arg7[%swap3A_1180, %swap3A_1181, %swap3A_1182] {strides = array<i32>} : memref<4x32x768xf32, #tpu.memory_space<vmem>>, vector<1x1x16xf32>,
          %swap3A_1184 = vector.shape_cast %swap3A_1183 : vector<1x1x16xf32> to vector<16xf32>
          %swap3A_1185 = vector.shape_cast %get3A_1153 : vector<16xf32> to vector<1x1x16xf32>
          tpu.vector_store %arg7[%swap3A_1180, %swap3A_1181, %swap3A_1182], %swap3A_1185 {add = true, strides = array<i32>} : memref<4x32x768xf32, #tpu.memory_space<vmem>>, vector<1x1x16xf32>,
        }
        %scan3A_842 = arith.constant 6 : i32
      }
      %scan3A_752 = arith.constant 8 : i32
      %mul3A_753 = arith.constant 8 : i32
      %mul3A_754 = arith.muli %scan3A_672, %mul3A_753 : i32
      %add3A_755 = arith.addi %mul3A_2, %mul3A_754 : i32
      %dma_start3A_756 = arith.constant 0 : i32
      %dma_start3A_757 = arith.constant 0 : i32
      %dma_start3A_758 = arith.constant 0 : i32
      %dma_start3A_759 = tpu.memref_slice %arg7[%and3A_673, %dma_start3A_757, %dma_start3A_758] : memref<4x32x768xf32, #tpu.memory_space<vmem>> -> memref<1x8x768xf32, #tpu.memory_space<vmem>>
      %dma_start3A_760 = tpu.memref_squeeze %dma_start3A_759 : memref<1x8x768xf32, #tpu.memory_space<vmem>> -> memref<8x768xf32, #tpu.memory_space<vmem>>
      %dma_start3A_761 = arith.constant 0 : i32
      %dma_start3A_762 = tpu.memref_slice %arg5[%dma_start3A_756, %add3A_755, %dma_start3A_761] : memref<4x2048x768xf32, #tpu.memory_space<hbm>> -> memref<1x8x768xf32, #tpu.memory_space<hbm>>
      %dma_start3A_763 = tpu.memref_squeeze %dma_start3A_762 : memref<1x8x768xf32, #tpu.memory_space<hbm>> -> memref<8x768xf32, #tpu.memory_space<hbm>>
      %dma_start3A_764 = tpu.memref_slice %arg11[%and3A_673] : memref<4x!tpu.dma_semaphore, #tpu.memory_space<semaphore_mem>> -> memref<1x!tpu.dma_semaphore, #tpu.memory_space<semaphore_mem>>
      %dma_start3A_765 = tpu.memref_squeeze %dma_start3A_764 : memref<1x!tpu.dma_semaphore, #tpu.memory_space<semaphore_mem>> -> memref<!tpu.dma_semaphore, #tpu.memory_space<semaphore_mem>>
      %dma_start3A_766 = arith.constant 0 : i32
      %dma_start3A_767 = tpu.memref_slice %arg5[%dma_start3A_756, %add3A_755, %dma_start3A_766] : memref<4x2048x768xf32, #tpu.memory_space<hbm>> -> memref<1x8x768xf32, #tpu.memory_space<hbm>>
      %dma_start3A_768 = tpu.memref_squeeze %dma_start3A_767 : memref<1x8x768xf32, #tpu.memory_space<hbm>> -> memref<8x768xf32, #tpu.memory_space<hbm>>
      %dma_start3A_769 = arith.constant 0 : i32
      %dma_start3A_770 = arith.constant 0 : i32
      %dma_start3A_771 = tpu.memref_slice %arg7[%and3A_673, %dma_start3A_769, %dma_start3A_770] : memref<4x32x768xf32, #tpu.memory_space<vmem>> -> memref<1x8x768xf32, #tpu.memory_space<vmem>>
      %dma_start3A_772 = tpu.memref_squeeze %dma_start3A_771 : memref<1x8x768xf32, #tpu.memory_space<vmem>> -> memref<8x768xf32, #tpu.memory_space<vmem>>
      tpu.enqueue_dma source(%dma_start3A_772 : memref<8x768xf32, #tpu.memory_space<vmem>>) target(%dma_start3A_768 : memref<8x768xf32, #tpu.memory_space<hbm>>) target_semaphore(%dma_start3A_765 : memref<!tpu.dma_semaphore, #tpu.memory_space<semaphore_mem>>)
      %mul3A_773 = arith.constant 8 : i32
      %mul3A_774 = arith.muli %scan3A_672, %mul3A_773 : i32
      %add3A_775 = arith.addi %mul3A_2, %mul3A_774 : i32
      %dma_start3A_776 = arith.constant 1 : i32
      %dma_start3A_777 = arith.constant 8 : i32
      %dma_start3A_778 = arith.constant 0 : i32
      %dma_start3A_779 = tpu.memref_slice %arg7[%and3A_673, %dma_start3A_777, %dma_start3A_778] : memref<4x32x768xf32, #tpu.memory_space<vmem>> -> memref<1x8x768xf32, #tpu.memory_space<vmem>>
      %dma_start3A_780 = tpu.memref_squeeze %dma_start3A_779 : memref<1x8x768xf32, #tpu.memory_space<vmem>> -> memref<8x768xf32, #tpu.memory_space<vmem>>
      %dma_start3A_781 = arith.constant 0 : i32
      %dma_start3A_782 = tpu.memref_slice %arg5[%dma_start3A_776, %add3A_775, %dma_start3A_781] : memref<4x2048x768xf32, #tpu.memory_space<hbm>> -> memref<1x8x768xf32, #tpu.memory_space<hbm>>
      %dma_start3A_783 = tpu.memref_squeeze %dma_start3A_782 : memref<1x8x768xf32, #tpu.memory_space<hbm>> -> memref<8x768xf32, #tpu.memory_space<hbm>>
      %dma_start3A_784 = tpu.memref_slice %arg11[%and3A_673] : memref<4x!tpu.dma_semaphore, #tpu.memory_space<semaphore_mem>> -> memref<1x!tpu.dma_semaphore, #tpu.memory_space<semaphore_mem>>
      %dma_start3A_785 = tpu.memref_squeeze %dma_start3A_784 : memref<1x!tpu.dma_semaphore, #tpu.memory_space<semaphore_mem>> -> memref<!tpu.dma_semaphore, #tpu.memory_space<semaphore_mem>>
      %dma_start3A_786 = arith.constant 0 : i32
      %dma_start3A_787 = tpu.memref_slice %arg5[%dma_start3A_776, %add3A_775, %dma_start3A_786] : memref<4x2048x768xf32, #tpu.memory_space<hbm>> -> memref<1x8x768xf32, #tpu.memory_space<hbm>>
      %dma_start3A_788 = tpu.memref_squeeze %dma_start3A_787 : memref<1x8x768xf32, #tpu.memory_space<hbm>> -> memref<8x768xf32, #tpu.memory_space<hbm>>
      %dma_start3A_789 = arith.constant 8 : i32
      %dma_start3A_790 = arith.constant 0 : i32
      %dma_start3A_791 = tpu.memref_slice %arg7[%and3A_673, %dma_start3A_789, %dma_start3A_790] : memref<4x32x768xf32, #tpu.memory_space<vmem>> -> memref<1x8x768xf32, #tpu.memory_space<vmem>>
      %dma_start3A_792 = tpu.memref_squeeze %dma_start3A_791 : memref<1x8x768xf32, #tpu.memory_space<vmem>> -> memref<8x768xf32, #tpu.memory_space<vmem>>
      tpu.enqueue_dma source(%dma_start3A_792 : memref<8x768xf32, #tpu.memory_space<vmem>>) target(%dma_start3A_788 : memref<8x768xf32, #tpu.memory_space<hbm>>) target_semaphore(%dma_start3A_785 : memref<!tpu.dma_semaphore, #tpu.memory_space<semaphore_mem>>)
      %mul3A_793 = arith.constant 8 : i32
      %mul3A_794 = arith.muli %scan3A_672, %mul3A_793 : i32
      %add3A_795 = arith.addi %mul3A_2, %mul3A_794 : i32
      %dma_start3A_796 = arith.constant 2 : i32
      %dma_start3A_797 = arith.constant 16 : i32
      %dma_start3A_798 = arith.constant 0 : i32
      %dma_start3A_799 = tpu.memref_slice %arg7[%and3A_673, %dma_start3A_797, %dma_start3A_798] : memref<4x32x768xf32, #tpu.memory_space<vmem>> -> memref<1x8x768xf32, #tpu.memory_space<vmem>>
      %dma_start3A_800 = tpu.memref_squeeze %dma_start3A_799 : memref<1x8x768xf32, #tpu.memory_space<vmem>> -> memref<8x768xf32, #tpu.memory_space<vmem>>
      %dma_start3A_801 = arith.constant 0 : i32
      %dma_start3A_802 = tpu.memref_slice %arg5[%dma_start3A_796, %add3A_795, %dma_start3A_801] : memref<4x2048x768xf32, #tpu.memory_space<hbm>> -> memref<1x8x768xf32, #tpu.memory_space<hbm>>
      %dma_start3A_803 = tpu.memref_squeeze %dma_start3A_802 : memref<1x8x768xf32, #tpu.memory_space<hbm>> -> memref<8x768xf32, #tpu.memory_space<hbm>>
      %dma_start3A_804 = tpu.memref_slice %arg11[%and3A_673] : memref<4x!tpu.dma_semaphore, #tpu.memory_space<semaphore_mem>> -> memref<1x!tpu.dma_semaphore, #tpu.memory_space<semaphore_mem>>
      %dma_start3A_805 = tpu.memref_squeeze %dma_start3A_804 : memref<1x!tpu.dma_semaphore, #tpu.memory_space<semaphore_mem>> -> memref<!tpu.dma_semaphore, #tpu.memory_space<semaphore_mem>>
      %dma_start3A_806 = arith.constant 0 : i32
      %dma_start3A_807 = tpu.memref_slice %arg5[%dma_start3A_796, %add3A_795, %dma_start3A_806] : memref<4x2048x768xf32, #tpu.memory_space<hbm>> -> memref<1x8x768xf32, #tpu.memory_space<hbm>>
      %dma_start3A_808 = tpu.memref_squeeze %dma_start3A_807 : memref<1x8x768xf32, #tpu.memory_space<hbm>> -> memref<8x768xf32, #tpu.memory_space<hbm>>
      %dma_start3A_809 = arith.constant 16 : i32
      %dma_start3A_810 = arith.constant 0 : i32
      %dma_start3A_811 = tpu.memref_slice %arg7[%and3A_673, %dma_start3A_809, %dma_start3A_810] : memref<4x32x768xf32, #tpu.memory_space<vmem>> -> memref<1x8x768xf32, #tpu.memory_space<vmem>>
      %dma_start3A_812 = tpu.memref_squeeze %dma_start3A_811 : memref<1x8x768xf32, #tpu.memory_space<vmem>> -> memref<8x768xf32, #tpu.memory_space<vmem>>
      tpu.enqueue_dma source(%dma_start3A_812 : memref<8x768xf32, #tpu.memory_space<vmem>>) target(%dma_start3A_808 : memref<8x768xf32, #tpu.memory_space<hbm>>) target_semaphore(%dma_start3A_805 : memref<!tpu.dma_semaphore, #tpu.memory_space<semaphore_mem>>)
      %mul3A_813 = arith.constant 8 : i32
      %mul3A_814 = arith.muli %scan3A_672, %mul3A_813 : i32
      %add3A_815 = arith.addi %mul3A_2, %mul3A_814 : i32
      %dma_start3A_816 = arith.constant 3 : i32
      %dma_start3A_817 = arith.constant 24 : i32
      %dma_start3A_818 = arith.constant 0 : i32
      %dma_start3A_819 = tpu.memref_slice %arg7[%and3A_673, %dma_start3A_817, %dma_start3A_818] : memref<4x32x768xf32, #tpu.memory_space<vmem>> -> memref<1x8x768xf32, #tpu.memory_space<vmem>>
      %dma_start3A_820 = tpu.memref_squeeze %dma_start3A_819 : memref<1x8x768xf32, #tpu.memory_space<vmem>> -> memref<8x768xf32, #tpu.memory_space<vmem>>
      %dma_start3A_821 = arith.constant 0 : i32
      %dma_start3A_822 = tpu.memref_slice %arg5[%dma_start3A_816, %add3A_815, %dma_start3A_821] : memref<4x2048x768xf32, #tpu.memory_space<hbm>> -> memref<1x8x768xf32, #tpu.memory_space<hbm>>
      %dma_start3A_823 = tpu.memref_squeeze %dma_start3A_822 : memref<1x8x768xf32, #tpu.memory_space<hbm>> -> memref<8x768xf32, #tpu.memory_space<hbm>>
      %dma_start3A_824 = tpu.memref_slice %arg11[%and3A_673] : memref<4x!tpu.dma_semaphore, #tpu.memory_space<semaphore_mem>> -> memref<1x!tpu.dma_semaphore, #tpu.memory_space<semaphore_mem>>
      %dma_start3A_825 = tpu.memref_squeeze %dma_start3A_824 : memref<1x!tpu.dma_semaphore, #tpu.memory_space<semaphore_mem>> -> memref<!tpu.dma_semaphore, #tpu.memory_space<semaphore_mem>>
      %dma_start3A_826 = arith.constant 0 : i32
      %dma_start3A_827 = tpu.memref_slice %arg5[%dma_start3A_816, %add3A_815, %dma_start3A_826] : memref<4x2048x768xf32, #tpu.memory_space<hbm>> -> memref<1x8x768xf32, #tpu.memory_space<hbm>>
      %dma_start3A_828 = tpu.memref_squeeze %dma_start3A_827 : memref<1x8x768xf32, #tpu.memory_space<hbm>> -> memref<8x768xf32, #tpu.memory_space<hbm>>
      %dma_start3A_829 = arith.constant 24 : i32
      %dma_start3A_830 = arith.constant 0 : i32
      %dma_start3A_831 = tpu.memref_slice %arg7[%and3A_673, %dma_start3A_829, %dma_start3A_830] : memref<4x32x768xf32, #tpu.memory_space<vmem>> -> memref<1x8x768xf32, #tpu.memory_space<vmem>>
      %dma_start3A_832 = tpu.memref_squeeze %dma_start3A_831 : memref<1x8x768xf32, #tpu.memory_space<vmem>> -> memref<8x768xf32, #tpu.memory_space<vmem>>
      tpu.enqueue_dma source(%dma_start3A_832 : memref<8x768xf32, #tpu.memory_space<vmem>>) target(%dma_start3A_828 : memref<8x768xf32, #tpu.memory_space<hbm>>) target_semaphore(%dma_start3A_825 : memref<!tpu.dma_semaphore, #tpu.memory_space<semaphore_mem>>)
      %add3A_833 = arith.constant 3 : i32
      %add3A_834 = arith.addi %scan3A_672, %add3A_833 : i32
      %lt3A = arith.constant 8 : i32
      %lt3A_835 = arith.cmpi slt, %add3A_834, %lt3A : i32
      %convert_element_type3A = arith.extui %lt3A_835 : i1 to i32
      %cond3A = arith.constant 0 : i32
      %cond3A_836 = arith.cmpi ne, %convert_element_type3A, %cond3A : i32
      scf.if %cond3A_836 {
        %sub3A = arith.constant 1 : i32
        %sub3A_837 = arith.subi %scan3A_672, %sub3A : i32
        %ge3A = arith.constant 0 : i32
        %ge3A_838 = arith.cmpi sge, %sub3A_837, %ge3A : i32
        %convert_element_type3A_839 = arith.extui %ge3A_838 : i1 to i32
        %cond3A_840 = arith.constant 0 : i32
        %cond3A_841 = arith.cmpi ne, %convert_element_type3A_839, %cond3A_840 : i32
        scf.if %cond3A_841 {
          %and3A_917 = arith.constant 3 : i32
          %and3A_918 = arith.andi %sub3A_837, %and3A_917 : i32
          %mul3A_919 = arith.constant 8 : i32
          %mul3A_920 = arith.muli %sub3A_837, %mul3A_919 : i32
          %add3A_921 = arith.addi %mul3A_2, %mul3A_920 : i32
          %dma_wait3A_922 = arith.constant 0 : i32
          %dma_wait3A_923 = arith.constant 0 : i32
          %dma_wait3A_924 = arith.constant 0 : i32
          %dma_wait3A_925 = tpu.memref_slice %arg7[%and3A_918, %dma_wait3A_923, %dma_wait3A_924] : memref<4x32x768xf32, #tpu.memory_space<vmem>> -> memref<1x8x768xf32, #tpu.memory_space<vmem>>
          %dma_wait3A_926 = tpu.memref_squeeze %dma_wait3A_925 : memref<1x8x768xf32, #tpu.memory_space<vmem>> -> memref<8x768xf32, #tpu.memory_space<vmem>>
          %dma_wait3A_927 = arith.constant 0 : i32
          %dma_wait3A_928 = tpu.memref_slice %arg5[%dma_wait3A_922, %add3A_921, %dma_wait3A_927] : memref<4x2048x768xf32, #tpu.memory_space<hbm>> -> memref<1x8x768xf32, #tpu.memory_space<hbm>>
          %dma_wait3A_929 = tpu.memref_squeeze %dma_wait3A_928 : memref<1x8x768xf32, #tpu.memory_space<hbm>> -> memref<8x768xf32, #tpu.memory_space<hbm>>
          %dma_wait3A_930 = tpu.memref_slice %arg11[%and3A_918] : memref<4x!tpu.dma_semaphore, #tpu.memory_space<semaphore_mem>> -> memref<1x!tpu.dma_semaphore, #tpu.memory_space<semaphore_mem>>
          %dma_wait3A_931 = tpu.memref_squeeze %dma_wait3A_930 : memref<1x!tpu.dma_semaphore, #tpu.memory_space<semaphore_mem>> -> memref<!tpu.dma_semaphore, #tpu.memory_space<semaphore_mem>>
          %dma_wait3A_932 = arith.constant 0 : i32
          %dma_wait3A_933 = tpu.memref_slice %arg5[%dma_wait3A_922, %add3A_921, %dma_wait3A_932] : memref<4x2048x768xf32, #tpu.memory_space<hbm>> -> memref<1x8x768xf32, #tpu.memory_space<hbm>>
          %dma_wait3A_934 = tpu.memref_squeeze %dma_wait3A_933 : memref<1x8x768xf32, #tpu.memory_space<hbm>> -> memref<8x768xf32, #tpu.memory_space<hbm>>
          %dma_wait3A_935 = arith.constant 0 : i32
          %dma_wait3A_936 = arith.constant 0 : i32
          %dma_wait3A_937 = tpu.memref_slice %arg7[%and3A_918, %dma_wait3A_935, %dma_wait3A_936] : memref<4x32x768xf32, #tpu.memory_space<vmem>> -> memref<1x8x768xf32, #tpu.memory_space<vmem>>
          %dma_wait3A_938 = tpu.memref_squeeze %dma_wait3A_937 : memref<1x8x768xf32, #tpu.memory_space<vmem>> -> memref<8x768xf32, #tpu.memory_space<vmem>>
          tpu.wait_dma2 semaphore(%dma_wait3A_931 : memref<!tpu.dma_semaphore, #tpu.memory_space<semaphore_mem>>) src(%dma_wait3A_938 : memref<8x768xf32, #tpu.memory_space<vmem>>) dst(%dma_wait3A_934 : memref<8x768xf32, #tpu.memory_space<hbm>>)
          %mul3A_939 = arith.constant 8 : i32
          %mul3A_940 = arith.muli %sub3A_837, %mul3A_939 : i32
          %add3A_941 = arith.addi %mul3A_2, %mul3A_940 : i32
          %dma_wait3A_942 = arith.constant 1 : i32
          %dma_wait3A_943 = arith.constant 8 : i32
          %dma_wait3A_944 = arith.constant 0 : i32
          %dma_wait3A_945 = tpu.memref_slice %arg7[%and3A_918, %dma_wait3A_943, %dma_wait3A_944] : memref<4x32x768xf32, #tpu.memory_space<vmem>> -> memref<1x8x768xf32, #tpu.memory_space<vmem>>
          %dma_wait3A_946 = tpu.memref_squeeze %dma_wait3A_945 : memref<1x8x768xf32, #tpu.memory_space<vmem>> -> memref<8x768xf32, #tpu.memory_space<vmem>>
          %dma_wait3A_947 = arith.constant 0 : i32
          %dma_wait3A_948 = tpu.memref_slice %arg5[%dma_wait3A_942, %add3A_941, %dma_wait3A_947] : memref<4x2048x768xf32, #tpu.memory_space<hbm>> -> memref<1x8x768xf32, #tpu.memory_space<hbm>>
          %dma_wait3A_949 = tpu.memref_squeeze %dma_wait3A_948 : memref<1x8x768xf32, #tpu.memory_space<hbm>> -> memref<8x768xf32, #tpu.memory_space<hbm>>
          %dma_wait3A_950 = tpu.memref_slice %arg11[%and3A_918] : memref<4x!tpu.dma_semaphore, #tpu.memory_space<semaphore_mem>> -> memref<1x!tpu.dma_semaphore, #tpu.memory_space<semaphore_mem>>
          %dma_wait3A_951 = tpu.memref_squeeze %dma_wait3A_950 : memref<1x!tpu.dma_semaphore, #tpu.memory_space<semaphore_mem>> -> memref<!tpu.dma_semaphore, #tpu.memory_space<semaphore_mem>>
          %dma_wait3A_952 = arith.constant 0 : i32
          %dma_wait3A_953 = tpu.memref_slice %arg5[%dma_wait3A_942, %add3A_941, %dma_wait3A_952] : memref<4x2048x768xf32, #tpu.memory_space<hbm>> -> memref<1x8x768xf32, #tpu.memory_space<hbm>>
          %dma_wait3A_954 = tpu.memref_squeeze %dma_wait3A_953 : memref<1x8x768xf32, #tpu.memory_space<hbm>> -> memref<8x768xf32, #tpu.memory_space<hbm>>
          %dma_wait3A_955 = arith.constant 8 : i32
          %dma_wait3A_956 = arith.constant 0 : i32
          %dma_wait3A_957 = tpu.memref_slice %arg7[%and3A_918, %dma_wait3A_955, %dma_wait3A_956] : memref<4x32x768xf32, #tpu.memory_space<vmem>> -> memref<1x8x768xf32, #tpu.memory_space<vmem>>
          %dma_wait3A_958 = tpu.memref_squeeze %dma_wait3A_957 : memref<1x8x768xf32, #tpu.memory_space<vmem>> -> memref<8x768xf32, #tpu.memory_space<vmem>>
          tpu.wait_dma2 semaphore(%dma_wait3A_951 : memref<!tpu.dma_semaphore, #tpu.memory_space<semaphore_mem>>) src(%dma_wait3A_958 : memref<8x768xf32, #tpu.memory_space<vmem>>) dst(%dma_wait3A_954 : memref<8x768xf32, #tpu.memory_space<hbm>>)
          %mul3A_959 = arith.constant 8 : i32
          %mul3A_960 = arith.muli %sub3A_837, %mul3A_959 : i32
          %add3A_961 = arith.addi %mul3A_2, %mul3A_960 : i32
          %dma_wait3A_962 = arith.constant 2 : i32
          %dma_wait3A_963 = arith.constant 16 : i32
          %dma_wait3A_964 = arith.constant 0 : i32
          %dma_wait3A_965 = tpu.memref_slice %arg7[%and3A_918, %dma_wait3A_963, %dma_wait3A_964] : memref<4x32x768xf32, #tpu.memory_space<vmem>> -> memref<1x8x768xf32, #tpu.memory_space<vmem>>
          %dma_wait3A_966 = tpu.memref_squeeze %dma_wait3A_965 : memref<1x8x768xf32, #tpu.memory_space<vmem>> -> memref<8x768xf32, #tpu.memory_space<vmem>>
          %dma_wait3A_967 = arith.constant 0 : i32
          %dma_wait3A_968 = tpu.memref_slice %arg5[%dma_wait3A_962, %add3A_961, %dma_wait3A_967] : memref<4x2048x768xf32, #tpu.memory_space<hbm>> -> memref<1x8x768xf32, #tpu.memory_space<hbm>>
          %dma_wait3A_969 = tpu.memref_squeeze %dma_wait3A_968 : memref<1x8x768xf32, #tpu.memory_space<hbm>> -> memref<8x768xf32, #tpu.memory_space<hbm>>
          %dma_wait3A_970 = tpu.memref_slice %arg11[%and3A_918] : memref<4x!tpu.dma_semaphore, #tpu.memory_space<semaphore_mem>> -> memref<1x!tpu.dma_semaphore, #tpu.memory_space<semaphore_mem>>
          %dma_wait3A_971 = tpu.memref_squeeze %dma_wait3A_970 : memref<1x!tpu.dma_semaphore, #tpu.memory_space<semaphore_mem>> -> memref<!tpu.dma_semaphore, #tpu.memory_space<semaphore_mem>>
          %dma_wait3A_972 = arith.constant 0 : i32
          %dma_wait3A_973 = tpu.memref_slice %arg5[%dma_wait3A_962, %add3A_961, %dma_wait3A_972] : memref<4x2048x768xf32, #tpu.memory_space<hbm>> -> memref<1x8x768xf32, #tpu.memory_space<hbm>>
          %dma_wait3A_974 = tpu.memref_squeeze %dma_wait3A_973 : memref<1x8x768xf32, #tpu.memory_space<hbm>> -> memref<8x768xf32, #tpu.memory_space<hbm>>
          %dma_wait3A_975 = arith.constant 16 : i32
          %dma_wait3A_976 = arith.constant 0 : i32
          %dma_wait3A_977 = tpu.memref_slice %arg7[%and3A_918, %dma_wait3A_975, %dma_wait3A_976] : memref<4x32x768xf32, #tpu.memory_space<vmem>> -> memref<1x8x768xf32, #tpu.memory_space<vmem>>
          %dma_wait3A_978 = tpu.memref_squeeze %dma_wait3A_977 : memref<1x8x768xf32, #tpu.memory_space<vmem>> -> memref<8x768xf32, #tpu.memory_space<vmem>>
          tpu.wait_dma2 semaphore(%dma_wait3A_971 : memref<!tpu.dma_semaphore, #tpu.memory_space<semaphore_mem>>) src(%dma_wait3A_978 : memref<8x768xf32, #tpu.memory_space<vmem>>) dst(%dma_wait3A_974 : memref<8x768xf32, #tpu.memory_space<hbm>>)
          %mul3A_979 = arith.constant 8 : i32
          %mul3A_980 = arith.muli %sub3A_837, %mul3A_979 : i32
          %add3A_981 = arith.addi %mul3A_2, %mul3A_980 : i32
          %dma_wait3A_982 = arith.constant 3 : i32
          %dma_wait3A_983 = arith.constant 24 : i32
          %dma_wait3A_984 = arith.constant 0 : i32
          %dma_wait3A_985 = tpu.memref_slice %arg7[%and3A_918, %dma_wait3A_983, %dma_wait3A_984] : memref<4x32x768xf32, #tpu.memory_space<vmem>> -> memref<1x8x768xf32, #tpu.memory_space<vmem>>
          %dma_wait3A_986 = tpu.memref_squeeze %dma_wait3A_985 : memref<1x8x768xf32, #tpu.memory_space<vmem>> -> memref<8x768xf32, #tpu.memory_space<vmem>>
          %dma_wait3A_987 = arith.constant 0 : i32
          %dma_wait3A_988 = tpu.memref_slice %arg5[%dma_wait3A_982, %add3A_981, %dma_wait3A_987] : memref<4x2048x768xf32, #tpu.memory_space<hbm>> -> memref<1x8x768xf32, #tpu.memory_space<hbm>>
          %dma_wait3A_989 = tpu.memref_squeeze %dma_wait3A_988 : memref<1x8x768xf32, #tpu.memory_space<hbm>> -> memref<8x768xf32, #tpu.memory_space<hbm>>
          %dma_wait3A_990 = tpu.memref_slice %arg11[%and3A_918] : memref<4x!tpu.dma_semaphore, #tpu.memory_space<semaphore_mem>> -> memref<1x!tpu.dma_semaphore, #tpu.memory_space<semaphore_mem>>
          %dma_wait3A_991 = tpu.memref_squeeze %dma_wait3A_990 : memref<1x!tpu.dma_semaphore, #tpu.memory_space<semaphore_mem>> -> memref<!tpu.dma_semaphore, #tpu.memory_space<semaphore_mem>>
          %dma_wait3A_992 = arith.constant 0 : i32
          %dma_wait3A_993 = tpu.memref_slice %arg5[%dma_wait3A_982, %add3A_981, %dma_wait3A_992] : memref<4x2048x768xf32, #tpu.memory_space<hbm>> -> memref<1x8x768xf32, #tpu.memory_space<hbm>>
          %dma_wait3A_994 = tpu.memref_squeeze %dma_wait3A_993 : memref<1x8x768xf32, #tpu.memory_space<hbm>> -> memref<8x768xf32, #tpu.memory_space<hbm>>
          %dma_wait3A_995 = arith.constant 24 : i32
          %dma_wait3A_996 = arith.constant 0 : i32
          %dma_wait3A_997 = tpu.memref_slice %arg7[%and3A_918, %dma_wait3A_995, %dma_wait3A_996] : memref<4x32x768xf32, #tpu.memory_space<vmem>> -> memref<1x8x768xf32, #tpu.memory_space<vmem>>
          %dma_wait3A_998 = tpu.memref_squeeze %dma_wait3A_997 : memref<1x8x768xf32, #tpu.memory_space<vmem>> -> memref<8x768xf32, #tpu.memory_space<vmem>>
          tpu.wait_dma2 semaphore(%dma_wait3A_991 : memref<!tpu.dma_semaphore, #tpu.memory_space<semaphore_mem>>) src(%dma_wait3A_998 : memref<8x768xf32, #tpu.memory_space<vmem>>) dst(%dma_wait3A_994 : memref<8x768xf32, #tpu.memory_space<hbm>>)
        } else {
        }
        %and3A_842 = arith.constant 3 : i32
        %and3A_843 = arith.andi %add3A_834, %and3A_842 : i32
        %mul3A_844 = arith.constant 8 : i32
        %mul3A_845 = arith.muli %add3A_834, %mul3A_844 : i32
        %add3A_846 = arith.addi %mul3A_2, %mul3A_845 : i32
        %dma_start3A_847 = arith.constant 0 : i32
        %dma_start3A_848 = arith.constant 0 : i32
        %dma_start3A_849 = tpu.memref_slice %arg8[%and3A_843, %dma_start3A_847, %dma_start3A_848] : memref<4x8x768xf32, #tpu.memory_space<vmem>> -> memref<1x8x768xf32, #tpu.memory_space<vmem>>
        %dma_start3A_850 = tpu.memref_squeeze %dma_start3A_849 : memref<1x8x768xf32, #tpu.memory_space<vmem>> -> memref<8x768xf32, #tpu.memory_space<vmem>>
        %dma_start3A_851 = arith.constant 0 : i32
        %dma_start3A_852 = tpu.memref_slice %arg4[%add3A_846, %dma_start3A_851] : memref<50257x768xf32, #tpu.memory_space<hbm>> -> memref<8x768xf32, #tpu.memory_space<hbm>>
        %dma_start3A_853 = tpu.memref_slice %arg10[%and3A_843] : memref<4x!tpu.dma_semaphore, #tpu.memory_space<semaphore_mem>> -> memref<1x!tpu.dma_semaphore, #tpu.memory_space<semaphore_mem>>
        %dma_start3A_854 = tpu.memref_squeeze %dma_start3A_853 : memref<1x!tpu.dma_semaphore, #tpu.memory_space<semaphore_mem>> -> memref<!tpu.dma_semaphore, #tpu.memory_space<semaphore_mem>>
        %dma_start3A_855 = arith.constant 0 : i32
        %dma_start3A_856 = arith.constant 0 : i32
        %dma_start3A_857 = tpu.memref_slice %arg8[%and3A_843, %dma_start3A_855, %dma_start3A_856] : memref<4x8x768xf32, #tpu.memory_space<vmem>> -> memref<1x8x768xf32, #tpu.memory_space<vmem>>
        %dma_start3A_858 = tpu.memref_squeeze %dma_start3A_857 : memref<1x8x768xf32, #tpu.memory_space<vmem>> -> memref<8x768xf32, #tpu.memory_space<vmem>>
        %dma_start3A_859 = arith.constant 0 : i32
        %dma_start3A_860 = tpu.memref_slice %arg4[%add3A_846, %dma_start3A_859] : memref<50257x768xf32, #tpu.memory_space<hbm>> -> memref<8x768xf32, #tpu.memory_space<hbm>>
        tpu.enqueue_dma source(%dma_start3A_860 : memref<8x768xf32, #tpu.memory_space<hbm>>) target(%dma_start3A_858 : memref<8x768xf32, #tpu.memory_space<vmem>>) target_semaphore(%dma_start3A_854 : memref<!tpu.dma_semaphore, #tpu.memory_space<semaphore_mem>>)
        %mul3A_861 = arith.constant 8 : i32
        %mul3A_862 = arith.muli %add3A_834, %mul3A_861 : i32
        %dma_start3A_863 = arith.constant 0 : i32
        %dma_start3A_864 = arith.constant 0 : i32
        %dma_start3A_865 = arith.constant 0 : i32
        %dma_start3A_866 = tpu.memref_slice %arg7[%and3A_843, %dma_start3A_864, %dma_start3A_865] : memref<4x32x768xf32, #tpu.memory_space<vmem>> -> memref<1x8x768xf32, #tpu.memory_space<vmem>>
        %dma_start3A_867 = tpu.memref_squeeze %dma_start3A_866 : memref<1x8x768xf32, #tpu.memory_space<vmem>> -> memref<8x768xf32, #tpu.memory_space<vmem>>
        %dma_start3A_868 = tpu.memref_slice %arg6[%dma_start3A_863, %mul3A_862] : memref<4x64xi32, #tpu.memory_space<vmem>> -> memref<1x8xi32, #tpu.memory_space<vmem>>
        %dma_start3A_869 = tpu.memref_squeeze %dma_start3A_868 : memref<1x8xi32, #tpu.memory_space<vmem>> -> memref<8xi32, #tpu.memory_space<vmem>>
        %dma_start3A_870 = arith.constant 0 : i32
        %dma_start3A_871 = arith.constant 0 : i32
        %dma_start3A_872 = tpu.memref_slice %arg3[%dma_start3A_870, %dma_start3A_871] : memref<50257x768xf32, #tpu.memory_space<hbm>> -> memref<50257x768xf32, #tpu.memory_space<hbm>>
        %dma_start3A_873 = tpu.memref_slice %arg9[%and3A_843] : memref<4x!tpu.dma_semaphore, #tpu.memory_space<semaphore_mem>> -> memref<1x!tpu.dma_semaphore, #tpu.memory_space<semaphore_mem>>
        %dma_start3A_874 = tpu.memref_squeeze %dma_start3A_873 : memref<1x!tpu.dma_semaphore, #tpu.memory_space<semaphore_mem>> -> memref<!tpu.dma_semaphore, #tpu.memory_space<semaphore_mem>>
        tpu.enqueue_indirect_dma source(%dma_start3A_872 : memref<50257x768xf32, #tpu.memory_space<hbm>>) target(%dma_start3A_867 : memref<8x768xf32, #tpu.memory_space<vmem>>) offsets(%dma_start3A_869 : memref<8xi32, #tpu.memory_space<vmem>>) semaphore(%dma_start3A_874 : memref<!tpu.dma_semaphore, #tpu.memory_space<semaphore_mem>>)
        %mul3A_875 = arith.constant 8 : i32
        %mul3A_876 = arith.muli %add3A_834, %mul3A_875 : i32
        %dma_start3A_877 = arith.constant 1 : i32
        %dma_start3A_878 = arith.constant 8 : i32
        %dma_start3A_879 = arith.constant 0 : i32
        %dma_start3A_880 = tpu.memref_slice %arg7[%and3A_843, %dma_start3A_878, %dma_start3A_879] : memref<4x32x768xf32, #tpu.memory_space<vmem>> -> memref<1x8x768xf32, #tpu.memory_space<vmem>>
        %dma_start3A_881 = tpu.memref_squeeze %dma_start3A_880 : memref<1x8x768xf32, #tpu.memory_space<vmem>> -> memref<8x768xf32, #tpu.memory_space<vmem>>
        %dma_start3A_882 = tpu.memref_slice %arg6[%dma_start3A_877, %mul3A_876] : memref<4x64xi32, #tpu.memory_space<vmem>> -> memref<1x8xi32, #tpu.memory_space<vmem>>
        %dma_start3A_883 = tpu.memref_squeeze %dma_start3A_882 : memref<1x8xi32, #tpu.memory_space<vmem>> -> memref<8xi32, #tpu.memory_space<vmem>>
        %dma_start3A_884 = arith.constant 0 : i32
        %dma_start3A_885 = arith.constant 0 : i32
        %dma_start3A_886 = tpu.memref_slice %arg3[%dma_start3A_884, %dma_start3A_885] : memref<50257x768xf32, #tpu.memory_space<hbm>> -> memref<50257x768xf32, #tpu.memory_space<hbm>>
        %dma_start3A_887 = tpu.memref_slice %arg9[%and3A_843] : memref<4x!tpu.dma_semaphore, #tpu.memory_space<semaphore_mem>> -> memref<1x!tpu.dma_semaphore, #tpu.memory_space<semaphore_mem>>
        %dma_start3A_888 = tpu.memref_squeeze %dma_start3A_887 : memref<1x!tpu.dma_semaphore, #tpu.memory_space<semaphore_mem>> -> memref<!tpu.dma_semaphore, #tpu.memory_space<semaphore_mem>>
        tpu.enqueue_indirect_dma source(%dma_start3A_886 : memref<50257x768xf32, #tpu.memory_space<hbm>>) target(%dma_start3A_881 : memref<8x768xf32, #tpu.memory_space<vmem>>) offsets(%dma_start3A_883 : memref<8xi32, #tpu.memory_space<vmem>>) semaphore(%dma_start3A_888 : memref<!tpu.dma_semaphore, #tpu.memory_space<semaphore_mem>>)
        %mul3A_889 = arith.constant 8 : i32
        %mul3A_890 = arith.muli %add3A_834, %mul3A_889 : i32
        %dma_start3A_891 = arith.constant 2 : i32
        %dma_start3A_892 = arith.constant 16 : i32
        %dma_start3A_893 = arith.constant 0 : i32
        %dma_start3A_894 = tpu.memref_slice %arg7[%and3A_843, %dma_start3A_892, %dma_start3A_893] : memref<4x32x768xf32, #tpu.memory_space<vmem>> -> memref<1x8x768xf32, #tpu.memory_space<vmem>>
        %dma_start3A_895 = tpu.memref_squeeze %dma_start3A_894 : memref<1x8x768xf32, #tpu.memory_space<vmem>> -> memref<8x768xf32, #tpu.memory_space<vmem>>
        %dma_start3A_896 = tpu.memref_slice %arg6[%dma_start3A_891, %mul3A_890] : memref<4x64xi32, #tpu.memory_space<vmem>> -> memref<1x8xi32, #tpu.memory_space<vmem>>
        %dma_start3A_897 = tpu.memref_squeeze %dma_start3A_896 : memref<1x8xi32, #tpu.memory_space<vmem>> -> memref<8xi32, #tpu.memory_space<vmem>>
        %dma_start3A_898 = arith.constant 0 : i32
        %dma_start3A_899 = arith.constant 0 : i32
        %dma_start3A_900 = tpu.memref_slice %arg3[%dma_start3A_898, %dma_start3A_899] : memref<50257x768xf32, #tpu.memory_space<hbm>> -> memref<50257x768xf32, #tpu.memory_space<hbm>>
        %dma_start3A_901 = tpu.memref_slice %arg9[%and3A_843] : memref<4x!tpu.dma_semaphore, #tpu.memory_space<semaphore_mem>> -> memref<1x!tpu.dma_semaphore, #tpu.memory_space<semaphore_mem>>
        %dma_start3A_902 = tpu.memref_squeeze %dma_start3A_901 : memref<1x!tpu.dma_semaphore, #tpu.memory_space<semaphore_mem>> -> memref<!tpu.dma_semaphore, #tpu.memory_space<semaphore_mem>>
        tpu.enqueue_indirect_dma source(%dma_start3A_900 : memref<50257x768xf32, #tpu.memory_space<hbm>>) target(%dma_start3A_895 : memref<8x768xf32, #tpu.memory_space<vmem>>) offsets(%dma_start3A_897 : memref<8xi32, #tpu.memory_space<vmem>>) semaphore(%dma_start3A_902 : memref<!tpu.dma_semaphore, #tpu.memory_space<semaphore_mem>>)
        %mul3A_903 = arith.constant 8 : i32
        %mul3A_904 = arith.muli %add3A_834, %mul3A_903 : i32
        %dma_start3A_905 = arith.constant 3 : i32
        %dma_start3A_906 = arith.constant 24 : i32
        %dma_start3A_907 = arith.constant 0 : i32
        %dma_start3A_908 = tpu.memref_slice %arg7[%and3A_843, %dma_start3A_906, %dma_start3A_907] : memref<4x32x768xf32, #tpu.memory_space<vmem>> -> memref<1x8x768xf32, #tpu.memory_space<vmem>>
        %dma_start3A_909 = tpu.memref_squeeze %dma_start3A_908 : memref<1x8x768xf32, #tpu.memory_space<vmem>> -> memref<8x768xf32, #tpu.memory_space<vmem>>
        %dma_start3A_910 = tpu.memref_slice %arg6[%dma_start3A_905, %mul3A_904] : memref<4x64xi32, #tpu.memory_space<vmem>> -> memref<1x8xi32, #tpu.memory_space<vmem>>
        %dma_start3A_911 = tpu.memref_squeeze %dma_start3A_910 : memref<1x8xi32, #tpu.memory_space<vmem>> -> memref<8xi32, #tpu.memory_space<vmem>>
        %dma_start3A_912 = arith.constant 0 : i32
        %dma_start3A_913 = arith.constant 0 : i32
        %dma_start3A_914 = tpu.memref_slice %arg3[%dma_start3A_912, %dma_start3A_913] : memref<50257x768xf32, #tpu.memory_space<hbm>> -> memref<50257x768xf32, #tpu.memory_space<hbm>>
        %dma_start3A_915 = tpu.memref_slice %arg9[%and3A_843] : memref<4x!tpu.dma_semaphore, #tpu.memory_space<semaphore_mem>> -> memref<1x!tpu.dma_semaphore, #tpu.memory_space<semaphore_mem>>
        %dma_start3A_916 = tpu.memref_squeeze %dma_start3A_915 : memref<1x!tpu.dma_semaphore, #tpu.memory_space<semaphore_mem>> -> memref<!tpu.dma_semaphore, #tpu.memory_space<semaphore_mem>>
        tpu.enqueue_indirect_dma source(%dma_start3A_914 : memref<50257x768xf32, #tpu.memory_space<hbm>>) target(%dma_start3A_909 : memref<8x768xf32, #tpu.memory_space<vmem>>) offsets(%dma_start3A_911 : memref<8xi32, #tpu.memory_space<vmem>>) semaphore(%dma_start3A_916 : memref<!tpu.dma_semaphore, #tpu.memory_space<semaphore_mem>>)
      } else {
      }
    }
    %scan3A_335 = arith.constant 8 : i32
    %add3A_336 = arith.constant 32 : i32
    %add3A_337 = arith.addi %mul3A_2, %add3A_336 : i32
    %dma_wait3A_338 = arith.constant 0 : i32
    %dma_wait3A_339 = arith.constant 0 : i32
    %dma_wait3A_340 = arith.constant 0 : i32
    %dma_wait3A_341 = arith.constant 0 : i32
    %dma_wait3A_342 = arith.constant 0 : i32
    %dma_wait3A_343 = tpu.memref_slice %arg7[%dma_wait3A_338, %dma_wait3A_341, %dma_wait3A_342] : memref<4x32x768xf32, #tpu.memory_space<vmem>> -> memref<1x8x768xf32, #tpu.memory_space<vmem>>
    %dma_wait3A_344 = tpu.memref_squeeze %dma_wait3A_343 : memref<1x8x768xf32, #tpu.memory_space<vmem>> -> memref<8x768xf32, #tpu.memory_space<vmem>>
    %dma_wait3A_345 = arith.constant 0 : i32
    %dma_wait3A_346 = tpu.memref_slice %arg5[%dma_wait3A_339, %add3A_337, %dma_wait3A_345] : memref<4x2048x768xf32, #tpu.memory_space<hbm>> -> memref<1x8x768xf32, #tpu.memory_space<hbm>>
    %dma_wait3A_347 = tpu.memref_squeeze %dma_wait3A_346 : memref<1x8x768xf32, #tpu.memory_space<hbm>> -> memref<8x768xf32, #tpu.memory_space<hbm>>
    %dma_wait3A_348 = tpu.memref_slice %arg11[%dma_wait3A_340] : memref<4x!tpu.dma_semaphore, #tpu.memory_space<semaphore_mem>> -> memref<1x!tpu.dma_semaphore, #tpu.memory_space<semaphore_mem>>
    %dma_wait3A_349 = tpu.memref_squeeze %dma_wait3A_348 : memref<1x!tpu.dma_semaphore, #tpu.memory_space<semaphore_mem>> -> memref<!tpu.dma_semaphore, #tpu.memory_space<semaphore_mem>>
    %dma_wait3A_350 = arith.constant 0 : i32
    %dma_wait3A_351 = tpu.memref_slice %arg5[%dma_wait3A_339, %add3A_337, %dma_wait3A_350] : memref<4x2048x768xf32, #tpu.memory_space<hbm>> -> memref<1x8x768xf32, #tpu.memory_space<hbm>>
    %dma_wait3A_352 = tpu.memref_squeeze %dma_wait3A_351 : memref<1x8x768xf32, #tpu.memory_space<hbm>> -> memref<8x768xf32, #tpu.memory_space<hbm>>
    %dma_wait3A_353 = arith.constant 0 : i32
    %dma_wait3A_354 = arith.constant 0 : i32
    %dma_wait3A_355 = tpu.memref_slice %arg7[%dma_wait3A_338, %dma_wait3A_353, %dma_wait3A_354] : memref<4x32x768xf32, #tpu.memory_space<vmem>> -> memref<1x8x768xf32, #tpu.memory_space<vmem>>
    %dma_wait3A_356 = tpu.memref_squeeze %dma_wait3A_355 : memref<1x8x768xf32, #tpu.memory_space<vmem>> -> memref<8x768xf32, #tpu.memory_space<vmem>>
    tpu.wait_dma2 semaphore(%dma_wait3A_349 : memref<!tpu.dma_semaphore, #tpu.memory_space<semaphore_mem>>) src(%dma_wait3A_356 : memref<8x768xf32, #tpu.memory_space<vmem>>) dst(%dma_wait3A_352 : memref<8x768xf32, #tpu.memory_space<hbm>>)
    %add3A_357 = arith.constant 32 : i32
    %add3A_358 = arith.addi %mul3A_2, %add3A_357 : i32
    %dma_wait3A_359 = arith.constant 0 : i32
    %dma_wait3A_360 = arith.constant 1 : i32
    %dma_wait3A_361 = arith.constant 0 : i32
    %dma_wait3A_362 = arith.constant 8 : i32
    %dma_wait3A_363 = arith.constant 0 : i32
    %dma_wait3A_364 = tpu.memref_slice %arg7[%dma_wait3A_359, %dma_wait3A_362, %dma_wait3A_363] : memref<4x32x768xf32, #tpu.memory_space<vmem>> -> memref<1x8x768xf32, #tpu.memory_space<vmem>>
    %dma_wait3A_365 = tpu.memref_squeeze %dma_wait3A_364 : memref<1x8x768xf32, #tpu.memory_space<vmem>> -> memref<8x768xf32, #tpu.memory_space<vmem>>
    %dma_wait3A_366 = arith.constant 0 : i32
    %dma_wait3A_367 = tpu.memref_slice %arg5[%dma_wait3A_360, %add3A_358, %dma_wait3A_366] : memref<4x2048x768xf32, #tpu.memory_space<hbm>> -> memref<1x8x768xf32, #tpu.memory_space<hbm>>
    %dma_wait3A_368 = tpu.memref_squeeze %dma_wait3A_367 : memref<1x8x768xf32, #tpu.memory_space<hbm>> -> memref<8x768xf32, #tpu.memory_space<hbm>>
    %dma_wait3A_369 = tpu.memref_slice %arg11[%dma_wait3A_361] : memref<4x!tpu.dma_semaphore, #tpu.memory_space<semaphore_mem>> -> memref<1x!tpu.dma_semaphore, #tpu.memory_space<semaphore_mem>>
    %dma_wait3A_370 = tpu.memref_squeeze %dma_wait3A_369 : memref<1x!tpu.dma_semaphore, #tpu.memory_space<semaphore_mem>> -> memref<!tpu.dma_semaphore, #tpu.memory_space<semaphore_mem>>
    %dma_wait3A_371 = arith.constant 0 : i32
    %dma_wait3A_372 = tpu.memref_slice %arg5[%dma_wait3A_360, %add3A_358, %dma_wait3A_371] : memref<4x2048x768xf32, #tpu.memory_space<hbm>> -> memref<1x8x768xf32, #tpu.memory_space<hbm>>
    %dma_wait3A_373 = tpu.memref_squeeze %dma_wait3A_372 : memref<1x8x768xf32, #tpu.memory_space<hbm>> -> memref<8x768xf32, #tpu.memory_space<hbm>>
    %dma_wait3A_374 = arith.constant 8 : i32
    %dma_wait3A_375 = arith.constant 0 : i32
    %dma_wait3A_376 = tpu.memref_slice %arg7[%dma_wait3A_359, %dma_wait3A_374, %dma_wait3A_375] : memref<4x32x768xf32, #tpu.memory_space<vmem>> -> memref<1x8x768xf32, #tpu.memory_space<vmem>>
    %dma_wait3A_377 = tpu.memref_squeeze %dma_wait3A_376 : memref<1x8x768xf32, #tpu.memory_space<vmem>> -> memref<8x768xf32, #tpu.memory_space<vmem>>
    tpu.wait_dma2 semaphore(%dma_wait3A_370 : memref<!tpu.dma_semaphore, #tpu.memory_space<semaphore_mem>>) src(%dma_wait3A_377 : memref<8x768xf32, #tpu.memory_space<vmem>>) dst(%dma_wait3A_373 : memref<8x768xf32, #tpu.memory_space<hbm>>)
    %add3A_378 = arith.constant 32 : i32
    %add3A_379 = arith.addi %mul3A_2, %add3A_378 : i32
    %dma_wait3A_380 = arith.constant 0 : i32
    %dma_wait3A_381 = arith.constant 2 : i32
    %dma_wait3A_382 = arith.constant 0 : i32
    %dma_wait3A_383 = arith.constant 16 : i32
    %dma_wait3A_384 = arith.constant 0 : i32
    %dma_wait3A_385 = tpu.memref_slice %arg7[%dma_wait3A_380, %dma_wait3A_383, %dma_wait3A_384] : memref<4x32x768xf32, #tpu.memory_space<vmem>> -> memref<1x8x768xf32, #tpu.memory_space<vmem>>
    %dma_wait3A_386 = tpu.memref_squeeze %dma_wait3A_385 : memref<1x8x768xf32, #tpu.memory_space<vmem>> -> memref<8x768xf32, #tpu.memory_space<vmem>>
    %dma_wait3A_387 = arith.constant 0 : i32
    %dma_wait3A_388 = tpu.memref_slice %arg5[%dma_wait3A_381, %add3A_379, %dma_wait3A_387] : memref<4x2048x768xf32, #tpu.memory_space<hbm>> -> memref<1x8x768xf32, #tpu.memory_space<hbm>>
    %dma_wait3A_389 = tpu.memref_squeeze %dma_wait3A_388 : memref<1x8x768xf32, #tpu.memory_space<hbm>> -> memref<8x768xf32, #tpu.memory_space<hbm>>
    %dma_wait3A_390 = tpu.memref_slice %arg11[%dma_wait3A_382] : memref<4x!tpu.dma_semaphore, #tpu.memory_space<semaphore_mem>> -> memref<1x!tpu.dma_semaphore, #tpu.memory_space<semaphore_mem>>
    %dma_wait3A_391 = tpu.memref_squeeze %dma_wait3A_390 : memref<1x!tpu.dma_semaphore, #tpu.memory_space<semaphore_mem>> -> memref<!tpu.dma_semaphore, #tpu.memory_space<semaphore_mem>>
    %dma_wait3A_392 = arith.constant 0 : i32
    %dma_wait3A_393 = tpu.memref_slice %arg5[%dma_wait3A_381, %add3A_379, %dma_wait3A_392] : memref<4x2048x768xf32, #tpu.memory_space<hbm>> -> memref<1x8x768xf32, #tpu.memory_space<hbm>>
    %dma_wait3A_394 = tpu.memref_squeeze %dma_wait3A_393 : memref<1x8x768xf32, #tpu.memory_space<hbm>> -> memref<8x768xf32, #tpu.memory_space<hbm>>
    %dma_wait3A_395 = arith.constant 16 : i32
    %dma_wait3A_396 = arith.constant 0 : i32
    %dma_wait3A_397 = tpu.memref_slice %arg7[%dma_wait3A_380, %dma_wait3A_395, %dma_wait3A_396] : memref<4x32x768xf32, #tpu.memory_space<vmem>> -> memref<1x8x768xf32, #tpu.memory_space<vmem>>
    %dma_wait3A_398 = tpu.memref_squeeze %dma_wait3A_397 : memref<1x8x768xf32, #tpu.memory_space<vmem>> -> memref<8x768xf32, #tpu.memory_space<vmem>>
    tpu.wait_dma2 semaphore(%dma_wait3A_391 : memref<!tpu.dma_semaphore, #tpu.memory_space<semaphore_mem>>) src(%dma_wait3A_398 : memref<8x768xf32, #tpu.memory_space<vmem>>) dst(%dma_wait3A_394 : memref<8x768xf32, #tpu.memory_space<hbm>>)
    %add3A_399 = arith.constant 32 : i32
    %add3A_400 = arith.addi %mul3A_2, %add3A_399 : i32
    %dma_wait3A_401 = arith.constant 0 : i32
    %dma_wait3A_402 = arith.constant 3 : i32
    %dma_wait3A_403 = arith.constant 0 : i32
    %dma_wait3A_404 = arith.constant 24 : i32
    %dma_wait3A_405 = arith.constant 0 : i32
    %dma_wait3A_406 = tpu.memref_slice %arg7[%dma_wait3A_401, %dma_wait3A_404, %dma_wait3A_405] : memref<4x32x768xf32, #tpu.memory_space<vmem>> -> memref<1x8x768xf32, #tpu.memory_space<vmem>>
    %dma_wait3A_407 = tpu.memref_squeeze %dma_wait3A_406 : memref<1x8x768xf32, #tpu.memory_space<vmem>> -> memref<8x768xf32, #tpu.memory_space<vmem>>
    %dma_wait3A_408 = arith.constant 0 : i32
    %dma_wait3A_409 = tpu.memref_slice %arg5[%dma_wait3A_402, %add3A_400, %dma_wait3A_408] : memref<4x2048x768xf32, #tpu.memory_space<hbm>> -> memref<1x8x768xf32, #tpu.memory_space<hbm>>
    %dma_wait3A_410 = tpu.memref_squeeze %dma_wait3A_409 : memref<1x8x768xf32, #tpu.memory_space<hbm>> -> memref<8x768xf32, #tpu.memory_space<hbm>>
    %dma_wait3A_411 = tpu.memref_slice %arg11[%dma_wait3A_403] : memref<4x!tpu.dma_semaphore, #tpu.memory_space<semaphore_mem>> -> memref<1x!tpu.dma_semaphore, #tpu.memory_space<semaphore_mem>>
    %dma_wait3A_412 = tpu.memref_squeeze %dma_wait3A_411 : memref<1x!tpu.dma_semaphore, #tpu.memory_space<semaphore_mem>> -> memref<!tpu.dma_semaphore, #tpu.memory_space<semaphore_mem>>
    %dma_wait3A_413 = arith.constant 0 : i32
    %dma_wait3A_414 = tpu.memref_slice %arg5[%dma_wait3A_402, %add3A_400, %dma_wait3A_413] : memref<4x2048x768xf32, #tpu.memory_space<hbm>> -> memref<1x8x768xf32, #tpu.memory_space<hbm>>
    %dma_wait3A_415 = tpu.memref_squeeze %dma_wait3A_414 : memref<1x8x768xf32, #tpu.memory_space<hbm>> -> memref<8x768xf32, #tpu.memory_space<hbm>>
    %dma_wait3A_416 = arith.constant 24 : i32
    %dma_wait3A_417 = arith.constant 0 : i32
    %dma_wait3A_418 = tpu.memref_slice %arg7[%dma_wait3A_401, %dma_wait3A_416, %dma_wait3A_417] : memref<4x32x768xf32, #tpu.memory_space<vmem>> -> memref<1x8x768xf32, #tpu.memory_space<vmem>>
    %dma_wait3A_419 = tpu.memref_squeeze %dma_wait3A_418 : memref<1x8x768xf32, #tpu.memory_space<vmem>> -> memref<8x768xf32, #tpu.memory_space<vmem>>
    tpu.wait_dma2 semaphore(%dma_wait3A_412 : memref<!tpu.dma_semaphore, #tpu.memory_space<semaphore_mem>>) src(%dma_wait3A_419 : memref<8x768xf32, #tpu.memory_space<vmem>>) dst(%dma_wait3A_415 : memref<8x768xf32, #tpu.memory_space<hbm>>)
    %add3A_420 = arith.constant 40 : i32
    %add3A_421 = arith.addi %mul3A_2, %add3A_420 : i32
    %dma_wait3A_422 = arith.constant 1 : i32
    %dma_wait3A_423 = arith.constant 0 : i32
    %dma_wait3A_424 = arith.constant 1 : i32
    %dma_wait3A_425 = arith.constant 0 : i32
    %dma_wait3A_426 = arith.constant 0 : i32
    %dma_wait3A_427 = tpu.memref_slice %arg7[%dma_wait3A_422, %dma_wait3A_425, %dma_wait3A_426] : memref<4x32x768xf32, #tpu.memory_space<vmem>> -> memref<1x8x768xf32, #tpu.memory_space<vmem>>
    %dma_wait3A_428 = tpu.memref_squeeze %dma_wait3A_427 : memref<1x8x768xf32, #tpu.memory_space<vmem>> -> memref<8x768xf32, #tpu.memory_space<vmem>>
    %dma_wait3A_429 = arith.constant 0 : i32
    %dma_wait3A_430 = tpu.memref_slice %arg5[%dma_wait3A_423, %add3A_421, %dma_wait3A_429] : memref<4x2048x768xf32, #tpu.memory_space<hbm>> -> memref<1x8x768xf32, #tpu.memory_space<hbm>>
    %dma_wait3A_431 = tpu.memref_squeeze %dma_wait3A_430 : memref<1x8x768xf32, #tpu.memory_space<hbm>> -> memref<8x768xf32, #tpu.memory_space<hbm>>
    %dma_wait3A_432 = tpu.memref_slice %arg11[%dma_wait3A_424] : memref<4x!tpu.dma_semaphore, #tpu.memory_space<semaphore_mem>> -> memref<1x!tpu.dma_semaphore, #tpu.memory_space<semaphore_mem>>
    %dma_wait3A_433 = tpu.memref_squeeze %dma_wait3A_432 : memref<1x!tpu.dma_semaphore, #tpu.memory_space<semaphore_mem>> -> memref<!tpu.dma_semaphore, #tpu.memory_space<semaphore_mem>>
    %dma_wait3A_434 = arith.constant 0 : i32
    %dma_wait3A_435 = tpu.memref_slice %arg5[%dma_wait3A_423, %add3A_421, %dma_wait3A_434] : memref<4x2048x768xf32, #tpu.memory_space<hbm>> -> memref<1x8x768xf32, #tpu.memory_space<hbm>>
    %dma_wait3A_436 = tpu.memref_squeeze %dma_wait3A_435 : memref<1x8x768xf32, #tpu.memory_space<hbm>> -> memref<8x768xf32, #tpu.memory_space<hbm>>
    %dma_wait3A_437 = arith.constant 0 : i32
    %dma_wait3A_438 = arith.constant 0 : i32
    %dma_wait3A_439 = tpu.memref_slice %arg7[%dma_wait3A_422, %dma_wait3A_437, %dma_wait3A_438] : memref<4x32x768xf32, #tpu.memory_space<vmem>> -> memref<1x8x768xf32, #tpu.memory_space<vmem>>
    %dma_wait3A_440 = tpu.memref_squeeze %dma_wait3A_439 : memref<1x8x768xf32, #tpu.memory_space<vmem>> -> memref<8x768xf32, #tpu.memory_space<vmem>>
    tpu.wait_dma2 semaphore(%dma_wait3A_433 : memref<!tpu.dma_semaphore, #tpu.memory_space<semaphore_mem>>) src(%dma_wait3A_440 : memref<8x768xf32, #tpu.memory_space<vmem>>) dst(%dma_wait3A_436 : memref<8x768xf32, #tpu.memory_space<hbm>>)
    %add3A_441 = arith.constant 40 : i32
    %add3A_442 = arith.addi %mul3A_2, %add3A_441 : i32
    %dma_wait3A_443 = arith.constant 1 : i32
    %dma_wait3A_444 = arith.constant 1 : i32
    %dma_wait3A_445 = arith.constant 1 : i32
    %dma_wait3A_446 = arith.constant 8 : i32
    %dma_wait3A_447 = arith.constant 0 : i32
    %dma_wait3A_448 = tpu.memref_slice %arg7[%dma_wait3A_443, %dma_wait3A_446, %dma_wait3A_447] : memref<4x32x768xf32, #tpu.memory_space<vmem>> -> memref<1x8x768xf32, #tpu.memory_space<vmem>>
    %dma_wait3A_449 = tpu.memref_squeeze %dma_wait3A_448 : memref<1x8x768xf32, #tpu.memory_space<vmem>> -> memref<8x768xf32, #tpu.memory_space<vmem>>
    %dma_wait3A_450 = arith.constant 0 : i32
    %dma_wait3A_451 = tpu.memref_slice %arg5[%dma_wait3A_444, %add3A_442, %dma_wait3A_450] : memref<4x2048x768xf32, #tpu.memory_space<hbm>> -> memref<1x8x768xf32, #tpu.memory_space<hbm>>
    %dma_wait3A_452 = tpu.memref_squeeze %dma_wait3A_451 : memref<1x8x768xf32, #tpu.memory_space<hbm>> -> memref<8x768xf32, #tpu.memory_space<hbm>>
    %dma_wait3A_453 = tpu.memref_slice %arg11[%dma_wait3A_445] : memref<4x!tpu.dma_semaphore, #tpu.memory_space<semaphore_mem>> -> memref<1x!tpu.dma_semaphore, #tpu.memory_space<semaphore_mem>>
    %dma_wait3A_454 = tpu.memref_squeeze %dma_wait3A_453 : memref<1x!tpu.dma_semaphore, #tpu.memory_space<semaphore_mem>> -> memref<!tpu.dma_semaphore, #tpu.memory_space<semaphore_mem>>
    %dma_wait3A_455 = arith.constant 0 : i32
    %dma_wait3A_456 = tpu.memref_slice %arg5[%dma_wait3A_444, %add3A_442, %dma_wait3A_455] : memref<4x2048x768xf32, #tpu.memory_space<hbm>> -> memref<1x8x768xf32, #tpu.memory_space<hbm>>
    %dma_wait3A_457 = tpu.memref_squeeze %dma_wait3A_456 : memref<1x8x768xf32, #tpu.memory_space<hbm>> -> memref<8x768xf32, #tpu.memory_space<hbm>>
    %dma_wait3A_458 = arith.constant 8 : i32
    %dma_wait3A_459 = arith.constant 0 : i32
    %dma_wait3A_460 = tpu.memref_slice %arg7[%dma_wait3A_443, %dma_wait3A_458, %dma_wait3A_459] : memref<4x32x768xf32, #tpu.memory_space<vmem>> -> memref<1x8x768xf32, #tpu.memory_space<vmem>>
    %dma_wait3A_461 = tpu.memref_squeeze %dma_wait3A_460 : memref<1x8x768xf32, #tpu.memory_space<vmem>> -> memref<8x768xf32, #tpu.memory_space<vmem>>
    tpu.wait_dma2 semaphore(%dma_wait3A_454 : memref<!tpu.dma_semaphore, #tpu.memory_space<semaphore_mem>>) src(%dma_wait3A_461 : memref<8x768xf32, #tpu.memory_space<vmem>>) dst(%dma_wait3A_457 : memref<8x768xf32, #tpu.memory_space<hbm>>)
    %add3A_462 = arith.constant 40 : i32
    %add3A_463 = arith.addi %mul3A_2, %add3A_462 : i32
    %dma_wait3A_464 = arith.constant 1 : i32
    %dma_wait3A_465 = arith.constant 2 : i32
    %dma_wait3A_466 = arith.constant 1 : i32
    %dma_wait3A_467 = arith.constant 16 : i32
    %dma_wait3A_468 = arith.constant 0 : i32
    %dma_wait3A_469 = tpu.memref_slice %arg7[%dma_wait3A_464, %dma_wait3A_467, %dma_wait3A_468] : memref<4x32x768xf32, #tpu.memory_space<vmem>> -> memref<1x8x768xf32, #tpu.memory_space<vmem>>
    %dma_wait3A_470 = tpu.memref_squeeze %dma_wait3A_469 : memref<1x8x768xf32, #tpu.memory_space<vmem>> -> memref<8x768xf32, #tpu.memory_space<vmem>>
    %dma_wait3A_471 = arith.constant 0 : i32
    %dma_wait3A_472 = tpu.memref_slice %arg5[%dma_wait3A_465, %add3A_463, %dma_wait3A_471] : memref<4x2048x768xf32, #tpu.memory_space<hbm>> -> memref<1x8x768xf32, #tpu.memory_space<hbm>>
    %dma_wait3A_473 = tpu.memref_squeeze %dma_wait3A_472 : memref<1x8x768xf32, #tpu.memory_space<hbm>> -> memref<8x768xf32, #tpu.memory_space<hbm>>
    %dma_wait3A_474 = tpu.memref_slice %arg11[%dma_wait3A_466] : memref<4x!tpu.dma_semaphore, #tpu.memory_space<semaphore_mem>> -> memref<1x!tpu.dma_semaphore, #tpu.memory_space<semaphore_mem>>
    %dma_wait3A_475 = tpu.memref_squeeze %dma_wait3A_474 : memref<1x!tpu.dma_semaphore, #tpu.memory_space<semaphore_mem>> -> memref<!tpu.dma_semaphore, #tpu.memory_space<semaphore_mem>>
    %dma_wait3A_476 = arith.constant 0 : i32
    %dma_wait3A_477 = tpu.memref_slice %arg5[%dma_wait3A_465, %add3A_463, %dma_wait3A_476] : memref<4x2048x768xf32, #tpu.memory_space<hbm>> -> memref<1x8x768xf32, #tpu.memory_space<hbm>>
    %dma_wait3A_478 = tpu.memref_squeeze %dma_wait3A_477 : memref<1x8x768xf32, #tpu.memory_space<hbm>> -> memref<8x768xf32, #tpu.memory_space<hbm>>
    %dma_wait3A_479 = arith.constant 16 : i32
    %dma_wait3A_480 = arith.constant 0 : i32
    %dma_wait3A_481 = tpu.memref_slice %arg7[%dma_wait3A_464, %dma_wait3A_479, %dma_wait3A_480] : memref<4x32x768xf32, #tpu.memory_space<vmem>> -> memref<1x8x768xf32, #tpu.memory_space<vmem>>
    %dma_wait3A_482 = tpu.memref_squeeze %dma_wait3A_481 : memref<1x8x768xf32, #tpu.memory_space<vmem>> -> memref<8x768xf32, #tpu.memory_space<vmem>>
    tpu.wait_dma2 semaphore(%dma_wait3A_475 : memref<!tpu.dma_semaphore, #tpu.memory_space<semaphore_mem>>) src(%dma_wait3A_482 : memref<8x768xf32, #tpu.memory_space<vmem>>) dst(%dma_wait3A_478 : memref<8x768xf32, #tpu.memory_space<hbm>>)
    %add3A_483 = arith.constant 40 : i32
    %add3A_484 = arith.addi %mul3A_2, %add3A_483 : i32
    %dma_wait3A_485 = arith.constant 1 : i32
    %dma_wait3A_486 = arith.constant 3 : i32
    %dma_wait3A_487 = arith.constant 1 : i32
    %dma_wait3A_488 = arith.constant 24 : i32
    %dma_wait3A_489 = arith.constant 0 : i32
    %dma_wait3A_490 = tpu.memref_slice %arg7[%dma_wait3A_485, %dma_wait3A_488, %dma_wait3A_489] : memref<4x32x768xf32, #tpu.memory_space<vmem>> -> memref<1x8x768xf32, #tpu.memory_space<vmem>>
    %dma_wait3A_491 = tpu.memref_squeeze %dma_wait3A_490 : memref<1x8x768xf32, #tpu.memory_space<vmem>> -> memref<8x768xf32, #tpu.memory_space<vmem>>
    %dma_wait3A_492 = arith.constant 0 : i32
    %dma_wait3A_493 = tpu.memref_slice %arg5[%dma_wait3A_486, %add3A_484, %dma_wait3A_492] : memref<4x2048x768xf32, #tpu.memory_space<hbm>> -> memref<1x8x768xf32, #tpu.memory_space<hbm>>
    %dma_wait3A_494 = tpu.memref_squeeze %dma_wait3A_493 : memref<1x8x768xf32, #tpu.memory_space<hbm>> -> memref<8x768xf32, #tpu.memory_space<hbm>>
    %dma_wait3A_495 = tpu.memref_slice %arg11[%dma_wait3A_487] : memref<4x!tpu.dma_semaphore, #tpu.memory_space<semaphore_mem>> -> memref<1x!tpu.dma_semaphore, #tpu.memory_space<semaphore_mem>>
    %dma_wait3A_496 = tpu.memref_squeeze %dma_wait3A_495 : memref<1x!tpu.dma_semaphore, #tpu.memory_space<semaphore_mem>> -> memref<!tpu.dma_semaphore, #tpu.memory_space<semaphore_mem>>
    %dma_wait3A_497 = arith.constant 0 : i32
    %dma_wait3A_498 = tpu.memref_slice %arg5[%dma_wait3A_486, %add3A_484, %dma_wait3A_497] : memref<4x2048x768xf32, #tpu.memory_space<hbm>> -> memref<1x8x768xf32, #tpu.memory_space<hbm>>
    %dma_wait3A_499 = tpu.memref_squeeze %dma_wait3A_498 : memref<1x8x768xf32, #tpu.memory_space<hbm>> -> memref<8x768xf32, #tpu.memory_space<hbm>>
    %dma_wait3A_500 = arith.constant 24 : i32
    %dma_wait3A_501 = arith.constant 0 : i32
    %dma_wait3A_502 = tpu.memref_slice %arg7[%dma_wait3A_485, %dma_wait3A_500, %dma_wait3A_501] : memref<4x32x768xf32, #tpu.memory_space<vmem>> -> memref<1x8x768xf32, #tpu.memory_space<vmem>>
    %dma_wait3A_503 = tpu.memref_squeeze %dma_wait3A_502 : memref<1x8x768xf32, #tpu.memory_space<vmem>> -> memref<8x768xf32, #tpu.memory_space<vmem>>
    tpu.wait_dma2 semaphore(%dma_wait3A_496 : memref<!tpu.dma_semaphore, #tpu.memory_space<semaphore_mem>>) src(%dma_wait3A_503 : memref<8x768xf32, #tpu.memory_space<vmem>>) dst(%dma_wait3A_499 : memref<8x768xf32, #tpu.memory_space<hbm>>)
    %add3A_504 = arith.constant 48 : i32
    %add3A_505 = arith.addi %mul3A_2, %add3A_504 : i32
    %dma_wait3A_506 = arith.constant 2 : i32
    %dma_wait3A_507 = arith.constant 0 : i32
    %dma_wait3A_508 = arith.constant 2 : i32
    %dma_wait3A_509 = arith.constant 0 : i32
    %dma_wait3A_510 = arith.constant 0 : i32
    %dma_wait3A_511 = tpu.memref_slice %arg7[%dma_wait3A_506, %dma_wait3A_509, %dma_wait3A_510] : memref<4x32x768xf32, #tpu.memory_space<vmem>> -> memref<1x8x768xf32, #tpu.memory_space<vmem>>
    %dma_wait3A_512 = tpu.memref_squeeze %dma_wait3A_511 : memref<1x8x768xf32, #tpu.memory_space<vmem>> -> memref<8x768xf32, #tpu.memory_space<vmem>>
    %dma_wait3A_513 = arith.constant 0 : i32
    %dma_wait3A_514 = tpu.memref_slice %arg5[%dma_wait3A_507, %add3A_505, %dma_wait3A_513] : memref<4x2048x768xf32, #tpu.memory_space<hbm>> -> memref<1x8x768xf32, #tpu.memory_space<hbm>>
    %dma_wait3A_515 = tpu.memref_squeeze %dma_wait3A_514 : memref<1x8x768xf32, #tpu.memory_space<hbm>> -> memref<8x768xf32, #tpu.memory_space<hbm>>
    %dma_wait3A_516 = tpu.memref_slice %arg11[%dma_wait3A_508] : memref<4x!tpu.dma_semaphore, #tpu.memory_space<semaphore_mem>> -> memref<1x!tpu.dma_semaphore, #tpu.memory_space<semaphore_mem>>
    %dma_wait3A_517 = tpu.memref_squeeze %dma_wait3A_516 : memref<1x!tpu.dma_semaphore, #tpu.memory_space<semaphore_mem>> -> memref<!tpu.dma_semaphore, #tpu.memory_space<semaphore_mem>>
    %dma_wait3A_518 = arith.constant 0 : i32
    %dma_wait3A_519 = tpu.memref_slice %arg5[%dma_wait3A_507, %add3A_505, %dma_wait3A_518] : memref<4x2048x768xf32, #tpu.memory_space<hbm>> -> memref<1x8x768xf32, #tpu.memory_space<hbm>>
    %dma_wait3A_520 = tpu.memref_squeeze %dma_wait3A_519 : memref<1x8x768xf32, #tpu.memory_space<hbm>> -> memref<8x768xf32, #tpu.memory_space<hbm>>
    %dma_wait3A_521 = arith.constant 0 : i32
    %dma_wait3A_522 = arith.constant 0 : i32
    %dma_wait3A_523 = tpu.memref_slice %arg7[%dma_wait3A_506, %dma_wait3A_521, %dma_wait3A_522] : memref<4x32x768xf32, #tpu.memory_space<vmem>> -> memref<1x8x768xf32, #tpu.memory_space<vmem>>
    %dma_wait3A_524 = tpu.memref_squeeze %dma_wait3A_523 : memref<1x8x768xf32, #tpu.memory_space<vmem>> -> memref<8x768xf32, #tpu.memory_space<vmem>>
    tpu.wait_dma2 semaphore(%dma_wait3A_517 : memref<!tpu.dma_semaphore, #tpu.memory_space<semaphore_mem>>) src(%dma_wait3A_524 : memref<8x768xf32, #tpu.memory_space<vmem>>) dst(%dma_wait3A_520 : memref<8x768xf32, #tpu.memory_space<hbm>>)
    %add3A_525 = arith.constant 48 : i32
    %add3A_526 = arith.addi %mul3A_2, %add3A_525 : i32
    %dma_wait3A_527 = arith.constant 2 : i32
    %dma_wait3A_528 = arith.constant 1 : i32
    %dma_wait3A_529 = arith.constant 2 : i32
    %dma_wait3A_530 = arith.constant 8 : i32
    %dma_wait3A_531 = arith.constant 0 : i32
    %dma_wait3A_532 = tpu.memref_slice %arg7[%dma_wait3A_527, %dma_wait3A_530, %dma_wait3A_531] : memref<4x32x768xf32, #tpu.memory_space<vmem>> -> memref<1x8x768xf32, #tpu.memory_space<vmem>>
    %dma_wait3A_533 = tpu.memref_squeeze %dma_wait3A_532 : memref<1x8x768xf32, #tpu.memory_space<vmem>> -> memref<8x768xf32, #tpu.memory_space<vmem>>
    %dma_wait3A_534 = arith.constant 0 : i32
    %dma_wait3A_535 = tpu.memref_slice %arg5[%dma_wait3A_528, %add3A_526, %dma_wait3A_534] : memref<4x2048x768xf32, #tpu.memory_space<hbm>> -> memref<1x8x768xf32, #tpu.memory_space<hbm>>
    %dma_wait3A_536 = tpu.memref_squeeze %dma_wait3A_535 : memref<1x8x768xf32, #tpu.memory_space<hbm>> -> memref<8x768xf32, #tpu.memory_space<hbm>>
    %dma_wait3A_537 = tpu.memref_slice %arg11[%dma_wait3A_529] : memref<4x!tpu.dma_semaphore, #tpu.memory_space<semaphore_mem>> -> memref<1x!tpu.dma_semaphore, #tpu.memory_space<semaphore_mem>>
    %dma_wait3A_538 = tpu.memref_squeeze %dma_wait3A_537 : memref<1x!tpu.dma_semaphore, #tpu.memory_space<semaphore_mem>> -> memref<!tpu.dma_semaphore, #tpu.memory_space<semaphore_mem>>
    %dma_wait3A_539 = arith.constant 0 : i32
    %dma_wait3A_540 = tpu.memref_slice %arg5[%dma_wait3A_528, %add3A_526, %dma_wait3A_539] : memref<4x2048x768xf32, #tpu.memory_space<hbm>> -> memref<1x8x768xf32, #tpu.memory_space<hbm>>
    %dma_wait3A_541 = tpu.memref_squeeze %dma_wait3A_540 : memref<1x8x768xf32, #tpu.memory_space<hbm>> -> memref<8x768xf32, #tpu.memory_space<hbm>>
    %dma_wait3A_542 = arith.constant 8 : i32
    %dma_wait3A_543 = arith.constant 0 : i32
    %dma_wait3A_544 = tpu.memref_slice %arg7[%dma_wait3A_527, %dma_wait3A_542, %dma_wait3A_543] : memref<4x32x768xf32, #tpu.memory_space<vmem>> -> memref<1x8x768xf32, #tpu.memory_space<vmem>>
    %dma_wait3A_545 = tpu.memref_squeeze %dma_wait3A_544 : memref<1x8x768xf32, #tpu.memory_space<vmem>> -> memref<8x768xf32, #tpu.memory_space<vmem>>
    tpu.wait_dma2 semaphore(%dma_wait3A_538 : memref<!tpu.dma_semaphore, #tpu.memory_space<semaphore_mem>>) src(%dma_wait3A_545 : memref<8x768xf32, #tpu.memory_space<vmem>>) dst(%dma_wait3A_541 : memref<8x768xf32, #tpu.memory_space<hbm>>)
    %add3A_546 = arith.constant 48 : i32
    %add3A_547 = arith.addi %mul3A_2, %add3A_546 : i32
    %dma_wait3A_548 = arith.constant 2 : i32
    %dma_wait3A_549 = arith.constant 2 : i32
    %dma_wait3A_550 = arith.constant 2 : i32
    %dma_wait3A_551 = arith.constant 16 : i32
    %dma_wait3A_552 = arith.constant 0 : i32
    %dma_wait3A_553 = tpu.memref_slice %arg7[%dma_wait3A_548, %dma_wait3A_551, %dma_wait3A_552] : memref<4x32x768xf32, #tpu.memory_space<vmem>> -> memref<1x8x768xf32, #tpu.memory_space<vmem>>
    %dma_wait3A_554 = tpu.memref_squeeze %dma_wait3A_553 : memref<1x8x768xf32, #tpu.memory_space<vmem>> -> memref<8x768xf32, #tpu.memory_space<vmem>>
    %dma_wait3A_555 = arith.constant 0 : i32
    %dma_wait3A_556 = tpu.memref_slice %arg5[%dma_wait3A_549, %add3A_547, %dma_wait3A_555] : memref<4x2048x768xf32, #tpu.memory_space<hbm>> -> memref<1x8x768xf32, #tpu.memory_space<hbm>>
    %dma_wait3A_557 = tpu.memref_squeeze %dma_wait3A_556 : memref<1x8x768xf32, #tpu.memory_space<hbm>> -> memref<8x768xf32, #tpu.memory_space<hbm>>
    %dma_wait3A_558 = tpu.memref_slice %arg11[%dma_wait3A_550] : memref<4x!tpu.dma_semaphore, #tpu.memory_space<semaphore_mem>> -> memref<1x!tpu.dma_semaphore, #tpu.memory_space<semaphore_mem>>
    %dma_wait3A_559 = tpu.memref_squeeze %dma_wait3A_558 : memref<1x!tpu.dma_semaphore, #tpu.memory_space<semaphore_mem>> -> memref<!tpu.dma_semaphore, #tpu.memory_space<semaphore_mem>>
    %dma_wait3A_560 = arith.constant 0 : i32
    %dma_wait3A_561 = tpu.memref_slice %arg5[%dma_wait3A_549, %add3A_547, %dma_wait3A_560] : memref<4x2048x768xf32, #tpu.memory_space<hbm>> -> memref<1x8x768xf32, #tpu.memory_space<hbm>>
    %dma_wait3A_562 = tpu.memref_squeeze %dma_wait3A_561 : memref<1x8x768xf32, #tpu.memory_space<hbm>> -> memref<8x768xf32, #tpu.memory_space<hbm>>
    %dma_wait3A_563 = arith.constant 16 : i32
    %dma_wait3A_564 = arith.constant 0 : i32
    %dma_wait3A_565 = tpu.memref_slice %arg7[%dma_wait3A_548, %dma_wait3A_563, %dma_wait3A_564] : memref<4x32x768xf32, #tpu.memory_space<vmem>> -> memref<1x8x768xf32, #tpu.memory_space<vmem>>
    %dma_wait3A_566 = tpu.memref_squeeze %dma_wait3A_565 : memref<1x8x768xf32, #tpu.memory_space<vmem>> -> memref<8x768xf32, #tpu.memory_space<vmem>>
    tpu.wait_dma2 semaphore(%dma_wait3A_559 : memref<!tpu.dma_semaphore, #tpu.memory_space<semaphore_mem>>) src(%dma_wait3A_566 : memref<8x768xf32, #tpu.memory_space<vmem>>) dst(%dma_wait3A_562 : memref<8x768xf32, #tpu.memory_space<hbm>>)
    %add3A_567 = arith.constant 48 : i32
    %add3A_568 = arith.addi %mul3A_2, %add3A_567 : i32
    %dma_wait3A_569 = arith.constant 2 : i32
    %dma_wait3A_570 = arith.constant 3 : i32
    %dma_wait3A_571 = arith.constant 2 : i32
    %dma_wait3A_572 = arith.constant 24 : i32
    %dma_wait3A_573 = arith.constant 0 : i32
    %dma_wait3A_574 = tpu.memref_slice %arg7[%dma_wait3A_569, %dma_wait3A_572, %dma_wait3A_573] : memref<4x32x768xf32, #tpu.memory_space<vmem>> -> memref<1x8x768xf32, #tpu.memory_space<vmem>>
    %dma_wait3A_575 = tpu.memref_squeeze %dma_wait3A_574 : memref<1x8x768xf32, #tpu.memory_space<vmem>> -> memref<8x768xf32, #tpu.memory_space<vmem>>
    %dma_wait3A_576 = arith.constant 0 : i32
    %dma_wait3A_577 = tpu.memref_slice %arg5[%dma_wait3A_570, %add3A_568, %dma_wait3A_576] : memref<4x2048x768xf32, #tpu.memory_space<hbm>> -> memref<1x8x768xf32, #tpu.memory_space<hbm>>
    %dma_wait3A_578 = tpu.memref_squeeze %dma_wait3A_577 : memref<1x8x768xf32, #tpu.memory_space<hbm>> -> memref<8x768xf32, #tpu.memory_space<hbm>>
    %dma_wait3A_579 = tpu.memref_slice %arg11[%dma_wait3A_571] : memref<4x!tpu.dma_semaphore, #tpu.memory_space<semaphore_mem>> -> memref<1x!tpu.dma_semaphore, #tpu.memory_space<semaphore_mem>>
    %dma_wait3A_580 = tpu.memref_squeeze %dma_wait3A_579 : memref<1x!tpu.dma_semaphore, #tpu.memory_space<semaphore_mem>> -> memref<!tpu.dma_semaphore, #tpu.memory_space<semaphore_mem>>
    %dma_wait3A_581 = arith.constant 0 : i32
    %dma_wait3A_582 = tpu.memref_slice %arg5[%dma_wait3A_570, %add3A_568, %dma_wait3A_581] : memref<4x2048x768xf32, #tpu.memory_space<hbm>> -> memref<1x8x768xf32, #tpu.memory_space<hbm>>
    %dma_wait3A_583 = tpu.memref_squeeze %dma_wait3A_582 : memref<1x8x768xf32, #tpu.memory_space<hbm>> -> memref<8x768xf32, #tpu.memory_space<hbm>>
    %dma_wait3A_584 = arith.constant 24 : i32
    %dma_wait3A_585 = arith.constant 0 : i32
    %dma_wait3A_586 = tpu.memref_slice %arg7[%dma_wait3A_569, %dma_wait3A_584, %dma_wait3A_585] : memref<4x32x768xf32, #tpu.memory_space<vmem>> -> memref<1x8x768xf32, #tpu.memory_space<vmem>>
    %dma_wait3A_587 = tpu.memref_squeeze %dma_wait3A_586 : memref<1x8x768xf32, #tpu.memory_space<vmem>> -> memref<8x768xf32, #tpu.memory_space<vmem>>
    tpu.wait_dma2 semaphore(%dma_wait3A_580 : memref<!tpu.dma_semaphore, #tpu.memory_space<semaphore_mem>>) src(%dma_wait3A_587 : memref<8x768xf32, #tpu.memory_space<vmem>>) dst(%dma_wait3A_583 : memref<8x768xf32, #tpu.memory_space<hbm>>)
    %add3A_588 = arith.constant 56 : i32
    %add3A_589 = arith.addi %mul3A_2, %add3A_588 : i32
    %dma_wait3A_590 = arith.constant 3 : i32
    %dma_wait3A_591 = arith.constant 0 : i32
    %dma_wait3A_592 = arith.constant 3 : i32
    %dma_wait3A_593 = arith.constant 0 : i32
    %dma_wait3A_594 = arith.constant 0 : i32
    %dma_wait3A_595 = tpu.memref_slice %arg7[%dma_wait3A_590, %dma_wait3A_593, %dma_wait3A_594] : memref<4x32x768xf32, #tpu.memory_space<vmem>> -> memref<1x8x768xf32, #tpu.memory_space<vmem>>
    %dma_wait3A_596 = tpu.memref_squeeze %dma_wait3A_595 : memref<1x8x768xf32, #tpu.memory_space<vmem>> -> memref<8x768xf32, #tpu.memory_space<vmem>>
    %dma_wait3A_597 = arith.constant 0 : i32
    %dma_wait3A_598 = tpu.memref_slice %arg5[%dma_wait3A_591, %add3A_589, %dma_wait3A_597] : memref<4x2048x768xf32, #tpu.memory_space<hbm>> -> memref<1x8x768xf32, #tpu.memory_space<hbm>>
    %dma_wait3A_599 = tpu.memref_squeeze %dma_wait3A_598 : memref<1x8x768xf32, #tpu.memory_space<hbm>> -> memref<8x768xf32, #tpu.memory_space<hbm>>
    %dma_wait3A_600 = tpu.memref_slice %arg11[%dma_wait3A_592] : memref<4x!tpu.dma_semaphore, #tpu.memory_space<semaphore_mem>> -> memref<1x!tpu.dma_semaphore, #tpu.memory_space<semaphore_mem>>
    %dma_wait3A_601 = tpu.memref_squeeze %dma_wait3A_600 : memref<1x!tpu.dma_semaphore, #tpu.memory_space<semaphore_mem>> -> memref<!tpu.dma_semaphore, #tpu.memory_space<semaphore_mem>>
    %dma_wait3A_602 = arith.constant 0 : i32
    %dma_wait3A_603 = tpu.memref_slice %arg5[%dma_wait3A_591, %add3A_589, %dma_wait3A_602] : memref<4x2048x768xf32, #tpu.memory_space<hbm>> -> memref<1x8x768xf32, #tpu.memory_space<hbm>>
    %dma_wait3A_604 = tpu.memref_squeeze %dma_wait3A_603 : memref<1x8x768xf32, #tpu.memory_space<hbm>> -> memref<8x768xf32, #tpu.memory_space<hbm>>
    %dma_wait3A_605 = arith.constant 0 : i32
    %dma_wait3A_606 = arith.constant 0 : i32
    %dma_wait3A_607 = tpu.memref_slice %arg7[%dma_wait3A_590, %dma_wait3A_605, %dma_wait3A_606] : memref<4x32x768xf32, #tpu.memory_space<vmem>> -> memref<1x8x768xf32, #tpu.memory_space<vmem>>
    %dma_wait3A_608 = tpu.memref_squeeze %dma_wait3A_607 : memref<1x8x768xf32, #tpu.memory_space<vmem>> -> memref<8x768xf32, #tpu.memory_space<vmem>>
    tpu.wait_dma2 semaphore(%dma_wait3A_601 : memref<!tpu.dma_semaphore, #tpu.memory_space<semaphore_mem>>) src(%dma_wait3A_608 : memref<8x768xf32, #tpu.memory_space<vmem>>) dst(%dma_wait3A_604 : memref<8x768xf32, #tpu.memory_space<hbm>>)
    %add3A_609 = arith.constant 56 : i32
    %add3A_610 = arith.addi %mul3A_2, %add3A_609 : i32
    %dma_wait3A_611 = arith.constant 3 : i32
    %dma_wait3A_612 = arith.constant 1 : i32
    %dma_wait3A_613 = arith.constant 3 : i32
    %dma_wait3A_614 = arith.constant 8 : i32
    %dma_wait3A_615 = arith.constant 0 : i32
    %dma_wait3A_616 = tpu.memref_slice %arg7[%dma_wait3A_611, %dma_wait3A_614, %dma_wait3A_615] : memref<4x32x768xf32, #tpu.memory_space<vmem>> -> memref<1x8x768xf32, #tpu.memory_space<vmem>>
    %dma_wait3A_617 = tpu.memref_squeeze %dma_wait3A_616 : memref<1x8x768xf32, #tpu.memory_space<vmem>> -> memref<8x768xf32, #tpu.memory_space<vmem>>
    %dma_wait3A_618 = arith.constant 0 : i32
    %dma_wait3A_619 = tpu.memref_slice %arg5[%dma_wait3A_612, %add3A_610, %dma_wait3A_618] : memref<4x2048x768xf32, #tpu.memory_space<hbm>> -> memref<1x8x768xf32, #tpu.memory_space<hbm>>
    %dma_wait3A_620 = tpu.memref_squeeze %dma_wait3A_619 : memref<1x8x768xf32, #tpu.memory_space<hbm>> -> memref<8x768xf32, #tpu.memory_space<hbm>>
    %dma_wait3A_621 = tpu.memref_slice %arg11[%dma_wait3A_613] : memref<4x!tpu.dma_semaphore, #tpu.memory_space<semaphore_mem>> -> memref<1x!tpu.dma_semaphore, #tpu.memory_space<semaphore_mem>>
    %dma_wait3A_622 = tpu.memref_squeeze %dma_wait3A_621 : memref<1x!tpu.dma_semaphore, #tpu.memory_space<semaphore_mem>> -> memref<!tpu.dma_semaphore, #tpu.memory_space<semaphore_mem>>
    %dma_wait3A_623 = arith.constant 0 : i32
    %dma_wait3A_624 = tpu.memref_slice %arg5[%dma_wait3A_612, %add3A_610, %dma_wait3A_623] : memref<4x2048x768xf32, #tpu.memory_space<hbm>> -> memref<1x8x768xf32, #tpu.memory_space<hbm>>
    %dma_wait3A_625 = tpu.memref_squeeze %dma_wait3A_624 : memref<1x8x768xf32, #tpu.memory_space<hbm>> -> memref<8x768xf32, #tpu.memory_space<hbm>>
    %dma_wait3A_626 = arith.constant 8 : i32
    %dma_wait3A_627 = arith.constant 0 : i32
    %dma_wait3A_628 = tpu.memref_slice %arg7[%dma_wait3A_611, %dma_wait3A_626, %dma_wait3A_627] : memref<4x32x768xf32, #tpu.memory_space<vmem>> -> memref<1x8x768xf32, #tpu.memory_space<vmem>>
    %dma_wait3A_629 = tpu.memref_squeeze %dma_wait3A_628 : memref<1x8x768xf32, #tpu.memory_space<vmem>> -> memref<8x768xf32, #tpu.memory_space<vmem>>
    tpu.wait_dma2 semaphore(%dma_wait3A_622 : memref<!tpu.dma_semaphore, #tpu.memory_space<semaphore_mem>>) src(%dma_wait3A_629 : memref<8x768xf32, #tpu.memory_space<vmem>>) dst(%dma_wait3A_625 : memref<8x768xf32, #tpu.memory_space<hbm>>)
    %add3A_630 = arith.constant 56 : i32
    %add3A_631 = arith.addi %mul3A_2, %add3A_630 : i32
    %dma_wait3A_632 = arith.constant 3 : i32
    %dma_wait3A_633 = arith.constant 2 : i32
    %dma_wait3A_634 = arith.constant 3 : i32
    %dma_wait3A_635 = arith.constant 16 : i32
    %dma_wait3A_636 = arith.constant 0 : i32
    %dma_wait3A_637 = tpu.memref_slice %arg7[%dma_wait3A_632, %dma_wait3A_635, %dma_wait3A_636] : memref<4x32x768xf32, #tpu.memory_space<vmem>> -> memref<1x8x768xf32, #tpu.memory_space<vmem>>
    %dma_wait3A_638 = tpu.memref_squeeze %dma_wait3A_637 : memref<1x8x768xf32, #tpu.memory_space<vmem>> -> memref<8x768xf32, #tpu.memory_space<vmem>>
    %dma_wait3A_639 = arith.constant 0 : i32
    %dma_wait3A_640 = tpu.memref_slice %arg5[%dma_wait3A_633, %add3A_631, %dma_wait3A_639] : memref<4x2048x768xf32, #tpu.memory_space<hbm>> -> memref<1x8x768xf32, #tpu.memory_space<hbm>>
    %dma_wait3A_641 = tpu.memref_squeeze %dma_wait3A_640 : memref<1x8x768xf32, #tpu.memory_space<hbm>> -> memref<8x768xf32, #tpu.memory_space<hbm>>
    %dma_wait3A_642 = tpu.memref_slice %arg11[%dma_wait3A_634] : memref<4x!tpu.dma_semaphore, #tpu.memory_space<semaphore_mem>> -> memref<1x!tpu.dma_semaphore, #tpu.memory_space<semaphore_mem>>
    %dma_wait3A_643 = tpu.memref_squeeze %dma_wait3A_642 : memref<1x!tpu.dma_semaphore, #tpu.memory_space<semaphore_mem>> -> memref<!tpu.dma_semaphore, #tpu.memory_space<semaphore_mem>>
    %dma_wait3A_644 = arith.constant 0 : i32
    %dma_wait3A_645 = tpu.memref_slice %arg5[%dma_wait3A_633, %add3A_631, %dma_wait3A_644] : memref<4x2048x768xf32, #tpu.memory_space<hbm>> -> memref<1x8x768xf32, #tpu.memory_space<hbm>>
    %dma_wait3A_646 = tpu.memref_squeeze %dma_wait3A_645 : memref<1x8x768xf32, #tpu.memory_space<hbm>> -> memref<8x768xf32, #tpu.memory_space<hbm>>
    %dma_wait3A_647 = arith.constant 16 : i32
    %dma_wait3A_648 = arith.constant 0 : i32
    %dma_wait3A_649 = tpu.memref_slice %arg7[%dma_wait3A_632, %dma_wait3A_647, %dma_wait3A_648] : memref<4x32x768xf32, #tpu.memory_space<vmem>> -> memref<1x8x768xf32, #tpu.memory_space<vmem>>
    %dma_wait3A_650 = tpu.memref_squeeze %dma_wait3A_649 : memref<1x8x768xf32, #tpu.memory_space<vmem>> -> memref<8x768xf32, #tpu.memory_space<vmem>>
    tpu.wait_dma2 semaphore(%dma_wait3A_643 : memref<!tpu.dma_semaphore, #tpu.memory_space<semaphore_mem>>) src(%dma_wait3A_650 : memref<8x768xf32, #tpu.memory_space<vmem>>) dst(%dma_wait3A_646 : memref<8x768xf32, #tpu.memory_space<hbm>>)
    %add3A_651 = arith.constant 56 : i32
    %add3A_652 = arith.addi %mul3A_2, %add3A_651 : i32
    %dma_wait3A_653 = arith.constant 3 : i32
    %dma_wait3A_654 = arith.constant 3 : i32
    %dma_wait3A_655 = arith.constant 3 : i32
    %dma_wait3A_656 = arith.constant 24 : i32
    %dma_wait3A_657 = arith.constant 0 : i32
    %dma_wait3A_658 = tpu.memref_slice %arg7[%dma_wait3A_653, %dma_wait3A_656, %dma_wait3A_657] : memref<4x32x768xf32, #tpu.memory_space<vmem>> -> memref<1x8x768xf32, #tpu.memory_space<vmem>>
    %dma_wait3A_659 = tpu.memref_squeeze %dma_wait3A_658 : memref<1x8x768xf32, #tpu.memory_space<vmem>> -> memref<8x768xf32, #tpu.memory_space<vmem>>
    %dma_wait3A_660 = arith.constant 0 : i32
    %dma_wait3A_661 = tpu.memref_slice %arg5[%dma_wait3A_654, %add3A_652, %dma_wait3A_660] : memref<4x2048x768xf32, #tpu.memory_space<hbm>> -> memref<1x8x768xf32, #tpu.memory_space<hbm>>
    %dma_wait3A_662 = tpu.memref_squeeze %dma_wait3A_661 : memref<1x8x768xf32, #tpu.memory_space<hbm>> -> memref<8x768xf32, #tpu.memory_space<hbm>>
    %dma_wait3A_663 = tpu.memref_slice %arg11[%dma_wait3A_655] : memref<4x!tpu.dma_semaphore, #tpu.memory_space<semaphore_mem>> -> memref<1x!tpu.dma_semaphore, #tpu.memory_space<semaphore_mem>>
    %dma_wait3A_664 = tpu.memref_squeeze %dma_wait3A_663 : memref<1x!tpu.dma_semaphore, #tpu.memory_space<semaphore_mem>> -> memref<!tpu.dma_semaphore, #tpu.memory_space<semaphore_mem>>
    %dma_wait3A_665 = arith.constant 0 : i32
    %dma_wait3A_666 = tpu.memref_slice %arg5[%dma_wait3A_654, %add3A_652, %dma_wait3A_665] : memref<4x2048x768xf32, #tpu.memory_space<hbm>> -> memref<1x8x768xf32, #tpu.memory_space<hbm>>
    %dma_wait3A_667 = tpu.memref_squeeze %dma_wait3A_666 : memref<1x8x768xf32, #tpu.memory_space<hbm>> -> memref<8x768xf32, #tpu.memory_space<hbm>>
    %dma_wait3A_668 = arith.constant 24 : i32
    %dma_wait3A_669 = arith.constant 0 : i32
    %dma_wait3A_670 = tpu.memref_slice %arg7[%dma_wait3A_653, %dma_wait3A_668, %dma_wait3A_669] : memref<4x32x768xf32, #tpu.memory_space<vmem>> -> memref<1x8x768xf32, #tpu.memory_space<vmem>>
    %dma_wait3A_671 = tpu.memref_squeeze %dma_wait3A_670 : memref<1x8x768xf32, #tpu.memory_space<vmem>> -> memref<8x768xf32, #tpu.memory_space<vmem>>
    tpu.wait_dma2 semaphore(%dma_wait3A_664 : memref<!tpu.dma_semaphore, #tpu.memory_space<semaphore_mem>>) src(%dma_wait3A_671 : memref<8x768xf32, #tpu.memory_space<vmem>>) dst(%dma_wait3A_667 : memref<8x768xf32, #tpu.memory_space<hbm>>)
    return
  }
}

</mosaic_0001>

<sc_bundles>
// kernel: _embed.3.cloned.1.call-start
scs
__scs_entry_jumppad:
0x0: {  	(pc) =	sbr.rel $0x88, $3  }
0x1: {  	(tag) =	ssettag $0x0;
	lr =	simm.s32 $0x1  }
0x2: {  	[smem:$0x3F9E] =	sst lr;
	_ =	strace $0xD0000000  }
0x3: {  	_ = 	snop  }
0x4: {  	_ = 	snop  }
0x5: {  	_ = 	snop  }
0x6: {  	_ = 	snop  }
0x7: {  	_ = 	snop  }
__scs_overlays_trampoline_lowered:
0x8: {  	[smem:$0x3FAD] =	sst s0  }
0x9: {  	[smem:$0x3FAE] =	sst s1  }
0xa: {  	[smem:$0x3FAF] =	sst s2  }
0xb: {  	[smem:$0x3FB0] =	sst s3  }
0xc: {  	[smem:$0x3FB1] =	sst s4  }
0xd: {  	[smem:$0x3FB2] =	sst s5  }
0xe: {  	[smem:$0x3FB3] =	sst s6  }
0xf: {  	[smem:$0x3FB4] =	sst s7  }
0x10: {  	[smem:$0x3FB5] =	sst s8  }
0x11: {  	[smem:$0x3FB6] =	sst s9;
	s0 =	simm.s32 @!p0 $0x0  }
0x12: {  	s1 =	sld [smem:$0x3F9C];
	s0 =	simm.s32 @p0 $0x1  }
0x13: {  	[smem:$0x3FB7] =	sst s0;
	s0 =	simm.s32 @!p1 $0x0  }
0x14: {  	s2 =	sld [smem:$0x3F9B];
	s0 =	simm.s32 @p1 $0x1  }
0x15: {  	[smem:$0x3FB8] =	sst s0;
	s0 =	simm.s32 @!p2 $0x0  }
0x16: {  	s3 =	sld [smem:$0x3FDB];
	s0 =	simm.s32 @p2 $0x1  }
0x17: {  	s4 =	simm.s32 $0x1BF5;
	[smem:$0x3FBA] =	sst s0  }
0x18: {  	s0 =	sld [smem:$0x3F9D];
	_ =	swait.ge [sflag:s4], $0x0  }
0x19: {  	s7 =	sld [smem:$0x3F9E]  }
0x1a: {  	s8 =	sadd.s32 $0xFFFFE003, lr  }
0x1b: {  	s9 =	sadd.s32 $0xFFFFFEF7, lr;
	s5 =	simm.s32 $0xFFFFFFFF;
	p2 =	slt.u32 s8, $0xFFFFF086  }
0x1c: {  	p1 =	slt.u32 s9, $0xF7A;
	s5 =	simm.s32 @!p2 $0x0  }
0x1d: {  	s5 =	simm.s32 @p1 $0x1;
	p0 =	seq.s32 s7, s2  }
0x1e: {  	s7 =	smul.u32 @!p0 $0xF7A, s2;
	p2 =	seq.s32 @!p0 s5, $0x0  }
0x1f: {  	s9 =	smul.u32 $0xF7A, s1;
	s8 =	simm.s32 @!p0 $0x1BF5;
	p2 =	por !p2, p0  }
0x20: {  	[sflag:s8] =	ssyncset.s32 @!p0 $0xFFFFF086;
	s6 =	sadd.s32 @!p0 s3, s7;
	s7 =	simm.s32 @!p0 $0x108  }
0x21: {  	s3 =	sadd.s32 s3, s9;
	s6 =	sadd.s32 @!p0 $0x88, s6;
	s7 =	simm.s32 @p2 $0x1082  }
0x22: {  	[simem:s7], [sflag:s8] =	dma.local @!p0 [hbm:s6], $0xF7A  }
0x23: {  	s9 =	sor.u32 $0xD0000000, s2;
	s6 =	simm.s32 $0x108;
	_ =	swait.ge @!p0 [sflag:s8], $0x0  }
0x24: {  	s3 =	sadd.s32 $0x88, s3;
	s6 =	simm.s32 @!p1 $0x1082;
	[sflag:s4] =	ssyncset.s32 $0xFFFFF086  }
0x25: {  	[simem:s6], [sflag:s4] =	dma.local [hbm:s3], $0xF7A  }
0x26: {  	[smem:$0x3F9E] =	sst s1;
	(tag) =	ssettag s2;
	_ =	strace s9  }
0x27: {  	s1 =	sld [smem:$0x3FAE]  }
0x28: {  	s2 =	sld [smem:$0x3FAF]  }
0x29: {  	s4 =	sld [smem:$0x3FB1]  }
0x2a: {  	p0 =	seq.s32 s5, $0x0;
	s5 =	sld [smem:$0x3FB2]  }
0x2b: {  	s6 =	sld [smem:$0x3FB3]  }
0x2c: {  	s7 =	sld [smem:$0x3FB4]  }
0x2d: {  	s3 =	simm.s32 $0x108;
	s8 =	sld [smem:$0x3FB5]  }
0x2e: {  	s3 =	simm.s32 @!p0 $0x1082;
	s9 =	sld [smem:$0x3FB6]  }
0x2f: {  	lr =	sadd.s32 s0, s3;
	s0 =	sld [smem:$0x3FAD]  }
0x30: {  	s3 =	sld [smem:$0x3FB0]  }
0x31: {  	[smem:$0x3FB9] =	sst s10  }
0x32: {  	s10 =	sld [smem:$0x3FB7];
	_ =	sdelay $0x3  }
0x33: {  	p0 =	seq.s32 s10, $0x1;
	s10 =	sld [smem:$0x3FB9];
	_ =	sdelay $0x3  }
0x34: {  	[smem:$0x3FB9] =	sst s10  }
0x35: {  	s10 =	sld [smem:$0x3FB8];
	_ =	sdelay $0x3  }
0x36: {  	p1 =	seq.s32 s10, $0x1;
	s10 =	sld [smem:$0x3FB9];
	_ =	sdelay $0x3  }
0x37: {  	[smem:$0x3FB9] =	sst s10  }
0x38: {  	s10 =	sld [smem:$0x3FBA]  }
0x39: {  	_ = 	snop;
	(pc) =	sbr.ind lr, $3  }
0x3a: {  	_ = 	snop  }
0x3b: {  	_ = 	snop  }
0x3c: {  	p2 =	seq.s32 s10, $0x1;
	s10 =	sld [smem:$0x3FB9]  }
0x3d: {  	_ =	shalt  }
0x3e: {  	_ =	shalt  }
0x3f: {  	_ =	shalt  }
0x40: {  	_ =	shalt  }
0x41: {  	_ =	shalt  }
0x42: {  	_ =	shalt  }
0x43: {  	_ =	shalt  }
0x44: {  	_ =	shalt  }
0x45: {  	_ =	shalt  }
0x46: {  	_ =	shalt  }
0x47: {  	_ =	shalt  }
0x48: {  	_ =	shalt  }
0x49: {  	_ =	shalt  }
0x4a: {  	_ =	shalt  }
0x4b: {  	_ =	shalt  }
0x4c: {  	_ =	shalt  }
0x4d: {  	_ =	shalt  }
0x4e: {  	_ =	shalt  }
0x4f: {  	_ =	shalt  }
0x50: {  	_ =	shalt  }
0x51: {  	_ =	shalt  }
0x52: {  	_ =	shalt  }
0x53: {  	_ =	shalt  }
0x54: {  	_ =	shalt  }
0x55: {  	_ =	shalt  }
0x56: {  	_ =	shalt  }
0x57: {  	_ =	shalt  }
0x58: {  	_ =	shalt  }
0x59: {  	_ =	shalt  }
0x5a: {  	_ =	shalt  }
0x5b: {  	_ =	shalt  }
0x5c: {  	_ =	shalt  }
0x5d: {  	_ =	shalt  }
0x5e: {  	_ =	shalt  }
0x5f: {  	_ =	shalt  }
0x60: {  	_ =	shalt  }
0x61: {  	_ =	shalt  }
0x62: {  	_ =	shalt  }
0x63: {  	_ =	shalt  }
0x64: {  	_ =	shalt  }
0x65: {  	_ =	shalt  }
0x66: {  	_ =	shalt  }
0x67: {  	_ =	shalt  }
0x68: {  	_ =	shalt  }
0x69: {  	_ =	shalt  }
0x6a: {  	_ =	shalt  }
0x6b: {  	_ =	shalt  }
0x6c: {  	_ =	shalt  }
0x6d: {  	_ =	shalt  }
0x6e: {  	_ =	shalt  }
0x6f: {  	_ =	shalt  }
0x70: {  	_ =	shalt  }
0x71: {  	_ =	shalt  }
0x72: {  	_ =	shalt  }
0x73: {  	_ =	shalt  }
0x74: {  	_ =	shalt  }
0x75: {  	_ =	shalt  }
0x76: {  	_ =	shalt  }
0x77: {  	_ =	shalt  }
0x78: {  	_ =	shalt  }
0x79: {  	_ =	shalt  }
0x7a: {  	_ =	shalt  }
0x7b: {  	_ =	shalt  }
0x7c: {  	_ =	shalt  }
0x7d: {  	_ =	shalt  }
0x7e: {  	_ =	shalt  }
0x7f: {  	_ =	shalt  }
0x80: {  	_ =	shalt  }
0x81: {  	_ =	shalt  }
0x82: {  	_ =	shalt  }
0x83: {  	_ =	shalt  }
0x84: {  	_ =	shalt  }
0x85: {  	_ =	shalt  }
0x86: {  	_ =	shalt  }
0x87: {  	_ =	shalt  }
.Lfunc_end0:
.L_simem_size_0:
called_computation_lowered:
.L_overlay_start_0:
0x88: {  	s2 =	sld [smem:$0x3FD9]  }
0x89: {  	s3 =	sld [smem:$0x3FFE];
	_ =	sdelay $0x1  }
0x8a: {  	s1 =	srdreg.scid  }
0x8b: {  	s0 =	sand.u32 $0x1, s1  }
0x8c: {  	s18 =	sshll.u32 s0, $0xA;
	s2 =	sadd.s32 s3, s2  }
0x8d: {  	s2 =	sadd.s32 s2, s18  }
0x8e: {  	[smem:$0x3FC5] =	sst s2  }
0x8f: {  	_ = 	snop  }
0x90: {  	s2 =	sld [smem:$0x3FC9]  }
0x91: {  	s19 =	sld [smem:$0x3FC8]  }
0x92: {  	s4 =	sld [smem:$0x3FC7]  }
0x93: {  	s5 =	sld [smem:$0x3FD0];
	(tm) =	ssettm $0x1  }
0x94: {  	s6 =	sld [smem:$0x3FFB];
	_ =	sdelay $0x3  }
0x95: {  	_ =	strace s6  }
0x96: {  	s6 =	sld [smem:$0x3FFC];
	_ =	sdelay $0x3  }
0x97: {  	_ =	strace s6  }
0x98: {  	s6 =	sld [smem:$0x3FFD];
	_ =	sdelay $0x3  }
0x99: {  	_ =	strace s6  }
0x9a: {  	_ =	strace $0x8FFFFFFF  }
0x9b: {  	s20 =	sld [smem:$0x3FDB];
	_ =	sdelay $0x1  }
0x9c: {  	s7 =	simm.s32 $_scs_section_size  }
0x9d: {  	s8 =	simm.s32 $_size__tile_overlayer_lowered;
	s9 =	simm.s32 $_tile_overlayer_lowered  }
0x9e: {  	s23 =	simm.s32 $0x1BFF;
	s22 =	sshll.u32 s9, $0x1;
	s6 =	sadd.s32 s7, s20  }
0x9f: {  	s10 =	simm.s32 $0x0;
	s21 =	sshll.u32 s8, $0x1;
	s8 =	sadd.s32 s22, s6  }
0xa0: {  	[timem:s10], [sflag:s23] =	dma.local [hbm:s8], s21  }
0xa1: {  	_ =	swait.ge [sflag:s23], s21  }
0xa2: {  	s7 =	ssub.s32 $0x0, s21;
	[sflag:s23] =	ssyncset.done $0x0  }
0xa3: {  	[sflag:s23] =	ssyncadd.s32 s7;
	_ =	sdelay $0x1  }
0xa4: {  	s24 =	simm.s32 $0x1B8B  }
0xa5: {  	_ =	swait.ge [sflag:s24], $0x1  }
0xa6: {  	[sflag:s24] =	ssyncset.done $0x0  }
0xa7: {  	s25 =	simm.s32 $0x1B8E;
	[sflag:s24] =	ssyncadd.s32 $0xFFFFFFFF  }
0xa8: {  	s26 =	simm.s32 $execute0_lowered;
	[smem:$0x3FD2] =	sst s25  }
0xa9: {  	s7 =	sshll.u32 s26, $0x1;
	_ =	strace $0x80000046;
	[dreg:$0x1] =	wrdreg $0xFFFFFFFF  }
0xaa: {  	s28 =	simm.s32 $_size_execute0_lowered;
	s6 =	sadd.s32 s6, s7;
	[dreg:$0x0] =	wrdreg $0x0  }
0xab: {  	s7 =	sshll.u32 s28, $0x1;
	[dreg:$0x2] =	wrdreg s6  }
0xac: {  	[dreg:$0x3] =	wrdreg s7  }
0xad: {  	[dreg:$0x4] =	wrdreg $0xC0  }
0xae: {  	_ =	task [dreg:s10], $0x5FFFF  }
0xaf: {  	[dreg:$0x1] =	wrdreg $0xFFFFFFFF  }
0xb0: {  	[dreg:$0x0] =	wrdreg $0x60  }
0xb1: {  	[dreg:$0x2] =	wrdreg s2  }
0xb2: {  	[dreg:$0x3] =	wrdreg s19  }
0xb3: {  	[dreg:$0x4] =	wrdreg s4  }
0xb4: {  	[dreg:$0x5] =	wrdreg s5  }
0xb5: {  	[dreg:$0x6] =	wrdreg $0x9  }
0xb6: {  	_ =	task.clear_ibuf [dreg:s10], $0x7FFFF;
	_ =	strace $0x90000046  }
0xb7: {  	s29 =	simm.s32 $0x9;
	_ =	strace $0x80000048  }
0xb8: {  	_ =	swait.ge [sflag:s29], $0x1  }
0xb9: {  	[sflag:s29] =	ssyncadd.s32 $0xFFFFFFFF  }
0xba: {  	_ =	strace $0x90000048  }
0xbb: {  	_ =	sfence  }
0xbc: {  	s30 =	sld [smem:$0x0];
	_ =	sdelay $0x2  }
0xbd: {  	s31 =	sshll.u32 s1, $0xD;
	s1 =	sshrl.u32 s1, $0x2  }
0xbe: {  	s3 =	sand.u32 $0x4000, s31;
	s1 =	sadd.s32 s1, s30  }
0xbf: {  	s0 =	sor.u32 s3, s0;
	s1 =	sshll.u32 s1, $0x11  }
0xc0: {  	s0 =	sor.u32 s1, s0  }
0xc1: {  	s0 =	sadd.s32 $0x8F2B, s0  }
0xc2: {  	[sflag:s0] =	ssyncadd.remote.s32 $0x1  }
0xc3: {  	_ =	sfence.sel $0xFFFF  }
0xc4: {  	[dreg:$0x0] =	wrdreg $0xFFFFFFFF;
	(pc) =	sbr.abs _section_cstart, $3  }
0xc5: {  	[dreg:$0x1] =	wrdreg $0xFFFFFFFF  }
0xc6: {  	_ =	task.clear_ibuf [dreg:s10], $0x2FFFF;
	_ =	strace $0x9FFFFFFF  }
0xc7: {  	(tm) =	ssettm $0x7FFFFFFF  }
tec
execute0_lowered:
.L_overlay_start_1:
0x0: {  	(tag) =	ssettag $0x1  }
0x1: {  	s0 =	rddreg [dreg:$0x0]  }
0x2: {  	s2 =	srdreg.scid;
	s1 =	rddreg [dreg:$0x1]  }
0x3: {  	s4 =	stileid.u32;
	s3 =	rddreg [dreg:$0x2]  }
0x4: {  	s23 =	simm.s32 $0xD;
	s31 =	simm.s32 $0x9;
	s17 =	simm.s32 $0xC  }
0x5: {  	s18 =	simm.s32 $0x0;
	s2 =	sand.u32 $0x1, s2;
	s5 =	sshll.u32 s4, $0x7  }
0x6: {  	s4 =	rddreg [dreg:$0x3];
	s14 =	sadd.s32 $0x100, s1;
	s8 =	sshll.u32 s2, $0x6  }
0x7: {  	s15 =	sadd.s32 $0x200, s1;
	s2 =	ssub.s32 $0x2, s2;
	s7 =	sor.u32 s8, s5  }
0x8: {  	s5 =	simm.s32 $0x0;
	s10 =	sshrl.u32 s2, $0x1;
	s6 =	sshrl.u32 s7, $0x3  }
0x9: {  	[smem:$0x7FF] =	sst s5;
	s11 =	sshll.u32 s7, $0x2;
	s9 =	smul.u32 $0x300, s6  }
0xa: {  	s2 =	ssub.s32 s2, s10;
	_ =	strace $0x80000047;
	s25 =	sand.u32 $0x1E00, s11  }
0xb: {  	s16 =	smax.u32 s2, $0x1;
	s2 =	simm.s32 $0xA;
	s7 =	sadd.s32 s3, s9  }
0xc: {  	s9 =	sor.u32 s8, s25;
	s8 =	sor.u32 s8, s11;
	s26 =	sadd.s32 $0x300, s7  }
.Ltmp0:
0xd: {  	s28 =	sadd.s32 $0x600, s7;
	s9 =	sshrl.u32 s9, $0x3;
	(pc) =	sbr.rel .LBB2_1-.Ltmp0, $4  }
0xe: {  	s8 =	sshrl.u32 s8, $0x3;
	[dreg:$0x5] =	wrdreg s26;
	s10 =	sadd.s32 s0, s9  }
0xf: {  	v0 =	vlaneseq.u32;
	[dreg:$0x6] =	wrdreg s28;
	s29 =	sor.u32 $0x20, s8;
	s30 =	sadd.s32 $0x10, s10  }
0x10: {  	v1 =	vshrl.u32 v0, $0x3;
	s8 =	sor.u32 $0x30, s8;
	s9 =	sadd.s32 s0, s29;
	[dreg:$0x7] =	wrdreg s30  }
0x11: {  	vm0 =	vmmov $0xffff;
	v0 =	vand.u32 $0x7, v0;
	v1 =	vmul.u32 $0x8, v1;
	s13 =	sadd.s32 s0, s8;
	s0 =	simm.s32 $0xB;
	[dreg:$0x8] =	wrdreg s9  }
.LBB2_9:
0x12: {  	_ =	swait.ge [sflag:s31], $0x1800  }
0x13: {  	[sflag:s31] =	ssyncset.done $0x0  }
0x14: {  	[sflag:s31] =	ssyncadd.s32 $0xFFFFE800  }
0x15: {  	_ =	swait.ge [sflag:s31], $0x1800  }
0x16: {  	[sflag:s31] =	ssyncset.done $0x0  }
0x17: {  	[sflag:s31] =	ssyncadd.s32 $0xFFFFE800  }
0x18: {  	_ =	swait.ge [sflag:s31], $0x1800  }
0x19: {  	[sflag:s31] =	ssyncset.done $0x0  }
0x1a: {  	[sflag:s31] =	ssyncadd.s32 $0xFFFFE800  }
0x1b: {  	_ =	swait.ge [sflag:s31], $0x1800  }
0x1c: {  	[sflag:s31] =	ssyncset.done $0x0  }
0x1d: {  	[sflag:s31] =	ssyncadd.s32 $0xFFFFE800  }
0x1e: {  	_ =	swait.ge [sflag:s2], $0x1800  }
0x1f: {  	[sflag:s2] =	ssyncset.done $0x0  }
0x20: {  	[sflag:s2] =	ssyncadd.s32 $0xFFFFE800  }
0x21: {  	_ =	swait.ge [sflag:s2], $0x1800  }
0x22: {  	[sflag:s2] =	ssyncset.done $0x0  }
0x23: {  	[sflag:s2] =	ssyncadd.s32 $0xFFFFE800  }
0x24: {  	_ =	swait.ge [sflag:s2], $0x1800  }
0x25: {  	[sflag:s2] =	ssyncset.done $0x0  }
0x26: {  	[sflag:s2] =	ssyncadd.s32 $0xFFFFE800  }
0x27: {  	_ =	swait.ge [sflag:s2], $0x1800  }
0x28: {  	[sflag:s2] =	ssyncset.done $0x0  }
0x29: {  	[sflag:s2] =	ssyncadd.s32 $0xFFFFE800  }
0x2a: {  	_ =	swait.ge [sflag:s0], $0x1800  }
0x2b: {  	[sflag:s0] =	ssyncset.done $0x0  }
0x2c: {  	[sflag:s0] =	ssyncadd.s32 $0xFFFFE800  }
0x2d: {  	_ =	swait.ge [sflag:s0], $0x1800  }
0x2e: {  	[sflag:s0] =	ssyncset.done $0x0  }
0x2f: {  	[sflag:s0] =	ssyncadd.s32 $0xFFFFE800  }
0x30: {  	_ =	swait.ge [sflag:s0], $0x1800  }
0x31: {  	[sflag:s0] =	ssyncset.done $0x0  }
0x32: {  	[sflag:s0] =	ssyncadd.s32 $0xFFFFE800  }
0x33: {  	_ =	swait.ge [sflag:s0], $0x1800  }
0x34: {  	[sflag:s0] =	ssyncset.done $0x0  }
0x35: {  	[sflag:s0] =	ssyncadd.s32 $0xFFFFE800  }
0x36: {  	_ =	swait.ge [sflag:s17], $0x1800  }
0x37: {  	[sflag:s17] =	ssyncset.done $0x0  }
0x38: {  	[sflag:s17] =	ssyncadd.s32 $0xFFFFE800  }
0x39: {  	_ =	swait.ge [sflag:s17], $0x1800  }
0x3a: {  	[sflag:s17] =	ssyncset.done $0x0  }
0x3b: {  	s18 =	sadd.s32 $0x1, s18;
	[sflag:s17] =	ssyncadd.s32 $0xFFFFE800  }
0x3c: {  	p0 =	sne.s32 s18, s16;
	_ =	swait.ge [sflag:s17], $0x1800  }
.Ltmp1:
0x3d: {  	[sflag:s17] =	ssyncset.done $0x0;
	(pc) =	sbr.rel @!p0 .LBB2_10-.Ltmp1, $4  }
0x3e: {  	[sflag:s17] =	ssyncadd.s32 $0xFFFFE800  }
0x3f: {  	_ =	swait.ge [sflag:s17], $0x1800  }
0x40: {  	[sflag:s17] =	ssyncset.done $0x0  }
0x41: {  	[sflag:s17] =	ssyncadd.s32 $0xFFFFE800  }
.LBB2_1:
0x42: {  	s8 =	simm.s32 $0x18200  }
0x43: {  	[tilespmem:s8], [sflag:$0x5] =	stream.linear.gather [hbm4b:s7+s5], $0x1800, $0x38;
	[tilespmem:$0x1E200] =	vst v63  }
0x44: {  	s25 =	rddreg [dreg:$0x5];
	s9 =	simm.s32 $0x19A00  }
0x45: {  	[tilespmem:s9], [sflag:$0x6] =	stream.linear.gather [hbm4b:s25+s5], $0x1800, $0x38;
	[tilespmem:$0x1E200] =	vst v63  }
0x46: {  	s26 =	rddreg [dreg:$0x6];
	s28 =	simm.s32 $0x1B200  }
0x47: {  	[tilespmem:s28], [sflag:$0x7] =	stream.linear.gather [hbm4b:s26+s5], $0x1800, $0x38;
	[tilespmem:$0x1E200] =	vst v63  }
0x48: {  	_ = 	snop  }
0x49: {  	[tilespmem:s5], [sflag:$0xD] =	stream.linear.gather [hbm4b:s10+s5], $0x40, $0x38;
	[tilespmem:$0x1E200] =	vst v63  }
0x4a: {  	s29 =	rddreg [dreg:$0x7];
	s30 =	simm.s32 $0x80  }
0x4b: {  	[tilespmem:s30], [sflag:$0xD] =	stream.linear.gather [hbm4b:s29+s5], $0x40, $0x38;
	[tilespmem:$0x1E200] =	vst v63  }
0x4c: {  	s11 =	simm.s32 $0x100;
	s9 =	rddreg [dreg:$0x8]  }
0x4d: {  	[tilespmem:s11], [sflag:$0xD] =	stream.linear.gather [hbm4b:s9+s5], $0x40, $0x38;
	[tilespmem:$0x1E200] =	vst v63  }
0x4e: {  	s12 =	simm.s32 $0x180  }
0x4f: {  	[tilespmem:s12], [sflag:$0xD] =	stream.linear.gather [hbm4b:s13+s5], $0x40, $0x38;
	[tilespmem:$0x1E200] =	vst v63  }
0x50: {  	_ =	swait.ge [sflag:s23], $0x40  }
0x51: {  	[sflag:s23] =	ssyncset.done $0x0  }
0x52: {  	[sflag:s23] =	ssyncadd.s32 $0xFFFFFFC0  }
0x53: {  	_ =	swait.ge [sflag:s23], $0x40  }
0x54: {  	[sflag:s23] =	ssyncset.done $0x0  }
0x55: {  	[sflag:s23] =	ssyncadd.s32 $0xFFFFFFC0  }
0x56: {  	_ =	swait.ge [sflag:s23], $0x40  }
0x57: {  	[sflag:s23] =	ssyncset.done $0x0  }
0x58: {  	[sflag:s23] =	ssyncadd.s32 $0xFFFFFFC0  }
0x59: {  	_ =	swait.ge [sflag:s23], $0x40  }
0x5a: {  	[sflag:s23] =	ssyncset.done $0x0  }
0x5b: {  	[sflag:s23] =	ssyncadd.s32 $0xFFFFFFC0  }
0x5c: {  	v2 =	vld.msk [tilespmem:$0x0], $0xff;
	_ =	sdelay $0x4  }
0x5d: {  	v3 =	vshrl.u32 v2, $0x3  }
0x5e: {  	v3 =	vmul.u32 $0x30, v3  }
0x5f: {  	v2 =	vand.u32 $0x7, v2  }
0x60: {  	v2 =	vor.u32 v2, v3  }
0x61: {  	v2 =	vperm.xlane v2, v0;
	_ =	sdelay $0x1  }
0x62: {  	v2 =	vadd.s32 v1, v2;
	_ =	sdelay $0x3  }
0x63: {  	s19 =	simm.s32 $0x200  }
0x64: {  	[tilespmem:s19], [sflag:$0x1] =	stream.indirect_vreg.gather [hbm4b:s1+s5], $0x80, v2, vm0, $0xb8;
	[tilespmem:$0x1E200] =	vst v63  }
0x65: {  	s20 =	simm.s32 $0xA00  }
0x66: {  	[tilespmem:s20], [sflag:$0x1] =	stream.indirect_vreg.gather [hbm4b:s14+s5], $0x80, v2, vm0, $0xb8;
	[tilespmem:$0x1E200] =	vst v63  }
0x67: {  	s21 =	simm.s32 $0x1200  }
0x68: {  	[tilespmem:s21], [sflag:$0x1] =	stream.indirect_vreg.gather [hbm4b:s15+s5], $0x80, v2, vm0, $0xb8;
	[tilespmem:$0x1E200] =	vst v63  }
0x69: {  	v2 =	vld.msk [tilespmem:$0x80], $0xff;
	_ =	sdelay $0x4  }
0x6a: {  	v3 =	vshrl.u32 v2, $0x3  }
0x6b: {  	v3 =	vmul.u32 $0x30, v3  }
0x6c: {  	v2 =	vand.u32 $0x7, v2  }
0x6d: {  	v2 =	vor.u32 v2, v3  }
0x6e: {  	v2 =	vperm.xlane v2, v0;
	_ =	sdelay $0x1  }
0x6f: {  	v2 =	vadd.s32 v1, v2;
	_ =	sdelay $0x3  }
0x70: {  	s22 =	simm.s32 $0x1A00  }
0x71: {  	[tilespmem:s22], [sflag:$0x1] =	stream.indirect_vreg.gather [hbm4b:s1+s5], $0x80, v2, vm0, $0xb8;
	[tilespmem:$0x1E200] =	vst v63  }
0x72: {  	s24 =	simm.s32 $0x2200  }
0x73: {  	[tilespmem:s24], [sflag:$0x1] =	stream.indirect_vreg.gather [hbm4b:s14+s5], $0x80, v2, vm0, $0xb8;
	[tilespmem:$0x1E200] =	vst v63  }
0x74: {  	s25 =	simm.s32 $0x2A00  }
0x75: {  	[tilespmem:s25], [sflag:$0x1] =	stream.indirect_vreg.gather [hbm4b:s15+s5], $0x80, v2, vm0, $0xb8;
	[tilespmem:$0x1E200] =	vst v63  }
0x76: {  	v2 =	vld.msk [tilespmem:$0x100], $0xff;
	_ =	sdelay $0x4  }
0x77: {  	v3 =	vshrl.u32 v2, $0x3  }
0x78: {  	v3 =	vmul.u32 $0x30, v3  }
0x79: {  	v2 =	vand.u32 $0x7, v2  }
0x7a: {  	v2 =	vor.u32 v2, v3  }
0x7b: {  	v2 =	vperm.xlane v2, v0;
	_ =	sdelay $0x1  }
0x7c: {  	v2 =	vadd.s32 v1, v2;
	_ =	sdelay $0x3  }
0x7d: {  	s26 =	simm.s32 $0x3200  }
0x7e: {  	[tilespmem:s26], [sflag:$0x1] =	stream.indirect_vreg.gather [hbm4b:s1+s5], $0x80, v2, vm0, $0xb8;
	[tilespmem:$0x1E200] =	vst v63  }
0x7f: {  	s28 =	simm.s32 $0x3A00  }
0x80: {  	[tilespmem:s28], [sflag:$0x1] =	stream.indirect_vreg.gather [hbm4b:s14+s5], $0x80, v2, vm0, $0xb8;
	[tilespmem:$0x1E200] =	vst v63  }
0x81: {  	s29 =	simm.s32 $0x4200  }
0x82: {  	[tilespmem:s29], [sflag:$0x1] =	stream.indirect_vreg.gather [hbm4b:s15+s5], $0x80, v2, vm0, $0xb8;
	[tilespmem:$0x1E200] =	vst v63  }
0x83: {  	v2 =	vld.msk [tilespmem:$0x180], $0xff;
	_ =	sdelay $0x4  }
0x84: {  	v3 =	vshrl.u32 v2, $0x3  }
0x85: {  	v3 =	vmul.u32 $0x30, v3  }
0x86: {  	v2 =	vand.u32 $0x7, v2  }
0x87: {  	v2 =	vor.u32 v2, v3  }
0x88: {  	v2 =	vperm.xlane v2, v0;
	_ =	sdelay $0x1  }
0x89: {  	v2 =	vadd.s32 v1, v2;
	_ =	sdelay $0x3  }
0x8a: {  	s30 =	simm.s32 $0x4A00  }
0x8b: {  	[tilespmem:s30], [sflag:$0x1] =	stream.indirect_vreg.gather [hbm4b:s1+s5], $0x80, v2, vm0, $0xb8;
	[tilespmem:$0x1E200] =	vst v63  }
0x8c: {  	s9 =	simm.s32 $0x5200  }
0x8d: {  	[tilespmem:s9], [sflag:$0x1] =	stream.indirect_vreg.gather [hbm4b:s14+s5], $0x80, v2, vm0, $0xb8;
	[tilespmem:$0x1E200] =	vst v63  }
0x8e: {  	s11 =	simm.s32 $0x5A00  }
0x8f: {  	[tilespmem:s11], [sflag:$0x1] =	stream.indirect_vreg.gather [hbm4b:s15+s5], $0x80, v2, vm0, $0xb8;
	[tilespmem:$0x1E200] =	vst v63  }
0x90: {  	v2 =	vld.msk [tilespmem:$0x8], $0xff;
	_ =	sdelay $0x4  }
0x91: {  	v3 =	vshrl.u32 v2, $0x3  }
0x92: {  	v3 =	vmul.u32 $0x30, v3  }
0x93: {  	v2 =	vand.u32 $0x7, v2  }
0x94: {  	v2 =	vor.u32 v2, v3  }
0x95: {  	v2 =	vperm.xlane v2, v0;
	_ =	sdelay $0x1  }
0x96: {  	v2 =	vadd.s32 v1, v2;
	_ =	sdelay $0x3  }
0x97: {  	s12 =	simm.s32 $0x6200  }
0x98: {  	[tilespmem:s12], [sflag:$0x2] =	stream.indirect_vreg.gather [hbm4b:s1+s5], $0x80, v2, vm0, $0xb8;
	[tilespmem:$0x1E200] =	vst v63  }
0x99: {  	s19 =	simm.s32 $0x6A00  }
0x9a: {  	[tilespmem:s19], [sflag:$0x2] =	stream.indirect_vreg.gather [hbm4b:s14+s5], $0x80, v2, vm0, $0xb8;
	[tilespmem:$0x1E200] =	vst v63  }
0x9b: {  	s20 =	simm.s32 $0x7200  }
0x9c: {  	[tilespmem:s20], [sflag:$0x2] =	stream.indirect_vreg.gather [hbm4b:s15+s5], $0x80, v2, vm0, $0xb8;
	[tilespmem:$0x1E200] =	vst v63  }
0x9d: {  	v2 =	vld.msk [tilespmem:$0x88], $0xff;
	_ =	sdelay $0x4  }
0x9e: {  	v3 =	vshrl.u32 v2, $0x3  }
0x9f: {  	v3 =	vmul.u32 $0x30, v3  }
0xa0: {  	v2 =	vand.u32 $0x7, v2  }
0xa1: {  	v2 =	vor.u32 v2, v3  }
0xa2: {  	v2 =	vperm.xlane v2, v0;
	_ =	sdelay $0x1  }
0xa3: {  	v2 =	vadd.s32 v1, v2;
	_ =	sdelay $0x3  }
0xa4: {  	s21 =	simm.s32 $0x7A00  }
0xa5: {  	[tilespmem:s21], [sflag:$0x2] =	stream.indirect_vreg.gather [hbm4b:s1+s5], $0x80, v2, vm0, $0xb8;
	[tilespmem:$0x1E200] =	vst v63  }
0xa6: {  	s22 =	simm.s32 $0x8200  }
0xa7: {  	[tilespmem:s22], [sflag:$0x2] =	stream.indirect_vreg.gather [hbm4b:s14+s5], $0x80, v2, vm0, $0xb8;
	[tilespmem:$0x1E200] =	vst v63  }
0xa8: {  	s24 =	simm.s32 $0x8A00  }
0xa9: {  	[tilespmem:s24], [sflag:$0x2] =	stream.indirect_vreg.gather [hbm4b:s15+s5], $0x80, v2, vm0, $0xb8;
	[tilespmem:$0x1E200] =	vst v63  }
0xaa: {  	v2 =	vld.msk [tilespmem:$0x108], $0xff;
	_ =	sdelay $0x4  }
0xab: {  	v3 =	vshrl.u32 v2, $0x3  }
0xac: {  	v3 =	vmul.u32 $0x30, v3  }
0xad: {  	v2 =	vand.u32 $0x7, v2  }
0xae: {  	v2 =	vor.u32 v2, v3  }
0xaf: {  	v2 =	vperm.xlane v2, v0;
	_ =	sdelay $0x1  }
0xb0: {  	v2 =	vadd.s32 v1, v2;
	_ =	sdelay $0x3  }
0xb1: {  	s25 =	simm.s32 $0x9200  }
0xb2: {  	[tilespmem:s25], [sflag:$0x2] =	stream.indirect_vreg.gather [hbm4b:s1+s5], $0x80, v2, vm0, $0xb8;
	[tilespmem:$0x1E200] =	vst v63  }
0xb3: {  	s26 =	simm.s32 $0x9A00  }
0xb4: {  	[tilespmem:s26], [sflag:$0x2] =	stream.indirect_vreg.gather [hbm4b:s14+s5], $0x80, v2, vm0, $0xb8;
	[tilespmem:$0x1E200] =	vst v63  }
0xb5: {  	s28 =	simm.s32 $0xA200  }
0xb6: {  	[tilespmem:s28], [sflag:$0x2] =	stream.indirect_vreg.gather [hbm4b:s15+s5], $0x80, v2, vm0, $0xb8;
	[tilespmem:$0x1E200] =	vst v63  }
0xb7: {  	v2 =	vld.msk [tilespmem:$0x188], $0xff;
	_ =	sdelay $0x4  }
0xb8: {  	v3 =	vshrl.u32 v2, $0x3  }
0xb9: {  	v3 =	vmul.u32 $0x30, v3  }
0xba: {  	v2 =	vand.u32 $0x7, v2  }
0xbb: {  	v2 =	vor.u32 v2, v3  }
0xbc: {  	v2 =	vperm.xlane v2, v0;
	_ =	sdelay $0x1  }
0xbd: {  	v2 =	vadd.s32 v1, v2;
	_ =	sdelay $0x3  }
0xbe: {  	s29 =	simm.s32 $0xAA00  }
0xbf: {  	[tilespmem:s29], [sflag:$0x2] =	stream.indirect_vreg.gather [hbm4b:s1+s5], $0x80, v2, vm0, $0xb8;
	[tilespmem:$0x1E200] =	vst v63  }
0xc0: {  	s30 =	simm.s32 $0xB200  }
0xc1: {  	[tilespmem:s30], [sflag:$0x2] =	stream.indirect_vreg.gather [hbm4b:s14+s5], $0x80, v2, vm0, $0xb8;
	[tilespmem:$0x1E200] =	vst v63  }
0xc2: {  	s9 =	simm.s32 $0xBA00  }
0xc3: {  	[tilespmem:s9], [sflag:$0x2] =	stream.indirect_vreg.gather [hbm4b:s15+s5], $0x80, v2, vm0, $0xb8;
	[tilespmem:$0x1E200] =	vst v63  }
0xc4: {  	v2 =	vld.msk [tilespmem:$0x10], $0xff;
	_ =	sdelay $0x4  }
0xc5: {  	v3 =	vshrl.u32 v2, $0x3  }
0xc6: {  	v3 =	vmul.u32 $0x30, v3  }
0xc7: {  	v2 =	vand.u32 $0x7, v2  }
0xc8: {  	v2 =	vor.u32 v2, v3  }
0xc9: {  	v2 =	vperm.xlane v2, v0;
	_ =	sdelay $0x1  }
0xca: {  	v2 =	vadd.s32 v1, v2;
	_ =	sdelay $0x3  }
0xcb: {  	s11 =	simm.s32 $0xC200  }
0xcc: {  	[tilespmem:s11], [sflag:$0x3] =	stream.indirect_vreg.gather [hbm4b:s1+s5], $0x80, v2, vm0, $0xb8;
	[tilespmem:$0x1E200] =	vst v63  }
0xcd: {  	s12 =	simm.s32 $0xCA00  }
0xce: {  	[tilespmem:s12], [sflag:$0x3] =	stream.indirect_vreg.gather [hbm4b:s14+s5], $0x80, v2, vm0, $0xb8;
	[tilespmem:$0x1E200] =	vst v63  }
0xcf: {  	s19 =	simm.s32 $0xD200  }
0xd0: {  	[tilespmem:s19], [sflag:$0x3] =	stream.indirect_vreg.gather [hbm4b:s15+s5], $0x80, v2, vm0, $0xb8;
	[tilespmem:$0x1E200] =	vst v63  }
0xd1: {  	v2 =	vld.msk [tilespmem:$0x90], $0xff;
	_ =	sdelay $0x4  }
0xd2: {  	v3 =	vshrl.u32 v2, $0x3  }
0xd3: {  	v3 =	vmul.u32 $0x30, v3  }
0xd4: {  	v2 =	vand.u32 $0x7, v2  }
0xd5: {  	v2 =	vor.u32 v2, v3  }
0xd6: {  	v2 =	vperm.xlane v2, v0;
	_ =	sdelay $0x1  }
0xd7: {  	v2 =	vadd.s32 v1, v2;
	_ =	sdelay $0x3  }
0xd8: {  	s20 =	simm.s32 $0xDA00  }
0xd9: {  	[tilespmem:s20], [sflag:$0x3] =	stream.indirect_vreg.gather [hbm4b:s1+s5], $0x80, v2, vm0, $0xb8;
	[tilespmem:$0x1E200] =	vst v63  }
0xda: {  	s21 =	simm.s32 $0xE200  }
0xdb: {  	[tilespmem:s21], [sflag:$0x3] =	stream.indirect_vreg.gather [hbm4b:s14+s5], $0x80, v2, vm0, $0xb8;
	[tilespmem:$0x1E200] =	vst v63  }
0xdc: {  	s22 =	simm.s32 $0xEA00  }
0xdd: {  	[tilespmem:s22], [sflag:$0x3] =	stream.indirect_vreg.gather [hbm4b:s15+s5], $0x80, v2, vm0, $0xb8;
	[tilespmem:$0x1E200] =	vst v63  }
0xde: {  	v2 =	vld.msk [tilespmem:$0x110], $0xff;
	_ =	sdelay $0x4  }
0xdf: {  	v3 =	vshrl.u32 v2, $0x3  }
0xe0: {  	v3 =	vmul.u32 $0x30, v3  }
0xe1: {  	v2 =	vand.u32 $0x7, v2  }
0xe2: {  	v2 =	vor.u32 v2, v3  }
0xe3: {  	v2 =	vperm.xlane v2, v0;
	_ =	sdelay $0x1  }
0xe4: {  	v2 =	vadd.s32 v1, v2;
	_ =	sdelay $0x3  }
0xe5: {  	s24 =	simm.s32 $0xF200  }
0xe6: {  	[tilespmem:s24], [sflag:$0x3] =	stream.indirect_vreg.gather [hbm4b:s1+s5], $0x80, v2, vm0, $0xb8;
	[tilespmem:$0x1E200] =	vst v63  }
0xe7: {  	s25 =	simm.s32 $0xFA00  }
0xe8: {  	[tilespmem:s25], [sflag:$0x3] =	stream.indirect_vreg.gather [hbm4b:s14+s5], $0x80, v2, vm0, $0xb8;
	[tilespmem:$0x1E200] =	vst v63  }
0xe9: {  	s26 =	simm.s32 $0x10200  }
0xea: {  	[tilespmem:s26], [sflag:$0x3] =	stream.indirect_vreg.gather [hbm4b:s15+s5], $0x80, v2, vm0, $0xb8;
	[tilespmem:$0x1E200] =	vst v63  }
0xeb: {  	v2 =	vld.msk [tilespmem:$0x190], $0xff;
	_ =	sdelay $0x4  }
0xec: {  	v3 =	vshrl.u32 v2, $0x3  }
0xed: {  	v3 =	vmul.u32 $0x30, v3  }
0xee: {  	v2 =	vand.u32 $0x7, v2  }
0xef: {  	v2 =	vor.u32 v2, v3  }
0xf0: {  	v2 =	vperm.xlane v2, v0;
	_ =	sdelay $0x1  }
0xf1: {  	v2 =	vadd.s32 v1, v2;
	_ =	sdelay $0x3  }
0xf2: {  	s28 =	simm.s32 $0x10A00  }
0xf3: {  	[tilespmem:s28], [sflag:$0x3] =	stream.indirect_vreg.gather [hbm4b:s1+s5], $0x80, v2, vm0, $0xb8;
	[tilespmem:$0x1E200] =	vst v63  }
.Ltmp2:
0xf4: {  	_ = 	snop;
	(pc) =	sbr.rel .LBB2_2-.Ltmp2, $4  }
0xf5: {  	s29 =	simm.s32 $0x11200  }
0xf6: {  	[tilespmem:s29], [sflag:$0x3] =	stream.indirect_vreg.gather [hbm4b:s14+s5], $0x80, v2, vm0, $0xb8;
	[tilespmem:$0x1E200] =	vst v63  }
0xf7: {  	s30 =	simm.s32 $0x11A00;
	s19 =	simm.s32 $0x0;
	s20 =	simm.s32 $0x0  }
0xf8: {  	[tilespmem:s30], [sflag:$0x3] =	stream.indirect_vreg.gather [hbm4b:s15+s5], $0x80, v2, vm0, $0xb8;
	[tilespmem:$0x1E200] =	vst v63  }
.LBB2_8:
0xf9: {  	s20 =	sadd.s32 $0x1, s20  }
0xfa: {  	p0 =	sne.s32 s20, $0x8  }
.Ltmp3:
0xfb: {  	_ = 	snop;
	(pc) =	sbr.rel @!p0 .LBB2_9-.Ltmp3, $2  }
0xfc: {  	_ =	sdelay $0x2  }
0xfd: {  	s19 =	sadd.s32 $0x1, s19  }
.LBB2_2:
0xfe: {  	s21 =	sand.u32 $0x3, s20  }
0xff: {  	s8 =	sadd.s32 $0x5, s21  }
0x100: {  	_ =	swait.ge [sflag:s8], $0x1800  }
0x101: {  	[sflag:s8] =	ssyncset.done $0x0  }
0x102: {  	s26 =	sadd.s32 $0x1, s21;
	[sflag:s8] =	ssyncadd.s32 $0xFFFFE800  }
0x103: {  	_ =	swait.ge [sflag:s26], $0x1800  }
0x104: {  	[sflag:s26] =	ssyncset.done $0x0  }
0x105: {  	[sflag:s26] =	ssyncadd.s32 $0xFFFFE800  }
0x106: {  	_ =	swait.ge [sflag:s26], $0x1800  }
0x107: {  	s9 =	sand.u32 $0x3, s19;
	[sflag:s26] =	ssyncset.done $0x0  }
0x108: {  	s11 =	smul.u32 $0x18000, s9;
	[sflag:s26] =	ssyncadd.s32 $0xFFFFE800  }
0x109: {  	s9 =	smul.u32 $0x6000, s9;
	_ =	swait.ge [sflag:s26], $0x1800  }
0x10a: {  	s30 =	simm.s32 $0x0;
	s22 =	smul.u32 $0x6000, s21;
	[sflag:s26] =	ssyncset.done $0x0  }
0x10b: {  	s11 =	sshrl.u32 s11, $0x2;
	s9 =	sshrl.u32 s9, $0x2;
	[sflag:s26] =	ssyncadd.s32 $0xFFFFE800  }
0x10c: {  	s25 =	sor.u32 $0x200, s22;
	s24 =	sadd.s32 $0x3200, s22;
	_ =	swait.ge [sflag:s26], $0x1800  }
0x10d: {  	s28 =	sor.u32 $0x200, s11;
	s29 =	sor.u32 $0x18240, s9;
	[sflag:s26] =	ssyncset.done $0x0  }
0x10e: {  	[sflag:s26] =	ssyncadd.s32 $0xFFFFE800;
	s26 =	sor.u32 $0x1A00, s22;
	s22 =	sadd.s32 $0x4A00, s22  }
.LBB2_3:
0x10f: {  	v2 =	vmov s29;
	_ =	sdelay $0x3  }
0x110: {  	s9 =	simm.s32 $0x0  }
0x111: {  	v3 =	vld.idx.msk [tilespmem:v2+s9+$0xFFFFFFC0 ss:$0x1], $0xffff;
	_ =	sdelay $0x3  }
0x112: {  	s8 =	sadd.s32 $0x0, s28  }
0x113: {  	[tilespmem:s8+$0x4800] =	vst.add.f32.msk $0xffff, v3  }
0x114: {  	[tilespmem:s8+$0x3000] =	vst.add.f32.msk $0xffff, v3  }
0x115: {  	[tilespmem:s8+$0x0] =	vst.add.f32.msk $0xffff, v3  }
0x116: {  	[tilespmem:s8+$0x1800] =	vst.add.f32.msk $0xffff, v3  }
0x117: {  	v3 =	vld.idx.msk [tilespmem:v2+s9+$0xFFFFFFD0 ss:$0x1], $0xffff;
	_ =	sdelay $0x4  }
0x118: {  	[tilespmem:s8+$0x10] =	vst.add.f32.msk $0xffff, v3  }
0x119: {  	[tilespmem:s8+$0x1810] =	vst.add.f32.msk $0xffff, v3  }
0x11a: {  	[tilespmem:s8+$0x4810] =	vst.add.f32.msk $0xffff, v3  }
0x11b: {  	[tilespmem:s8+$0x3010] =	vst.add.f32.msk $0xffff, v3  }
0x11c: {  	v3 =	vld.idx.msk [tilespmem:v2+s9+$0xFFFFFFE0 ss:$0x1], $0xffff;
	_ =	sdelay $0x4  }
0x11d: {  	[tilespmem:s8+$0x4820] =	vst.add.f32.msk $0xffff, v3  }
0x11e: {  	[tilespmem:s8+$0x1820] =	vst.add.f32.msk $0xffff, v3  }
0x11f: {  	[tilespmem:s8+$0x20] =	vst.add.f32.msk $0xffff, v3  }
0x120: {  	[tilespmem:s8+$0x3020] =	vst.add.f32.msk $0xffff, v3  }
0x121: {  	v3 =	vld.idx.msk [tilespmem:v2+s9+$0xFFFFFFF0 ss:$0x1], $0xffff;
	_ =	sdelay $0x4  }
0x122: {  	[tilespmem:s8+$0x4830] =	vst.add.f32.msk $0xffff, v3  }
0x123: {  	[tilespmem:s8+$0x30] =	vst.add.f32.msk $0xffff, v3  }
0x124: {  	[tilespmem:s8+$0x1830] =	vst.add.f32.msk $0xffff, v3  }
0x125: {  	[tilespmem:s8+$0x3030] =	vst.add.f32.msk $0xffff, v3  }
0x126: {  	v3 =	vld.idx.msk [tilespmem:v2+s9+$0x0 ss:$0x1], $0xffff;
	_ =	sdelay $0x4  }
0x127: {  	[tilespmem:s8+$0x1840] =	vst.add.f32.msk $0xffff, v3  }
0x128: {  	[tilespmem:s8+$0x4840] =	vst.add.f32.msk $0xffff, v3  }
0x129: {  	[tilespmem:s8+$0x40] =	vst.add.f32.msk $0xffff, v3  }
0x12a: {  	[tilespmem:s8+$0x3040] =	vst.add.f32.msk $0xffff, v3  }
0x12b: {  	s11 =	simm.s32 $0x1000;
	v3 =	vld.idx.msk [tilespmem:v2+s9+$0x10 ss:$0x1], $0xffff  }
.LBB2_4:
0x12c: {  	_ =	sdelay $0x2  }
0x12d: {  	p0 =	sne.s32 s11, $0x5000;
	s12 =	smov.u32 s11;
	s11 =	sadd.s32 $0x1000, s11  }
0x12e: {  	[tilespmem:s8+$0x50] =	vst.add.f32.msk $0xffff, v3  }
0x12f: {  	[tilespmem:s8+$0x1850] =	vst.add.f32.msk $0xffff, v3  }
0x130: {  	[tilespmem:s8+$0x4850] =	vst.add.f32.msk $0xffff, v3  }
0x131: {  	[tilespmem:s8+$0x3050] =	vst.add.f32.msk $0xffff, v3  }
0x132: {  	v3 =	vld.idx.msk [tilespmem:v2+s9+$0x20 ss:$0x1], $0xffff;
	_ =	sdelay $0x5  }
0x133: {  	[tilespmem:s8+$0x4860] =	vst.add.f32.msk $0xffff, v3  }
0x134: {  	[tilespmem:s8+$0x60] =	vst.add.f32.msk $0xffff, v3  }
0x135: {  	[tilespmem:s8+$0x1860] =	vst.add.f32.msk $0xffff, v3  }
0x136: {  	[tilespmem:s8+$0x3060] =	vst.add.f32.msk $0xffff, v3  }
0x137: {  	v3 =	vld.idx.msk [tilespmem:v2+s9+$0x30 ss:$0x1], $0xffff;
	_ =	sdelay $0x5  }
0x138: {  	[tilespmem:s8+$0x70] =	vst.add.f32.msk $0xffff, v3  }
0x139: {  	[tilespmem:s8+$0x4870] =	vst.add.f32.msk $0xffff, v3  }
0x13a: {  	[tilespmem:s8+$0x3070] =	vst.add.f32.msk $0xffff, v3  }
0x13b: {  	s9 =	sshra.s32 s12, $0x2;
	[tilespmem:s8+$0x1870] =	vst.add.f32.msk $0xffff, v3  }
0x13c: {  	v3 =	vld.idx.msk [tilespmem:v2+s9+$0xFFFFFFC0 ss:$0x1], $0xffff;
	_ =	sdelay $0x4  }
0x13d: {  	s8 =	sadd.s32 s9, s28  }
0x13e: {  	[tilespmem:s8+$0x4800] =	vst.add.f32.msk $0xffff, v3  }
0x13f: {  	[tilespmem:s8+$0x3000] =	vst.add.f32.msk $0xffff, v3  }
0x140: {  	[tilespmem:s8+$0x0] =	vst.add.f32.msk $0xffff, v3  }
0x141: {  	[tilespmem:s8+$0x1800] =	vst.add.f32.msk $0xffff, v3  }
0x142: {  	v3 =	vld.idx.msk [tilespmem:v2+s9+$0xFFFFFFD0 ss:$0x1], $0xffff;
	_ =	sdelay $0x5  }
0x143: {  	[tilespmem:s8+$0x10] =	vst.add.f32.msk $0xffff, v3  }
0x144: {  	[tilespmem:s8+$0x1810] =	vst.add.f32.msk $0xffff, v3  }
0x145: {  	[tilespmem:s8+$0x4810] =	vst.add.f32.msk $0xffff, v3  }
0x146: {  	[tilespmem:s8+$0x3010] =	vst.add.f32.msk $0xffff, v3  }
0x147: {  	v3 =	vld.idx.msk [tilespmem:v2+s9+$0xFFFFFFE0 ss:$0x1], $0xffff;
	_ =	sdelay $0x5  }
0x148: {  	[tilespmem:s8+$0x4820] =	vst.add.f32.msk $0xffff, v3  }
0x149: {  	[tilespmem:s8+$0x1820] =	vst.add.f32.msk $0xffff, v3  }
0x14a: {  	[tilespmem:s8+$0x20] =	vst.add.f32.msk $0xffff, v3  }
0x14b: {  	[tilespmem:s8+$0x3020] =	vst.add.f32.msk $0xffff, v3  }
0x14c: {  	v3 =	vld.idx.msk [tilespmem:v2+s9+$0xFFFFFFF0 ss:$0x1], $0xffff;
	_ =	sdelay $0x5  }
0x14d: {  	[tilespmem:s8+$0x4830] =	vst.add.f32.msk $0xffff, v3  }
0x14e: {  	[tilespmem:s8+$0x30] =	vst.add.f32.msk $0xffff, v3  }
0x14f: {  	[tilespmem:s8+$0x1830] =	vst.add.f32.msk $0xffff, v3  }
0x150: {  	[tilespmem:s8+$0x3030] =	vst.add.f32.msk $0xffff, v3  }
0x151: {  	v3 =	vld.idx.msk [tilespmem:v2+s9+$0x0 ss:$0x1], $0xffff;
	_ =	sdelay $0x5  }
.Ltmp4:
0x152: {  	[tilespmem:s8+$0x1840] =	vst.add.f32.msk $0xffff, v3;
	(pc) =	sbr.rel @p0 .LBB2_4-.Ltmp4, $4  }
0x153: {  	[tilespmem:s8+$0x4840] =	vst.add.f32.msk $0xffff, v3  }
0x154: {  	[tilespmem:s8+$0x40] =	vst.add.f32.msk $0xffff, v3  }
0x155: {  	[tilespmem:s8+$0x3040] =	vst.add.f32.msk $0xffff, v3  }
0x156: {  	v3 =	vld.idx.msk [tilespmem:v2+s9+$0x10 ss:$0x1], $0xffff  }
0x157: {  	_ =	sdelay $0x3  }
0x158: {  	[tilespmem:s8+$0x50] =	vst.add.f32.msk $0xffff, v3  }
0x159: {  	[tilespmem:s8+$0x1850] =	vst.add.f32.msk $0xffff, v3  }
0x15a: {  	[tilespmem:s8+$0x4850] =	vst.add.f32.msk $0xffff, v3  }
0x15b: {  	[tilespmem:s8+$0x3050] =	vst.add.f32.msk $0xffff, v3  }
0x15c: {  	v3 =	vld.idx.msk [tilespmem:v2+s9+$0x20 ss:$0x1], $0xffff;
	_ =	sdelay $0x4  }
0x15d: {  	[tilespmem:s8+$0x4860] =	vst.add.f32.msk $0xffff, v3  }
0x15e: {  	[tilespmem:s8+$0x60] =	vst.add.f32.msk $0xffff, v3  }
0x15f: {  	[tilespmem:s8+$0x1860] =	vst.add.f32.msk $0xffff, v3  }
0x160: {  	[tilespmem:s8+$0x3060] =	vst.add.f32.msk $0xffff, v3  }
0x161: {  	v2 =	vld.idx.msk [tilespmem:v2+s9+$0x30 ss:$0x1], $0xffff;
	_ =	sdelay $0x1  }
0x162: {  	s30 =	sadd.s32 $0x1, s30  }
0x163: {  	p0 =	sne.s32 s30, $0x8  }
.Ltmp5:
0x164: {  	_ = 	snop;
	(pc) =	sbr.rel @p0 .LBB2_3-.Ltmp5, $4  }
0x165: {  	[tilespmem:s8+$0x70] =	vst.add.f32.msk $0xffff, v2  }
0x166: {  	[tilespmem:s8+$0x4870] =	vst.add.f32.msk $0xffff, v2  }
0x167: {  	[tilespmem:s8+$0x3070] =	vst.add.f32.msk $0xffff, v2  }
0x168: {  	s28 =	sadd.s32 $0x80, s28;
	s29 =	sadd.s32 $0x80, s29;
	[tilespmem:s8+$0x1870] =	vst.add.f32.msk $0xffff, v2  }
0x169: {  	s8 =	sor.u32 s6, s20  }
0x16a: {  	s8 =	smul.u32 $0x1800, s8;
	_ =	sdelay $0x1  }
0x16b: {  	s8 =	sshrl.u32 s8, $0x3  }
0x16c: {  	s9 =	sadd.s32 $0x9, s21;
	s8 =	sadd.s32 s4, s8  }
0x16d: {  	[hbm4b:s8+s5] =	stream.linear.scatter [tilespmem:s25], [sflag:s9], $0x1800, $0x38;
	[tilespmem:$0x1E200] =	vst v63  }
0x16e: {  	p0 =	sgt.u32 s20, $0x4;
	s11 =	sadd.s32 $0x30000, s8  }
0x16f: {  	[hbm4b:s11+s5] =	stream.linear.scatter [tilespmem:s26], [sflag:s9], $0x1800, $0x38;
	[tilespmem:$0x1E200] =	vst v63  }
.Ltmp6:
0x170: {  	_ = 	snop;
	(pc) =	sbr.rel @p0 .LBB2_8-.Ltmp6, $4  }
0x171: {  	s30 =	sadd.s32 $0x60000, s8  }
0x172: {  	[hbm4b:s30+s5] =	stream.linear.scatter [tilespmem:s24], [sflag:s9], $0x1800, $0x38;
	[tilespmem:$0x1E200] =	vst v63  }
0x173: {  	s8 =	sadd.s32 $0x90000, s8  }
0x174: {  	[hbm4b:s8+s5] =	stream.linear.scatter [tilespmem:s22], [sflag:s9], $0x1800, $0x38;
	[tilespmem:$0x1E200] =	vst v63  }
0x175: {  	s8 =	sadd.s32 $0x3, s20;
	p0 =	seq.s32 s20, $0x0  }
0x176: {  	s9 =	sand.u32 @!p0 $0x3, s8  }
0x177: {  	s11 =	sadd.s32 @!p0 $0x9, s9  }
0x178: {  	_ =	swait.ge @!p0 [sflag:s11], $0x1800  }
0x179: {  	[sflag:s11] =	ssyncset.done @!p0 $0x0  }
0x17a: {  	[sflag:s11] =	ssyncadd.s32 @!p0 $0xFFFFE800  }
0x17b: {  	_ =	swait.ge @!p0 [sflag:s11], $0x1800  }
0x17c: {  	[sflag:s11] =	ssyncset.done @!p0 $0x0  }
0x17d: {  	[sflag:s11] =	ssyncadd.s32 @!p0 $0xFFFFE800  }
0x17e: {  	_ =	swait.ge @!p0 [sflag:s11], $0x1800  }
0x17f: {  	s9 =	simm.s32 @p0 $0x3;
	[sflag:s11] =	ssyncset.done @!p0 $0x0  }
0x180: {  	s12 =	sadd.s32 s6, s8;
	s21 =	smul.u32 $0x6000, s9;
	[sflag:s11] =	ssyncadd.s32 @!p0 $0xFFFFE800  }
0x181: {  	s8 =	sshll.u32 s8, $0x3;
	s12 =	smul.u32 $0x300, s12;
	_ =	swait.ge @!p0 [sflag:s11], $0x1800  }
0x182: {  	s22 =	sadd.s32 $0x5, s9;
	s25 =	sshrl.u32 s21, $0x2;
	[sflag:s11] =	ssyncset.done @!p0 $0x0  }
0x183: {  	s12 =	sadd.s32 s3, s12;
	[sflag:s11] =	ssyncadd.s32 @!p0 $0xFFFFE800;
	s11 =	sor.u32 $0x18200, s25  }
0x184: {  	[tilespmem:s11], [sflag:s22] =	stream.linear.gather [hbm4b:s12+s5], $0x1800, $0x38;
	[tilespmem:$0x1E200] =	vst v63  }
0x185: {  	v2 =	vld.msk [tilespmem:s8+$0x0], $0xff;
	_ =	sdelay $0x4  }
0x186: {  	v3 =	vshrl.u32 v2, $0x3  }
0x187: {  	v3 =	vmul.u32 $0x30, v3  }
0x188: {  	v2 =	vand.u32 $0x7, v2  }
0x189: {  	v2 =	vor.u32 v2, v3  }
0x18a: {  	v2 =	vperm.xlane v2, v0;
	_ =	sdelay $0x1  }
0x18b: {  	v2 =	vadd.s32 v1, v2;
	_ =	sdelay $0x3  }
0x18c: {  	s9 =	sadd.s32 $0x1, s9;
	s26 =	sor.u32 $0x200, s21  }
0x18d: {  	[tilespmem:s26], [sflag:s9] =	stream.indirect_vreg.gather [hbm4b:s1+s5], $0x80, v2, vm0, $0xb8;
	[tilespmem:$0x1E200] =	vst v63  }
0x18e: {  	s28 =	sor.u32 $0xA00, s21  }
0x18f: {  	[tilespmem:s28], [sflag:s9] =	stream.indirect_vreg.gather [hbm4b:s14+s5], $0x80, v2, vm0, $0xb8;
	[tilespmem:$0x1E200] =	vst v63  }
0x190: {  	s29 =	sor.u32 $0x1200, s21  }
0x191: {  	[tilespmem:s29], [sflag:s9] =	stream.indirect_vreg.gather [hbm4b:s15+s5], $0x80, v2, vm0, $0xb8;
	[tilespmem:$0x1E200] =	vst v63  }
0x192: {  	v2 =	vld.msk [tilespmem:s8+$0x80], $0xff;
	_ =	sdelay $0x4  }
0x193: {  	v3 =	vshrl.u32 v2, $0x3  }
0x194: {  	v3 =	vmul.u32 $0x30, v3  }
0x195: {  	v2 =	vand.u32 $0x7, v2  }
0x196: {  	v2 =	vor.u32 v2, v3  }
0x197: {  	v2 =	vperm.xlane v2, v0;
	_ =	sdelay $0x1  }
0x198: {  	v2 =	vadd.s32 v1, v2;
	_ =	sdelay $0x3  }
0x199: {  	s30 =	sor.u32 $0x1A00, s21  }
0x19a: {  	[tilespmem:s30], [sflag:s9] =	stream.indirect_vreg.gather [hbm4b:s1+s5], $0x80, v2, vm0, $0xb8;
	[tilespmem:$0x1E200] =	vst v63  }
0x19b: {  	s12 =	sadd.s32 $0x2200, s21  }
0x19c: {  	[tilespmem:s12], [sflag:s9] =	stream.indirect_vreg.gather [hbm4b:s14+s5], $0x80, v2, vm0, $0xb8;
	[tilespmem:$0x1E200] =	vst v63  }
0x19d: {  	s22 =	sadd.s32 $0x2A00, s21  }
0x19e: {  	[tilespmem:s22], [sflag:s9] =	stream.indirect_vreg.gather [hbm4b:s15+s5], $0x80, v2, vm0, $0xb8;
	[tilespmem:$0x1E200] =	vst v63  }
0x19f: {  	v2 =	vld.msk [tilespmem:s8+$0x100], $0xff;
	_ =	sdelay $0x4  }
0x1a0: {  	v3 =	vshrl.u32 v2, $0x3  }
0x1a1: {  	v3 =	vmul.u32 $0x30, v3  }
0x1a2: {  	v2 =	vand.u32 $0x7, v2  }
0x1a3: {  	v2 =	vor.u32 v2, v3  }
0x1a4: {  	v2 =	vperm.xlane v2, v0;
	_ =	sdelay $0x1  }
0x1a5: {  	v2 =	vadd.s32 v1, v2;
	_ =	sdelay $0x3  }
0x1a6: {  	s24 =	sadd.s32 $0x3200, s21  }
0x1a7: {  	[tilespmem:s24], [sflag:s9] =	stream.indirect_vreg.gather [hbm4b:s1+s5], $0x80, v2, vm0, $0xb8;
	[tilespmem:$0x1E200] =	vst v63  }
0x1a8: {  	s25 =	sadd.s32 $0x3A00, s21  }
0x1a9: {  	[tilespmem:s25], [sflag:s9] =	stream.indirect_vreg.gather [hbm4b:s14+s5], $0x80, v2, vm0, $0xb8;
	[tilespmem:$0x1E200] =	vst v63  }
0x1aa: {  	s26 =	sadd.s32 $0x4200, s21  }
0x1ab: {  	[tilespmem:s26], [sflag:s9] =	stream.indirect_vreg.gather [hbm4b:s15+s5], $0x80, v2, vm0, $0xb8;
	[tilespmem:$0x1E200] =	vst v63  }
0x1ac: {  	v2 =	vld.msk [tilespmem:s8+$0x180], $0xff;
	_ =	sdelay $0x4  }
0x1ad: {  	v3 =	vshrl.u32 v2, $0x3  }
0x1ae: {  	v3 =	vmul.u32 $0x30, v3  }
0x1af: {  	v2 =	vand.u32 $0x7, v2  }
0x1b0: {  	v2 =	vor.u32 v2, v3  }
0x1b1: {  	v2 =	vperm.xlane v2, v0;
	_ =	sdelay $0x1  }
0x1b2: {  	v2 =	vadd.s32 v1, v2;
	_ =	sdelay $0x3  }
0x1b3: {  	s28 =	sadd.s32 $0x4A00, s21  }
0x1b4: {  	[tilespmem:s28], [sflag:s9] =	stream.indirect_vreg.gather [hbm4b:s1+s5], $0x80, v2, vm0, $0xb8;
	[tilespmem:$0x1E200] =	vst v63  }
.Ltmp7:
0x1b5: {  	_ = 	snop;
	(pc) =	sbr.rel .LBB2_8-.Ltmp7, $4  }
0x1b6: {  	s29 =	sadd.s32 $0x5200, s21  }
0x1b7: {  	[tilespmem:s29], [sflag:s9] =	stream.indirect_vreg.gather [hbm4b:s14+s5], $0x80, v2, vm0, $0xb8;
	[tilespmem:$0x1E200] =	vst v63  }
0x1b8: {  	s30 =	sadd.s32 $0x5A00, s21  }
0x1b9: {  	[tilespmem:s30], [sflag:s9] =	stream.indirect_vreg.gather [hbm4b:s15+s5], $0x80, v2, vm0, $0xb8;
	[tilespmem:$0x1E200] =	vst v63  }
.LBB2_10:
0x1ba: {  	_ =	sfence.sel $0x180000  }
0x1bb: {  	[bflag:$0x0] =	sbarrier.arrive $0xFFFF  }
0x1bc: {  	_ =	strace $0x90000047  }
0x1bd: {  	s0 =	stileid.u32;
	[bflag:$0x2] =	sbarrier.arrive $0xFFFF  }
0x1be: {  	p0 =	sne.s32 s0, $0x0;
	s0 =	rddreg [dreg:$0x4]  }
0x1bf: {  	s0 =	sadd.s32 @!p0 $0x100000, s0  }
0x1c0: {  	[sflag:s0] =	ssyncadd.tile.s32 @!p0 $0x1;
	_ =	shalt  }
.Lfunc_end2:
_tile_overlayer_lowered:
.L_overlay_start_2:
0x1c1: {  	(tag) =	ssettag $0x2  }
0x1c2: {  	s0 =	rddreg [dreg:$0x0];
	s2 =	stileid.u32  }
0x1c3: {  	s1 =	rddreg [dreg:$0x1];
	p0 =	sne.s32 s2, $0x0  }
0x1c4: {  	s3 =	rddreg [dreg:$0x2];
	[bflag:$0x3] =	sbarrier.arrive $0xFFFF;
	s2 =	simm.s32 @!p0 $0x1C0E  }
0x1c5: {  	[timem:s3], [sflag:s2] =	dma.local @!p0 [hbm:s0], s1  }
0x1c6: {  	s0 =	simm.s32 @!p0 $0xE  }
0x1c7: {  	_ =	swait.ge @!p0 [sflag:s0], s1  }
0x1c8: {  	s1 =	ssub.s32 @!p0 $0x0, s1;
	[sflag:s0] =	ssyncset.done @!p0 $0x0  }
0x1c9: {  	[sflag:s0] =	ssyncadd.s32 @!p0 s1  }
0x1ca: {  	[bflag:$0x3] =	sbarrier.arrive $0xFFFF  }
0x1cb: {  	_ =	shalt  }

</sc_bundles>
